<compile_context>
chip_gen: v7x
topology: tpu7x:2x2x1
jax: 0.10.2.dev20260603
libtpu: 0.0.44.dev20260713+nightly
codegen_flags: <defaults>
</compile_context>

<pallas_src>
import functools

import jax
import jax.numpy as jnp
from jax import lax
from jax.experimental import pallas as pl
from jax.experimental.pallas import tpu as pltpu
from jax.experimental.pallas import tpu_sc as plsc

_POOL = 10
_P = _POOL + 1
_N, _C4, _H, _W = 2, 128, 80, 100
_K = _H * _W
_C = _C4 // 4
_CPT = 8
_PPT = _CPT // 2
_NBLK = _C4 // _CPT
_NW = 32
_CHUNK = 2000
_NCHUNK = _K // _CHUNK
_G = 16
_NGRP = _CHUNK // _G

_mesh = plsc.VectorSubcoreMesh(core_axis_name="c", subcore_axis_name="s")
_ILV = plsc.PackFormat.INTERLEAVED


@functools.partial(
    pl.kernel,
    out_type=jax.ShapeDtypeStruct((_N * 4 * _C, _K), jnp.float32),
    mesh=_mesh,
    compiler_params=pltpu.CompilerParams(
        needs_layout_passes=False, use_tc_tiling_on_sc=False),
    scratch_types=[
        [pltpu.VMEM((_K,), jnp.float32)] * _PPT,
        [pltpu.VMEM((_H, _W), jnp.float32)] * 2,
        pltpu.VMEM((4, _K), jnp.float32),
        pltpu.VMEM((_CPT, _CHUNK), jnp.float32),
    ],
)
def _border_align_sc(inp_hbm, boxes_hbm, out_hbm, slabs_v, planes_v, box_v,
                     outc_v):
    wid = lax.axis_index("s") * 2 + lax.axis_index("c")
    n = wid // _NBLK
    blk = wid % _NBLK
    border = blk // 4
    c0 = blk * _CPT

    _COLS = tuple(range(0, _W - _G + 1, _G)) + (_W - _G,)
    for pr in range(_PPT):
        pltpu.sync_copy(inp_hbm.at[n, c0 + 2 * pr], planes_v[0])
        pltpu.sync_copy(inp_hbm.at[n, c0 + 2 * pr + 1], planes_v[1])
        slab = slabs_v[pr]

        def pack_row(r, _, slab=slab):
            base = r * _W
            for col in _COLS:
                a = planes_v[0][r, pl.ds(col, _G)]
                b = planes_v[1][r, pl.ds(col, _G)]
                slab[pl.ds(base + col, _G)] = plsc.bitcast(
                    plsc.pack(a, b, format=_ILV), jnp.float32)
            return 0

        lax.fori_loop(0, _H, pack_row, 0)
    pltpu.sync_copy(boxes_hbm.at[n], box_v)

    bsel = jnp.where(border >= 2, jnp.float32(1.0), jnp.float32(0.0))
    ax = (jnp.where(border == 0, jnp.float32(1.0), jnp.float32(0.0))
          - jnp.where(border == 2, jnp.float32(1.0), jnp.float32(0.0)))
    ay = (jnp.where(border == 1, jnp.float32(1.0), jnp.float32(0.0))
          - jnp.where(border == 3, jnp.float32(1.0), jnp.float32(0.0)))

    def do_group(g, chunk):
        kb = chunk * _CHUNK + g * _G
        x1 = box_v[0, pl.ds(kb, _G)]
        y1 = box_v[1, pl.ds(kb, _G)]
        x2 = box_v[2, pl.ds(kb, _G)]
        y2 = box_v[3, pl.ds(kb, _G)]
        wx = x2 - x1
        wy = y2 - y1
        dx = wx * (ax * (1.0 / _POOL))
        dy = wy * (ay * (1.0 / _POOL))
        x0 = x1 + wx * bsel
        y0 = y1 + wy * bsel
        m = [None] * _PPT
        for p in range(_P):
            x = jnp.maximum(x0 + jnp.float32(p) * dx, 0.0)
            y = jnp.maximum(y0 + jnp.float32(p) * dy, 0.0)
            xl = x.astype(jnp.int32)
            yl = y.astype(jnp.int32)
            xh = jnp.minimum(xl + 1, _W - 1)
            yh = jnp.minimum(yl + 1, _H - 1)
            lx = jnp.where(xl >= _W - 1, jnp.float32(_W - 1), x) - xl.astype(jnp.float32)
            ly = jnp.where(yl >= _H - 1, jnp.float32(_H - 1), y) - yl.astype(jnp.float32)
            hx = 1.0 - lx
            hy = 1.0 - ly
            w11 = plsc.pack(hy * hx, hy * hx, format=_ILV)
            w12 = plsc.pack(hy * lx, hy * lx, format=_ILV)
            w21 = plsc.pack(ly * hx, ly * hx, format=_ILV)
            w22 = plsc.pack(ly * lx, ly * lx, format=_ILV)
            rl = yl * _W
            rh = yh * _W
            i11 = rl + xl
            i12 = rl + xh
            i21 = rh + xl
            i22 = rh + xh
            for pr in range(_PPT):
                sl = slabs_v[pr]
                g11 = plsc.bitcast(plsc.load_gather(sl, [i11]), jnp.bfloat16)
                g12 = plsc.bitcast(plsc.load_gather(sl, [i12]), jnp.bfloat16)
                g21 = plsc.bitcast(plsc.load_gather(sl, [i21]), jnp.bfloat16)
                g22 = plsc.bitcast(plsc.load_gather(sl, [i22]), jnp.bfloat16)
                v = w11 * g11 + w12 * g12 + w21 * g21 + w22 * g22
                m[pr] = v if m[pr] is None else jnp.maximum(m[pr], v)
        for pr in range(_PPT):
            a, b = plsc.unpack(m[pr], format=_ILV)
            outc_v[2 * pr, pl.ds(g * _G, _G)] = a.astype(jnp.float32)
            outc_v[2 * pr + 1, pl.ds(g * _G, _G)] = b.astype(jnp.float32)
        return chunk

    def do_chunk(chunk, carry):
        lax.fori_loop(0, _NGRP, do_group, chunk)
        row0 = n * (4 * _C) + blk * _CPT
        pltpu.sync_copy(outc_v,
                        out_hbm.at[pl.ds(row0, _CPT),
                                   pl.ds(chunk * _CHUNK, _CHUNK)])
        return carry

    lax.fori_loop(0, _NCHUNK, do_chunk, 0)


def kernel(input, boxes):
    boxes_t = boxes.transpose(0, 2, 1)
    o = _border_align_sc(input, boxes_t)
    return o.reshape(_N, 4, _C, _K).transpose(0, 2, 3, 1)

# --- scband reference (transcript-rebuilt; emitter-appended) ---
"""Pipeline reference for scband-border-align-23845658427885 (READ-ONLY COPY).

The authoritative reference and input builder live on the scoring server;
editing this copy changes nothing except your own understanding.
"""

import jax, jax.numpy as jnp
import numpy as np

POOL_SIZE = 10
N, C4, H, W = 2, 128, 80, 100
K = H * W


def setup_inputs(seed: int = 0) -> dict:
    key = jax.random.key(seed)
    k1, k2, k3, k4, k5 = jax.random.split(key, 5)
    inp = jax.random.normal(k1, (N, C4, H, W), dtype=jnp.float32)
    cx = jax.random.uniform(k2, (N, K), dtype=jnp.float32) * (W - 1)
    cy = jax.random.uniform(k3, (N, K), dtype=jnp.float32) * (H - 1)
    bw = jax.random.uniform(k4, (N, K), dtype=jnp.float32) * 24.0 + 2.0
    bh = jax.random.uniform(k5, (N, K), dtype=jnp.float32) * 24.0 + 2.0
    x1 = jnp.clip(cx - bw / 2.0, 0.0, W - 1)
    x2 = jnp.clip(cx + bw / 2.0, 0.0, W - 1)
    y1 = jnp.clip(cy - bh / 2.0, 0.0, H - 1)
    y2 = jnp.clip(cy + bh / 2.0, 0.0, H - 1)
    boxes = jnp.stack([x1, y1, x2, y2], axis=-1).astype(jnp.float32)
    return {"input": inp, "boxes": boxes}


def _bilinear(feat, ys, xs):
    # feat: [N, 4, C, H, W]; ys, xs: [N, K, 4, P] -> [N, K, 4, P, C]
    H_ = feat.shape[3]
    W_ = feat.shape[4]
    valid = (ys > -1.0) & (ys < H_) & (xs > -1.0) & (xs < W_)
    y = jnp.where(ys < 0.0, 0.0, ys)
    x = jnp.where(xs < 0.0, 0.0, xs)
    y_low = jnp.clip(jnp.floor(y).astype(jnp.int32), 0, H_ - 1)
    x_low = jnp.clip(jnp.floor(x).astype(jnp.int32), 0, W_ - 1)
    y_high = jnp.minimum(y_low + 1, H_ - 1)
    x_high = jnp.minimum(x_low + 1, W_ - 1)
    y_adj = jnp.where(y_low >= H_ - 1, jnp.float32(H_ - 1), y)
    x_adj = jnp.where(x_low >= W_ - 1, jnp.float32(W_ - 1), x)
    ly = y_adj - y_low.astype(jnp.float32)
    lx = x_adj - x_low.astype(jnp.float32)
    hy = 1.0 - ly
    hx = 1.0 - lx
    n_idx = jnp.arange(feat.shape[0])[:, None, None, None]
    b_idx = jnp.arange(4)[None, None, :, None]
    v1 = feat[n_idx, b_idx, :, y_low, x_low]
    v2 = feat[n_idx, b_idx, :, y_low, x_high]
    v3 = feat[n_idx, b_idx, :, y_high, x_low]
    v4 = feat[n_idx, b_idx, :, y_high, x_high]
    val = (hy * hx)[..., None] * v1 + (hy * lx)[..., None] * v2 \
        + (ly * hx)[..., None] * v3 + (ly * lx)[..., None] * v4
    return jnp.where(valid[..., None], val, 0.0)


def _border_align(inp, boxes, pool_size):
    Nb, C4_, H_, W_ = inp.shape
    C = C4_ // 4
    Kb = boxes.shape[1]
    P = pool_size + 1
    feat = inp.reshape(Nb, 4, C, H_, W_)
    x1 = boxes[..., 0]
    y1 = boxes[..., 1]
    x2 = boxes[..., 2]
    y2 = boxes[..., 3]
    sx = (x2 - x1) / pool_size
    sy = (y2 - y1) / pool_size
    t = jnp.arange(P, dtype=jnp.float32)
    # borders in order: top, left, bottom, right
    xs_top = x1[..., None] + t * sx[..., None]
    ys_top = jnp.broadcast_to(y1[..., None], (Nb, Kb, P))
    xs_left = jnp.broadcast_to(x1[..., None], (Nb, Kb, P))
    ys_left = y1[..., None] + t * sy[..., None]
    xs_bot = x2[..., None] - t * sx[..., None]
    ys_bot = jnp.broadcast_to(y2[..., None], (Nb, Kb, P))
    xs_right = jnp.broadcast_to(x2[..., None], (Nb, Kb, P))
    ys_right = y2[..., None] - t * sy[..., None]
    xs = jnp.stack([xs_top, xs_left, xs_bot, xs_right], axis=2)
    ys = jnp.stack([ys_top, ys_left, ys_bot, ys_right], axis=2)
    vals = _bilinear(feat, ys, xs)  # [N, K, 4, P, C]
    pooled = jnp.max(vals, axis=3)  # [N, K, 4, C]
    return jnp.transpose(pooled, (0, 3, 1, 2))  # [N, C, K, 4]


def reference(input, boxes):
    return _border_align(input, boxes, POOL_SIZE)

if __name__ == "__main__":
    import jax
    _d = setup_inputs()
    print(jax.jit(kernel)(*tuple(_d.values())))

</pallas_src>

<mosaic_0001>
#map = affine_map<(d0, d1) -> (0, 0, 0, 0)>
#map1 = affine_map<(d0, d1) -> (0, 0, 0)>
#map2 = affine_map<(d0, d1) -> (0, 0)>
module attributes {stable_mosaic.version = 14 : i64} {
  func.func @_border_align_sc(%arg0: i32, %arg1: i32, %arg2: memref<2x128x80x100xf32, #tpu.memory_space<hbm>>, %arg3: memref<2x4x8000xf32, #tpu.memory_space<hbm>>, %arg4: memref<256x8000xf32, #tpu.memory_space<hbm>>, %arg5: memref<8000xf32, #tpu.memory_space<vmem>>, %arg6: memref<8000xf32, #tpu.memory_space<vmem>>, %arg7: memref<8000xf32, #tpu.memory_space<vmem>>, %arg8: memref<8000xf32, #tpu.memory_space<vmem>>, %arg9: memref<80x100xf32, #tpu.memory_space<vmem>>, %arg10: memref<80x100xf32, #tpu.memory_space<vmem>>, %arg11: memref<4x8000xf32, #tpu.memory_space<vmem>>, %arg12: memref<8x2000xf32, #tpu.memory_space<vmem>>) attributes {dimension_semantics = [#tpu.dimension_semantics<core_parallel>, #tpu.dimension_semantics<subcore_parallel>], iteration_bounds = array<i64: 2, 16>, scalar_prefetch = 0 : i64, scratch_operands = 8 : i64, tpu.core_type = #tpu.core_type<sc_vector_subcore>, window_params = [{transform_indices = #map}, {transform_indices = #map1}, {transform_indices = #map2}]} {
    %mul3A = arith.constant 2 : i32
    %mul3A_0 = arith.muli %arg1, %mul3A : i32
    %add3A = arith.addi %mul3A_0, %arg0 : i32
    %jit3A = arith.constant 16 : i32
    %div3A = arith.divsi %add3A, %jit3A : i32
    %sign3A = arith.constant 0 : i32
    %sign3A_1 = arith.cmpi sgt, %add3A, %sign3A : i32
    %sign3A_2 = arith.extui %sign3A_1 : i1 to i32
    %sign3A_3 = arith.constant 0 : i32
    %sign3A_4 = arith.cmpi slt, %add3A, %sign3A_3 : i32
    %sign3A_5 = arith.extui %sign3A_4 : i1 to i32
    %sign3A_6 = arith.subi %sign3A_2, %sign3A_5 : i32
    %sign3A_7 = arith.constant 0 : i32
    %sign3A_8 = arith.cmpi sgt, %jit3A, %sign3A_7 : i32
    %sign3A_9 = arith.extui %sign3A_8 : i1 to i32
    %sign3A_10 = arith.constant 0 : i32
    %sign3A_11 = arith.cmpi slt, %jit3A, %sign3A_10 : i32
    %sign3A_12 = arith.extui %sign3A_11 : i1 to i32
    %sign3A_13 = arith.subi %sign3A_9, %sign3A_12 : i32
    %ne3A = arith.cmpi ne, %sign3A_6, %sign3A_13 : i32
    %rem3A = arith.remsi %add3A, %jit3A : i32
    %ne3A_14 = arith.constant 0 : i32
    %ne3A_15 = arith.cmpi ne, %rem3A, %ne3A_14 : i32
    %and3A = arith.andi %ne3A, %ne3A_15 : i1
    %sub3A = arith.constant 1 : i32
    %sub3A_16 = arith.subi %div3A, %sub3A : i32
    %select_n3A = arith.select %and3A, %sub3A_16, %div3A : i32
    %jit3A_17 = arith.constant 16 : i32
    %eq3A = arith.constant 0 : i32
    %eq3A_18 = arith.cmpi eq, %jit3A_17, %eq3A : i32
    %jit3A_19 = arith.constant 1 : i32
    %select_n3A_20 = arith.select %eq3A_18, %jit3A_19, %jit3A_17 : i32
    %rem3A_21 = arith.remsi %add3A, %select_n3A_20 : i32
    %ne3A_22 = arith.constant 0 : i32
    %ne3A_23 = arith.cmpi ne, %rem3A_21, %ne3A_22 : i32
    %lt3A = arith.constant 0 : i32
    %lt3A_24 = arith.cmpi slt, %rem3A_21, %lt3A : i32
    %lt3A_25 = arith.constant 0 : i32
    %lt3A_26 = arith.cmpi slt, %select_n3A_20, %lt3A_25 : i32
    %ne3A_27 = arith.xori %lt3A_24, %lt3A_26 : i1
    %and3A_28 = arith.andi %ne3A_27, %ne3A_23 : i1
    %add3A_29 = arith.addi %rem3A_21, %select_n3A_20 : i32
    %select_n3A_30 = arith.select %and3A_28, %add3A_29, %rem3A_21 : i32
    %jit3A_31 = arith.constant 4 : i32
    %div3A_32 = arith.divsi %select_n3A_30, %jit3A_31 : i32
    %sign3A_33 = arith.constant 0 : i32
    %sign3A_34 = arith.cmpi sgt, %select_n3A_30, %sign3A_33 : i32
    %sign3A_35 = arith.extui %sign3A_34 : i1 to i32
    %sign3A_36 = arith.constant 0 : i32
    %sign3A_37 = arith.cmpi slt, %select_n3A_30, %sign3A_36 : i32
    %sign3A_38 = arith.extui %sign3A_37 : i1 to i32
    %sign3A_39 = arith.subi %sign3A_35, %sign3A_38 : i32
    %sign3A_40 = arith.constant 0 : i32
    %sign3A_41 = arith.cmpi sgt, %jit3A_31, %sign3A_40 : i32
    %sign3A_42 = arith.extui %sign3A_41 : i1 to i32
    %sign3A_43 = arith.constant 0 : i32
    %sign3A_44 = arith.cmpi slt, %jit3A_31, %sign3A_43 : i32
    %sign3A_45 = arith.extui %sign3A_44 : i1 to i32
    %sign3A_46 = arith.subi %sign3A_42, %sign3A_45 : i32
    %ne3A_47 = arith.cmpi ne, %sign3A_39, %sign3A_46 : i32
    %rem3A_48 = arith.remsi %select_n3A_30, %jit3A_31 : i32
    %ne3A_49 = arith.constant 0 : i32
    %ne3A_50 = arith.cmpi ne, %rem3A_48, %ne3A_49 : i32
    %and3A_51 = arith.andi %ne3A_47, %ne3A_50 : i1
    %sub3A_52 = arith.constant 1 : i32
    %sub3A_53 = arith.subi %div3A_32, %sub3A_52 : i32
    %select_n3A_54 = arith.select %and3A_51, %sub3A_53, %div3A_32 : i32
    %mul3A_55 = arith.constant 8 : i32
    %mul3A_56 = arith.muli %select_n3A_30, %mul3A_55 : i32
    %add3A_57 = arith.constant 0 : i32
    %add3A_58 = arith.addi %mul3A_56, %add3A_57 : i32
    "tpu.region"() ({
      %run_scoped3A = tpu.sem_alloc : memref<!tpu.dma_semaphore, #tpu.memory_space<semaphore_mem>>
      %dma_start3A = arith.constant 0 : i32
      %dma_start3A_140 = arith.constant 0 : i32
      %dma_start3A_141 = tpu.memref_slice %arg2[%select_n3A, %add3A_58, %dma_start3A, %dma_start3A_140] : memref<2x128x80x100xf32, #tpu.memory_space<hbm>> -> memref<1x1x80x100xf32, #tpu.memory_space<hbm>>
      %dma_start3A_142 = tpu.memref_squeeze %dma_start3A_141 : memref<1x1x80x100xf32, #tpu.memory_space<hbm>> -> memref<80x100xf32, #tpu.memory_space<hbm>>
      %dma_start3A_143 = arith.constant 0 : i32
      %dma_start3A_144 = arith.constant 0 : i32
      %dma_start3A_145 = tpu.memref_slice %arg2[%select_n3A, %add3A_58, %dma_start3A_143, %dma_start3A_144] : memref<2x128x80x100xf32, #tpu.memory_space<hbm>> -> memref<1x1x80x100xf32, #tpu.memory_space<hbm>>
      %dma_start3A_146 = tpu.memref_squeeze %dma_start3A_145 : memref<1x1x80x100xf32, #tpu.memory_space<hbm>> -> memref<80x100xf32, #tpu.memory_space<hbm>>
      tpu.enqueue_dma source(%dma_start3A_146 : memref<80x100xf32, #tpu.memory_space<hbm>>) target(%arg9 : memref<80x100xf32, #tpu.memory_space<vmem>>) target_semaphore(%run_scoped3A : memref<!tpu.dma_semaphore, #tpu.memory_space<semaphore_mem>>)
      %dma_wait3A = arith.constant 0 : i32
      %dma_wait3A_147 = arith.constant 0 : i32
      %dma_wait3A_148 = tpu.memref_slice %arg2[%select_n3A, %add3A_58, %dma_wait3A, %dma_wait3A_147] : memref<2x128x80x100xf32, #tpu.memory_space<hbm>> -> memref<1x1x80x100xf32, #tpu.memory_space<hbm>>
      %dma_wait3A_149 = tpu.memref_squeeze %dma_wait3A_148 : memref<1x1x80x100xf32, #tpu.memory_space<hbm>> -> memref<80x100xf32, #tpu.memory_space<hbm>>
      %dma_wait3A_150 = arith.constant 0 : i32
      %dma_wait3A_151 = arith.constant 0 : i32
      %dma_wait3A_152 = tpu.memref_slice %arg2[%select_n3A, %add3A_58, %dma_wait3A_150, %dma_wait3A_151] : memref<2x128x80x100xf32, #tpu.memory_space<hbm>> -> memref<1x1x80x100xf32, #tpu.memory_space<hbm>>
      %dma_wait3A_153 = tpu.memref_squeeze %dma_wait3A_152 : memref<1x1x80x100xf32, #tpu.memory_space<hbm>> -> memref<80x100xf32, #tpu.memory_space<hbm>>
      tpu.wait_dma2 semaphore(%run_scoped3A : memref<!tpu.dma_semaphore, #tpu.memory_space<semaphore_mem>>) src(%dma_wait3A_153 : memref<80x100xf32, #tpu.memory_space<hbm>>) dst(%arg9 : memref<80x100xf32, #tpu.memory_space<vmem>>)
      tpu.yield
    }) : () -> ()
    %add3A_59 = arith.constant 0 : i32
    %add3A_60 = arith.addi %mul3A_56, %add3A_59 : i32
    %add3A_61 = arith.constant 1 : i32
    %add3A_62 = arith.addi %add3A_60, %add3A_61 : i32
    "tpu.region"() ({
      %run_scoped3A = tpu.sem_alloc : memref<!tpu.dma_semaphore, #tpu.memory_space<semaphore_mem>>
      %dma_start3A = arith.constant 0 : i32
      %dma_start3A_140 = arith.constant 0 : i32
      %dma_start3A_141 = tpu.memref_slice %arg2[%select_n3A, %add3A_62, %dma_start3A, %dma_start3A_140] : memref<2x128x80x100xf32, #tpu.memory_space<hbm>> -> memref<1x1x80x100xf32, #tpu.memory_space<hbm>>
      %dma_start3A_142 = tpu.memref_squeeze %dma_start3A_141 : memref<1x1x80x100xf32, #tpu.memory_space<hbm>> -> memref<80x100xf32, #tpu.memory_space<hbm>>
      %dma_start3A_143 = arith.constant 0 : i32
      %dma_start3A_144 = arith.constant 0 : i32
      %dma_start3A_145 = tpu.memref_slice %arg2[%select_n3A, %add3A_62, %dma_start3A_143, %dma_start3A_144] : memref<2x128x80x100xf32, #tpu.memory_space<hbm>> -> memref<1x1x80x100xf32, #tpu.memory_space<hbm>>
      %dma_start3A_146 = tpu.memref_squeeze %dma_start3A_145 : memref<1x1x80x100xf32, #tpu.memory_space<hbm>> -> memref<80x100xf32, #tpu.memory_space<hbm>>
      tpu.enqueue_dma source(%dma_start3A_146 : memref<80x100xf32, #tpu.memory_space<hbm>>) target(%arg10 : memref<80x100xf32, #tpu.memory_space<vmem>>) target_semaphore(%run_scoped3A : memref<!tpu.dma_semaphore, #tpu.memory_space<semaphore_mem>>)
      %dma_wait3A = arith.constant 0 : i32
      %dma_wait3A_147 = arith.constant 0 : i32
      %dma_wait3A_148 = tpu.memref_slice %arg2[%select_n3A, %add3A_62, %dma_wait3A, %dma_wait3A_147] : memref<2x128x80x100xf32, #tpu.memory_space<hbm>> -> memref<1x1x80x100xf32, #tpu.memory_space<hbm>>
      %dma_wait3A_149 = tpu.memref_squeeze %dma_wait3A_148 : memref<1x1x80x100xf32, #tpu.memory_space<hbm>> -> memref<80x100xf32, #tpu.memory_space<hbm>>
      %dma_wait3A_150 = arith.constant 0 : i32
      %dma_wait3A_151 = arith.constant 0 : i32
      %dma_wait3A_152 = tpu.memref_slice %arg2[%select_n3A, %add3A_62, %dma_wait3A_150, %dma_wait3A_151] : memref<2x128x80x100xf32, #tpu.memory_space<hbm>> -> memref<1x1x80x100xf32, #tpu.memory_space<hbm>>
      %dma_wait3A_153 = tpu.memref_squeeze %dma_wait3A_152 : memref<1x1x80x100xf32, #tpu.memory_space<hbm>> -> memref<80x100xf32, #tpu.memory_space<hbm>>
      tpu.wait_dma2 semaphore(%run_scoped3A : memref<!tpu.dma_semaphore, #tpu.memory_space<semaphore_mem>>) src(%dma_wait3A_153 : memref<80x100xf32, #tpu.memory_space<hbm>>) dst(%arg10 : memref<80x100xf32, #tpu.memory_space<vmem>>)
      tpu.yield
    }) : () -> ()
    %scan3A = arith.constant 0 : i32
    %scan3A_63 = arith.constant 0 : i32
    %scan3A_64 = arith.constant 80 : i32
    %scan3A_65 = arith.addi %scan3A_63, %scan3A_64 : i32
    %scan3A_66 = arith.constant 1 : i32
    %scan3A_67 = scf.for %scan3A_140 = %scan3A_63 to %scan3A_65 step %scan3A_66 iter_args(%scan3A_141 = %scan3A) -> (i32)  : i32 {
      %mul3A_142 = arith.constant 100 : i32
      %mul3A_143 = arith.muli %scan3A_140, %mul3A_142 : i32
      %get3A = arith.index_cast %scan3A_140 : i32 to index
      %get3A_144 = arith.constant 0 : index
      %get3A_145 = tpu.vector_load %arg9[%get3A, %get3A_144] {strides = array<i32>} : memref<80x100xf32, #tpu.memory_space<vmem>>, vector<16xf32>,
      %get3A_146 = arith.index_cast %scan3A_140 : i32 to index
      %get3A_147 = arith.constant 0 : index
      %get3A_148 = tpu.vector_load %arg10[%get3A_146, %get3A_147] {strides = array<i32>} : memref<80x100xf32, #tpu.memory_space<vmem>>, vector<16xf32>,
      %pack3A = tpu.pack_subelements %get3A_145, %get3A_148 {pack_format = #tpu.pack_format<interleaved>, positions = array<i32: 0, 1>} : vector<16xf32>, vector<16xf32> -> vector<32xbf16>
      %bitcast3A = vector.bitcast %pack3A : vector<32xbf16> to vector<16xf32>
      %add3A_149 = arith.constant 0 : i32
      %add3A_150 = arith.addi %mul3A_143, %add3A_149 : i32
      %swap3A = arith.index_cast %add3A_150 : i32 to index
      %swap3A_151 = tpu.vector_load %arg5[%swap3A] {strides = array<i32>} : memref<8000xf32, #tpu.memory_space<vmem>>, vector<16xf32>,
      tpu.vector_store %arg5[%swap3A], %bitcast3A {strides = array<i32>} : memref<8000xf32, #tpu.memory_space<vmem>>, vector<16xf32>,
      %get3A_152 = arith.index_cast %scan3A_140 : i32 to index
      %get3A_153 = arith.constant 16 : index
      %get3A_154 = tpu.vector_load %arg9[%get3A_152, %get3A_153] {strides = array<i32>} : memref<80x100xf32, #tpu.memory_space<vmem>>, vector<16xf32>,
      %get3A_155 = arith.index_cast %scan3A_140 : i32 to index
      %get3A_156 = arith.constant 16 : index
      %get3A_157 = tpu.vector_load %arg10[%get3A_155, %get3A_156] {strides = array<i32>} : memref<80x100xf32, #tpu.memory_space<vmem>>, vector<16xf32>,
      %pack3A_158 = tpu.pack_subelements %get3A_154, %get3A_157 {pack_format = #tpu.pack_format<interleaved>, positions = array<i32: 0, 1>} : vector<16xf32>, vector<16xf32> -> vector<32xbf16>
      %bitcast3A_159 = vector.bitcast %pack3A_158 : vector<32xbf16> to vector<16xf32>
      %add3A_160 = arith.constant 16 : i32
      %add3A_161 = arith.addi %mul3A_143, %add3A_160 : i32
      %swap3A_162 = arith.index_cast %add3A_161 : i32 to index
      %swap3A_163 = tpu.vector_load %arg5[%swap3A_162] {strides = array<i32>} : memref<8000xf32, #tpu.memory_space<vmem>>, vector<16xf32>,
      tpu.vector_store %arg5[%swap3A_162], %bitcast3A_159 {strides = array<i32>} : memref<8000xf32, #tpu.memory_space<vmem>>, vector<16xf32>,
      %get3A_164 = arith.index_cast %scan3A_140 : i32 to index
      %get3A_165 = arith.constant 32 : index
      %get3A_166 = tpu.vector_load %arg9[%get3A_164, %get3A_165] {strides = array<i32>} : memref<80x100xf32, #tpu.memory_space<vmem>>, vector<16xf32>,
      %get3A_167 = arith.index_cast %scan3A_140 : i32 to index
      %get3A_168 = arith.constant 32 : index
      %get3A_169 = tpu.vector_load %arg10[%get3A_167, %get3A_168] {strides = array<i32>} : memref<80x100xf32, #tpu.memory_space<vmem>>, vector<16xf32>,
      %pack3A_170 = tpu.pack_subelements %get3A_166, %get3A_169 {pack_format = #tpu.pack_format<interleaved>, positions = array<i32: 0, 1>} : vector<16xf32>, vector<16xf32> -> vector<32xbf16>
      %bitcast3A_171 = vector.bitcast %pack3A_170 : vector<32xbf16> to vector<16xf32>
      %add3A_172 = arith.constant 32 : i32
      %add3A_173 = arith.addi %mul3A_143, %add3A_172 : i32
      %swap3A_174 = arith.index_cast %add3A_173 : i32 to index
      %swap3A_175 = tpu.vector_load %arg5[%swap3A_174] {strides = array<i32>} : memref<8000xf32, #tpu.memory_space<vmem>>, vector<16xf32>,
      tpu.vector_store %arg5[%swap3A_174], %bitcast3A_171 {strides = array<i32>} : memref<8000xf32, #tpu.memory_space<vmem>>, vector<16xf32>,
      %get3A_176 = arith.index_cast %scan3A_140 : i32 to index
      %get3A_177 = arith.constant 48 : index
      %get3A_178 = tpu.vector_load %arg9[%get3A_176, %get3A_177] {strides = array<i32>} : memref<80x100xf32, #tpu.memory_space<vmem>>, vector<16xf32>,
      %get3A_179 = arith.index_cast %scan3A_140 : i32 to index
      %get3A_180 = arith.constant 48 : index
      %get3A_181 = tpu.vector_load %arg10[%get3A_179, %get3A_180] {strides = array<i32>} : memref<80x100xf32, #tpu.memory_space<vmem>>, vector<16xf32>,
      %pack3A_182 = tpu.pack_subelements %get3A_178, %get3A_181 {pack_format = #tpu.pack_format<interleaved>, positions = array<i32: 0, 1>} : vector<16xf32>, vector<16xf32> -> vector<32xbf16>
      %bitcast3A_183 = vector.bitcast %pack3A_182 : vector<32xbf16> to vector<16xf32>
      %add3A_184 = arith.constant 48 : i32
      %add3A_185 = arith.addi %mul3A_143, %add3A_184 : i32
      %swap3A_186 = arith.index_cast %add3A_185 : i32 to index
      %swap3A_187 = tpu.vector_load %arg5[%swap3A_186] {strides = array<i32>} : memref<8000xf32, #tpu.memory_space<vmem>>, vector<16xf32>,
      tpu.vector_store %arg5[%swap3A_186], %bitcast3A_183 {strides = array<i32>} : memref<8000xf32, #tpu.memory_space<vmem>>, vector<16xf32>,
      %get3A_188 = arith.index_cast %scan3A_140 : i32 to index
      %get3A_189 = arith.constant 64 : index
      %get3A_190 = tpu.vector_load %arg9[%get3A_188, %get3A_189] {strides = array<i32>} : memref<80x100xf32, #tpu.memory_space<vmem>>, vector<16xf32>,
      %get3A_191 = arith.index_cast %scan3A_140 : i32 to index
      %get3A_192 = arith.constant 64 : index
      %get3A_193 = tpu.vector_load %arg10[%get3A_191, %get3A_192] {strides = array<i32>} : memref<80x100xf32, #tpu.memory_space<vmem>>, vector<16xf32>,
      %pack3A_194 = tpu.pack_subelements %get3A_190, %get3A_193 {pack_format = #tpu.pack_format<interleaved>, positions = array<i32: 0, 1>} : vector<16xf32>, vector<16xf32> -> vector<32xbf16>
      %bitcast3A_195 = vector.bitcast %pack3A_194 : vector<32xbf16> to vector<16xf32>
      %add3A_196 = arith.constant 64 : i32
      %add3A_197 = arith.addi %mul3A_143, %add3A_196 : i32
      %swap3A_198 = arith.index_cast %add3A_197 : i32 to index
      %swap3A_199 = tpu.vector_load %arg5[%swap3A_198] {strides = array<i32>} : memref<8000xf32, #tpu.memory_space<vmem>>, vector<16xf32>,
      tpu.vector_store %arg5[%swap3A_198], %bitcast3A_195 {strides = array<i32>} : memref<8000xf32, #tpu.memory_space<vmem>>, vector<16xf32>,
      %get3A_200 = arith.index_cast %scan3A_140 : i32 to index
      %get3A_201 = arith.constant 80 : index
      %get3A_202 = tpu.vector_load %arg9[%get3A_200, %get3A_201] {strides = array<i32>} : memref<80x100xf32, #tpu.memory_space<vmem>>, vector<16xf32>,
      %get3A_203 = arith.index_cast %scan3A_140 : i32 to index
      %get3A_204 = arith.constant 80 : index
      %get3A_205 = tpu.vector_load %arg10[%get3A_203, %get3A_204] {strides = array<i32>} : memref<80x100xf32, #tpu.memory_space<vmem>>, vector<16xf32>,
      %pack3A_206 = tpu.pack_subelements %get3A_202, %get3A_205 {pack_format = #tpu.pack_format<interleaved>, positions = array<i32: 0, 1>} : vector<16xf32>, vector<16xf32> -> vector<32xbf16>
      %bitcast3A_207 = vector.bitcast %pack3A_206 : vector<32xbf16> to vector<16xf32>
      %add3A_208 = arith.constant 80 : i32
      %add3A_209 = arith.addi %mul3A_143, %add3A_208 : i32
      %swap3A_210 = arith.index_cast %add3A_209 : i32 to index
      %swap3A_211 = tpu.vector_load %arg5[%swap3A_210] {strides = array<i32>} : memref<8000xf32, #tpu.memory_space<vmem>>, vector<16xf32>,
      tpu.vector_store %arg5[%swap3A_210], %bitcast3A_207 {strides = array<i32>} : memref<8000xf32, #tpu.memory_space<vmem>>, vector<16xf32>,
      %get3A_212 = arith.index_cast %scan3A_140 : i32 to index
      %get3A_213 = arith.constant 84 : index
      %get3A_214 = tpu.vector_load %arg9[%get3A_212, %get3A_213] {strides = array<i32>} : memref<80x100xf32, #tpu.memory_space<vmem>>, vector<16xf32>,
      %get3A_215 = arith.index_cast %scan3A_140 : i32 to index
      %get3A_216 = arith.constant 84 : index
      %get3A_217 = tpu.vector_load %arg10[%get3A_215, %get3A_216] {strides = array<i32>} : memref<80x100xf32, #tpu.memory_space<vmem>>, vector<16xf32>,
      %pack3A_218 = tpu.pack_subelements %get3A_214, %get3A_217 {pack_format = #tpu.pack_format<interleaved>, positions = array<i32: 0, 1>} : vector<16xf32>, vector<16xf32> -> vector<32xbf16>
      %bitcast3A_219 = vector.bitcast %pack3A_218 : vector<32xbf16> to vector<16xf32>
      %add3A_220 = arith.constant 84 : i32
      %add3A_221 = arith.addi %mul3A_143, %add3A_220 : i32
      %swap3A_222 = arith.index_cast %add3A_221 : i32 to index
      %swap3A_223 = tpu.vector_load %arg5[%swap3A_222] {strides = array<i32>} : memref<8000xf32, #tpu.memory_space<vmem>>, vector<16xf32>,
      tpu.vector_store %arg5[%swap3A_222], %bitcast3A_219 {strides = array<i32>} : memref<8000xf32, #tpu.memory_space<vmem>>, vector<16xf32>,
      %scan3A_224 = arith.constant 0 : i32
      scf.yield %scan3A_224 : i32
    }
    %scan3A_68 = arith.constant 80 : i32
    %add3A_69 = arith.constant 2 : i32
    %add3A_70 = arith.addi %mul3A_56, %add3A_69 : i32
    "tpu.region"() ({
      %run_scoped3A = tpu.sem_alloc : memref<!tpu.dma_semaphore, #tpu.memory_space<semaphore_mem>>
      %dma_start3A = arith.constant 0 : i32
      %dma_start3A_140 = arith.constant 0 : i32
      %dma_start3A_141 = tpu.memref_slice %arg2[%select_n3A, %add3A_70, %dma_start3A, %dma_start3A_140] : memref<2x128x80x100xf32, #tpu.memory_space<hbm>> -> memref<1x1x80x100xf32, #tpu.memory_space<hbm>>
      %dma_start3A_142 = tpu.memref_squeeze %dma_start3A_141 : memref<1x1x80x100xf32, #tpu.memory_space<hbm>> -> memref<80x100xf32, #tpu.memory_space<hbm>>
      %dma_start3A_143 = arith.constant 0 : i32
      %dma_start3A_144 = arith.constant 0 : i32
      %dma_start3A_145 = tpu.memref_slice %arg2[%select_n3A, %add3A_70, %dma_start3A_143, %dma_start3A_144] : memref<2x128x80x100xf32, #tpu.memory_space<hbm>> -> memref<1x1x80x100xf32, #tpu.memory_space<hbm>>
      %dma_start3A_146 = tpu.memref_squeeze %dma_start3A_145 : memref<1x1x80x100xf32, #tpu.memory_space<hbm>> -> memref<80x100xf32, #tpu.memory_space<hbm>>
      tpu.enqueue_dma source(%dma_start3A_146 : memref<80x100xf32, #tpu.memory_space<hbm>>) target(%arg9 : memref<80x100xf32, #tpu.memory_space<vmem>>) target_semaphore(%run_scoped3A : memref<!tpu.dma_semaphore, #tpu.memory_space<semaphore_mem>>)
      %dma_wait3A = arith.constant 0 : i32
      %dma_wait3A_147 = arith.constant 0 : i32
      %dma_wait3A_148 = tpu.memref_slice %arg2[%select_n3A, %add3A_70, %dma_wait3A, %dma_wait3A_147] : memref<2x128x80x100xf32, #tpu.memory_space<hbm>> -> memref<1x1x80x100xf32, #tpu.memory_space<hbm>>
      %dma_wait3A_149 = tpu.memref_squeeze %dma_wait3A_148 : memref<1x1x80x100xf32, #tpu.memory_space<hbm>> -> memref<80x100xf32, #tpu.memory_space<hbm>>
      %dma_wait3A_150 = arith.constant 0 : i32
      %dma_wait3A_151 = arith.constant 0 : i32
      %dma_wait3A_152 = tpu.memref_slice %arg2[%select_n3A, %add3A_70, %dma_wait3A_150, %dma_wait3A_151] : memref<2x128x80x100xf32, #tpu.memory_space<hbm>> -> memref<1x1x80x100xf32, #tpu.memory_space<hbm>>
      %dma_wait3A_153 = tpu.memref_squeeze %dma_wait3A_152 : memref<1x1x80x100xf32, #tpu.memory_space<hbm>> -> memref<80x100xf32, #tpu.memory_space<hbm>>
      tpu.wait_dma2 semaphore(%run_scoped3A : memref<!tpu.dma_semaphore, #tpu.memory_space<semaphore_mem>>) src(%dma_wait3A_153 : memref<80x100xf32, #tpu.memory_space<hbm>>) dst(%arg9 : memref<80x100xf32, #tpu.memory_space<vmem>>)
      tpu.yield
    }) : () -> ()
    %add3A_71 = arith.constant 2 : i32
    %add3A_72 = arith.addi %mul3A_56, %add3A_71 : i32
    %add3A_73 = arith.constant 1 : i32
    %add3A_74 = arith.addi %add3A_72, %add3A_73 : i32
    "tpu.region"() ({
      %run_scoped3A = tpu.sem_alloc : memref<!tpu.dma_semaphore, #tpu.memory_space<semaphore_mem>>
      %dma_start3A = arith.constant 0 : i32
      %dma_start3A_140 = arith.constant 0 : i32
      %dma_start3A_141 = tpu.memref_slice %arg2[%select_n3A, %add3A_74, %dma_start3A, %dma_start3A_140] : memref<2x128x80x100xf32, #tpu.memory_space<hbm>> -> memref<1x1x80x100xf32, #tpu.memory_space<hbm>>
      %dma_start3A_142 = tpu.memref_squeeze %dma_start3A_141 : memref<1x1x80x100xf32, #tpu.memory_space<hbm>> -> memref<80x100xf32, #tpu.memory_space<hbm>>
      %dma_start3A_143 = arith.constant 0 : i32
      %dma_start3A_144 = arith.constant 0 : i32
      %dma_start3A_145 = tpu.memref_slice %arg2[%select_n3A, %add3A_74, %dma_start3A_143, %dma_start3A_144] : memref<2x128x80x100xf32, #tpu.memory_space<hbm>> -> memref<1x1x80x100xf32, #tpu.memory_space<hbm>>
      %dma_start3A_146 = tpu.memref_squeeze %dma_start3A_145 : memref<1x1x80x100xf32, #tpu.memory_space<hbm>> -> memref<80x100xf32, #tpu.memory_space<hbm>>
      tpu.enqueue_dma source(%dma_start3A_146 : memref<80x100xf32, #tpu.memory_space<hbm>>) target(%arg10 : memref<80x100xf32, #tpu.memory_space<vmem>>) target_semaphore(%run_scoped3A : memref<!tpu.dma_semaphore, #tpu.memory_space<semaphore_mem>>)
      %dma_wait3A = arith.constant 0 : i32
      %dma_wait3A_147 = arith.constant 0 : i32
      %dma_wait3A_148 = tpu.memref_slice %arg2[%select_n3A, %add3A_74, %dma_wait3A, %dma_wait3A_147] : memref<2x128x80x100xf32, #tpu.memory_space<hbm>> -> memref<1x1x80x100xf32, #tpu.memory_space<hbm>>
      %dma_wait3A_149 = tpu.memref_squeeze %dma_wait3A_148 : memref<1x1x80x100xf32, #tpu.memory_space<hbm>> -> memref<80x100xf32, #tpu.memory_space<hbm>>
      %dma_wait3A_150 = arith.constant 0 : i32
      %dma_wait3A_151 = arith.constant 0 : i32
      %dma_wait3A_152 = tpu.memref_slice %arg2[%select_n3A, %add3A_74, %dma_wait3A_150, %dma_wait3A_151] : memref<2x128x80x100xf32, #tpu.memory_space<hbm>> -> memref<1x1x80x100xf32, #tpu.memory_space<hbm>>
      %dma_wait3A_153 = tpu.memref_squeeze %dma_wait3A_152 : memref<1x1x80x100xf32, #tpu.memory_space<hbm>> -> memref<80x100xf32, #tpu.memory_space<hbm>>
      tpu.wait_dma2 semaphore(%run_scoped3A : memref<!tpu.dma_semaphore, #tpu.memory_space<semaphore_mem>>) src(%dma_wait3A_153 : memref<80x100xf32, #tpu.memory_space<hbm>>) dst(%arg10 : memref<80x100xf32, #tpu.memory_space<vmem>>)
      tpu.yield
    }) : () -> ()
    %scan3A_75 = arith.constant 0 : i32
    %scan3A_76 = arith.constant 0 : i32
    %scan3A_77 = arith.constant 80 : i32
    %scan3A_78 = arith.addi %scan3A_76, %scan3A_77 : i32
    %scan3A_79 = arith.constant 1 : i32
    %scan3A_80 = scf.for %scan3A_140 = %scan3A_76 to %scan3A_78 step %scan3A_79 iter_args(%scan3A_141 = %scan3A_75) -> (i32)  : i32 {
      %mul3A_142 = arith.constant 100 : i32
      %mul3A_143 = arith.muli %scan3A_140, %mul3A_142 : i32
      %get3A = arith.index_cast %scan3A_140 : i32 to index
      %get3A_144 = arith.constant 0 : index
      %get3A_145 = tpu.vector_load %arg9[%get3A, %get3A_144] {strides = array<i32>} : memref<80x100xf32, #tpu.memory_space<vmem>>, vector<16xf32>,
      %get3A_146 = arith.index_cast %scan3A_140 : i32 to index
      %get3A_147 = arith.constant 0 : index
      %get3A_148 = tpu.vector_load %arg10[%get3A_146, %get3A_147] {strides = array<i32>} : memref<80x100xf32, #tpu.memory_space<vmem>>, vector<16xf32>,
      %pack3A = tpu.pack_subelements %get3A_145, %get3A_148 {pack_format = #tpu.pack_format<interleaved>, positions = array<i32: 0, 1>} : vector<16xf32>, vector<16xf32> -> vector<32xbf16>
      %bitcast3A = vector.bitcast %pack3A : vector<32xbf16> to vector<16xf32>
      %add3A_149 = arith.constant 0 : i32
      %add3A_150 = arith.addi %mul3A_143, %add3A_149 : i32
      %swap3A = arith.index_cast %add3A_150 : i32 to index
      %swap3A_151 = tpu.vector_load %arg6[%swap3A] {strides = array<i32>} : memref<8000xf32, #tpu.memory_space<vmem>>, vector<16xf32>,
      tpu.vector_store %arg6[%swap3A], %bitcast3A {strides = array<i32>} : memref<8000xf32, #tpu.memory_space<vmem>>, vector<16xf32>,
      %get3A_152 = arith.index_cast %scan3A_140 : i32 to index
      %get3A_153 = arith.constant 16 : index
      %get3A_154 = tpu.vector_load %arg9[%get3A_152, %get3A_153] {strides = array<i32>} : memref<80x100xf32, #tpu.memory_space<vmem>>, vector<16xf32>,
      %get3A_155 = arith.index_cast %scan3A_140 : i32 to index
      %get3A_156 = arith.constant 16 : index
      %get3A_157 = tpu.vector_load %arg10[%get3A_155, %get3A_156] {strides = array<i32>} : memref<80x100xf32, #tpu.memory_space<vmem>>, vector<16xf32>,
      %pack3A_158 = tpu.pack_subelements %get3A_154, %get3A_157 {pack_format = #tpu.pack_format<interleaved>, positions = array<i32: 0, 1>} : vector<16xf32>, vector<16xf32> -> vector<32xbf16>
      %bitcast3A_159 = vector.bitcast %pack3A_158 : vector<32xbf16> to vector<16xf32>
      %add3A_160 = arith.constant 16 : i32
      %add3A_161 = arith.addi %mul3A_143, %add3A_160 : i32
      %swap3A_162 = arith.index_cast %add3A_161 : i32 to index
      %swap3A_163 = tpu.vector_load %arg6[%swap3A_162] {strides = array<i32>} : memref<8000xf32, #tpu.memory_space<vmem>>, vector<16xf32>,
      tpu.vector_store %arg6[%swap3A_162], %bitcast3A_159 {strides = array<i32>} : memref<8000xf32, #tpu.memory_space<vmem>>, vector<16xf32>,
      %get3A_164 = arith.index_cast %scan3A_140 : i32 to index
      %get3A_165 = arith.constant 32 : index
      %get3A_166 = tpu.vector_load %arg9[%get3A_164, %get3A_165] {strides = array<i32>} : memref<80x100xf32, #tpu.memory_space<vmem>>, vector<16xf32>,
      %get3A_167 = arith.index_cast %scan3A_140 : i32 to index
      %get3A_168 = arith.constant 32 : index
      %get3A_169 = tpu.vector_load %arg10[%get3A_167, %get3A_168] {strides = array<i32>} : memref<80x100xf32, #tpu.memory_space<vmem>>, vector<16xf32>,
      %pack3A_170 = tpu.pack_subelements %get3A_166, %get3A_169 {pack_format = #tpu.pack_format<interleaved>, positions = array<i32: 0, 1>} : vector<16xf32>, vector<16xf32> -> vector<32xbf16>
      %bitcast3A_171 = vector.bitcast %pack3A_170 : vector<32xbf16> to vector<16xf32>
      %add3A_172 = arith.constant 32 : i32
      %add3A_173 = arith.addi %mul3A_143, %add3A_172 : i32
      %swap3A_174 = arith.index_cast %add3A_173 : i32 to index
      %swap3A_175 = tpu.vector_load %arg6[%swap3A_174] {strides = array<i32>} : memref<8000xf32, #tpu.memory_space<vmem>>, vector<16xf32>,
      tpu.vector_store %arg6[%swap3A_174], %bitcast3A_171 {strides = array<i32>} : memref<8000xf32, #tpu.memory_space<vmem>>, vector<16xf32>,
      %get3A_176 = arith.index_cast %scan3A_140 : i32 to index
      %get3A_177 = arith.constant 48 : index
      %get3A_178 = tpu.vector_load %arg9[%get3A_176, %get3A_177] {strides = array<i32>} : memref<80x100xf32, #tpu.memory_space<vmem>>, vector<16xf32>,
      %get3A_179 = arith.index_cast %scan3A_140 : i32 to index
      %get3A_180 = arith.constant 48 : index
      %get3A_181 = tpu.vector_load %arg10[%get3A_179, %get3A_180] {strides = array<i32>} : memref<80x100xf32, #tpu.memory_space<vmem>>, vector<16xf32>,
      %pack3A_182 = tpu.pack_subelements %get3A_178, %get3A_181 {pack_format = #tpu.pack_format<interleaved>, positions = array<i32: 0, 1>} : vector<16xf32>, vector<16xf32> -> vector<32xbf16>
      %bitcast3A_183 = vector.bitcast %pack3A_182 : vector<32xbf16> to vector<16xf32>
      %add3A_184 = arith.constant 48 : i32
      %add3A_185 = arith.addi %mul3A_143, %add3A_184 : i32
      %swap3A_186 = arith.index_cast %add3A_185 : i32 to index
      %swap3A_187 = tpu.vector_load %arg6[%swap3A_186] {strides = array<i32>} : memref<8000xf32, #tpu.memory_space<vmem>>, vector<16xf32>,
      tpu.vector_store %arg6[%swap3A_186], %bitcast3A_183 {strides = array<i32>} : memref<8000xf32, #tpu.memory_space<vmem>>, vector<16xf32>,
      %get3A_188 = arith.index_cast %scan3A_140 : i32 to index
      %get3A_189 = arith.constant 64 : index
      %get3A_190 = tpu.vector_load %arg9[%get3A_188, %get3A_189] {strides = array<i32>} : memref<80x100xf32, #tpu.memory_space<vmem>>, vector<16xf32>,
      %get3A_191 = arith.index_cast %scan3A_140 : i32 to index
      %get3A_192 = arith.constant 64 : index
      %get3A_193 = tpu.vector_load %arg10[%get3A_191, %get3A_192] {strides = array<i32>} : memref<80x100xf32, #tpu.memory_space<vmem>>, vector<16xf32>,
      %pack3A_194 = tpu.pack_subelements %get3A_190, %get3A_193 {pack_format = #tpu.pack_format<interleaved>, positions = array<i32: 0, 1>} : vector<16xf32>, vector<16xf32> -> vector<32xbf16>
      %bitcast3A_195 = vector.bitcast %pack3A_194 : vector<32xbf16> to vector<16xf32>
      %add3A_196 = arith.constant 64 : i32
      %add3A_197 = arith.addi %mul3A_143, %add3A_196 : i32
      %swap3A_198 = arith.index_cast %add3A_197 : i32 to index
      %swap3A_199 = tpu.vector_load %arg6[%swap3A_198] {strides = array<i32>} : memref<8000xf32, #tpu.memory_space<vmem>>, vector<16xf32>,
      tpu.vector_store %arg6[%swap3A_198], %bitcast3A_195 {strides = array<i32>} : memref<8000xf32, #tpu.memory_space<vmem>>, vector<16xf32>,
      %get3A_200 = arith.index_cast %scan3A_140 : i32 to index
      %get3A_201 = arith.constant 80 : index
      %get3A_202 = tpu.vector_load %arg9[%get3A_200, %get3A_201] {strides = array<i32>} : memref<80x100xf32, #tpu.memory_space<vmem>>, vector<16xf32>,
      %get3A_203 = arith.index_cast %scan3A_140 : i32 to index
      %get3A_204 = arith.constant 80 : index
      %get3A_205 = tpu.vector_load %arg10[%get3A_203, %get3A_204] {strides = array<i32>} : memref<80x100xf32, #tpu.memory_space<vmem>>, vector<16xf32>,
      %pack3A_206 = tpu.pack_subelements %get3A_202, %get3A_205 {pack_format = #tpu.pack_format<interleaved>, positions = array<i32: 0, 1>} : vector<16xf32>, vector<16xf32> -> vector<32xbf16>
      %bitcast3A_207 = vector.bitcast %pack3A_206 : vector<32xbf16> to vector<16xf32>
      %add3A_208 = arith.constant 80 : i32
      %add3A_209 = arith.addi %mul3A_143, %add3A_208 : i32
      %swap3A_210 = arith.index_cast %add3A_209 : i32 to index
      %swap3A_211 = tpu.vector_load %arg6[%swap3A_210] {strides = array<i32>} : memref<8000xf32, #tpu.memory_space<vmem>>, vector<16xf32>,
      tpu.vector_store %arg6[%swap3A_210], %bitcast3A_207 {strides = array<i32>} : memref<8000xf32, #tpu.memory_space<vmem>>, vector<16xf32>,
      %get3A_212 = arith.index_cast %scan3A_140 : i32 to index
      %get3A_213 = arith.constant 84 : index
      %get3A_214 = tpu.vector_load %arg9[%get3A_212, %get3A_213] {strides = array<i32>} : memref<80x100xf32, #tpu.memory_space<vmem>>, vector<16xf32>,
      %get3A_215 = arith.index_cast %scan3A_140 : i32 to index
      %get3A_216 = arith.constant 84 : index
      %get3A_217 = tpu.vector_load %arg10[%get3A_215, %get3A_216] {strides = array<i32>} : memref<80x100xf32, #tpu.memory_space<vmem>>, vector<16xf32>,
      %pack3A_218 = tpu.pack_subelements %get3A_214, %get3A_217 {pack_format = #tpu.pack_format<interleaved>, positions = array<i32: 0, 1>} : vector<16xf32>, vector<16xf32> -> vector<32xbf16>
      %bitcast3A_219 = vector.bitcast %pack3A_218 : vector<32xbf16> to vector<16xf32>
      %add3A_220 = arith.constant 84 : i32
      %add3A_221 = arith.addi %mul3A_143, %add3A_220 : i32
      %swap3A_222 = arith.index_cast %add3A_221 : i32 to index
      %swap3A_223 = tpu.vector_load %arg6[%swap3A_222] {strides = array<i32>} : memref<8000xf32, #tpu.memory_space<vmem>>, vector<16xf32>,
      tpu.vector_store %arg6[%swap3A_222], %bitcast3A_219 {strides = array<i32>} : memref<8000xf32, #tpu.memory_space<vmem>>, vector<16xf32>,
      %scan3A_224 = arith.constant 0 : i32
      scf.yield %scan3A_224 : i32
    }
    %scan3A_81 = arith.constant 80 : i32
    %add3A_82 = arith.constant 4 : i32
    %add3A_83 = arith.addi %mul3A_56, %add3A_82 : i32
    "tpu.region"() ({
      %run_scoped3A = tpu.sem_alloc : memref<!tpu.dma_semaphore, #tpu.memory_space<semaphore_mem>>
      %dma_start3A = arith.constant 0 : i32
      %dma_start3A_140 = arith.constant 0 : i32
      %dma_start3A_141 = tpu.memref_slice %arg2[%select_n3A, %add3A_83, %dma_start3A, %dma_start3A_140] : memref<2x128x80x100xf32, #tpu.memory_space<hbm>> -> memref<1x1x80x100xf32, #tpu.memory_space<hbm>>
      %dma_start3A_142 = tpu.memref_squeeze %dma_start3A_141 : memref<1x1x80x100xf32, #tpu.memory_space<hbm>> -> memref<80x100xf32, #tpu.memory_space<hbm>>
      %dma_start3A_143 = arith.constant 0 : i32
      %dma_start3A_144 = arith.constant 0 : i32
      %dma_start3A_145 = tpu.memref_slice %arg2[%select_n3A, %add3A_83, %dma_start3A_143, %dma_start3A_144] : memref<2x128x80x100xf32, #tpu.memory_space<hbm>> -> memref<1x1x80x100xf32, #tpu.memory_space<hbm>>
      %dma_start3A_146 = tpu.memref_squeeze %dma_start3A_145 : memref<1x1x80x100xf32, #tpu.memory_space<hbm>> -> memref<80x100xf32, #tpu.memory_space<hbm>>
      tpu.enqueue_dma source(%dma_start3A_146 : memref<80x100xf32, #tpu.memory_space<hbm>>) target(%arg9 : memref<80x100xf32, #tpu.memory_space<vmem>>) target_semaphore(%run_scoped3A : memref<!tpu.dma_semaphore, #tpu.memory_space<semaphore_mem>>)
      %dma_wait3A = arith.constant 0 : i32
      %dma_wait3A_147 = arith.constant 0 : i32
      %dma_wait3A_148 = tpu.memref_slice %arg2[%select_n3A, %add3A_83, %dma_wait3A, %dma_wait3A_147] : memref<2x128x80x100xf32, #tpu.memory_space<hbm>> -> memref<1x1x80x100xf32, #tpu.memory_space<hbm>>
      %dma_wait3A_149 = tpu.memref_squeeze %dma_wait3A_148 : memref<1x1x80x100xf32, #tpu.memory_space<hbm>> -> memref<80x100xf32, #tpu.memory_space<hbm>>
      %dma_wait3A_150 = arith.constant 0 : i32
      %dma_wait3A_151 = arith.constant 0 : i32
      %dma_wait3A_152 = tpu.memref_slice %arg2[%select_n3A, %add3A_83, %dma_wait3A_150, %dma_wait3A_151] : memref<2x128x80x100xf32, #tpu.memory_space<hbm>> -> memref<1x1x80x100xf32, #tpu.memory_space<hbm>>
      %dma_wait3A_153 = tpu.memref_squeeze %dma_wait3A_152 : memref<1x1x80x100xf32, #tpu.memory_space<hbm>> -> memref<80x100xf32, #tpu.memory_space<hbm>>
      tpu.wait_dma2 semaphore(%run_scoped3A : memref<!tpu.dma_semaphore, #tpu.memory_space<semaphore_mem>>) src(%dma_wait3A_153 : memref<80x100xf32, #tpu.memory_space<hbm>>) dst(%arg9 : memref<80x100xf32, #tpu.memory_space<vmem>>)
      tpu.yield
    }) : () -> ()
    %add3A_84 = arith.constant 4 : i32
    %add3A_85 = arith.addi %mul3A_56, %add3A_84 : i32
    %add3A_86 = arith.constant 1 : i32
    %add3A_87 = arith.addi %add3A_85, %add3A_86 : i32
    "tpu.region"() ({
      %run_scoped3A = tpu.sem_alloc : memref<!tpu.dma_semaphore, #tpu.memory_space<semaphore_mem>>
      %dma_start3A = arith.constant 0 : i32
      %dma_start3A_140 = arith.constant 0 : i32
      %dma_start3A_141 = tpu.memref_slice %arg2[%select_n3A, %add3A_87, %dma_start3A, %dma_start3A_140] : memref<2x128x80x100xf32, #tpu.memory_space<hbm>> -> memref<1x1x80x100xf32, #tpu.memory_space<hbm>>
      %dma_start3A_142 = tpu.memref_squeeze %dma_start3A_141 : memref<1x1x80x100xf32, #tpu.memory_space<hbm>> -> memref<80x100xf32, #tpu.memory_space<hbm>>
      %dma_start3A_143 = arith.constant 0 : i32
      %dma_start3A_144 = arith.constant 0 : i32
      %dma_start3A_145 = tpu.memref_slice %arg2[%select_n3A, %add3A_87, %dma_start3A_143, %dma_start3A_144] : memref<2x128x80x100xf32, #tpu.memory_space<hbm>> -> memref<1x1x80x100xf32, #tpu.memory_space<hbm>>
      %dma_start3A_146 = tpu.memref_squeeze %dma_start3A_145 : memref<1x1x80x100xf32, #tpu.memory_space<hbm>> -> memref<80x100xf32, #tpu.memory_space<hbm>>
      tpu.enqueue_dma source(%dma_start3A_146 : memref<80x100xf32, #tpu.memory_space<hbm>>) target(%arg10 : memref<80x100xf32, #tpu.memory_space<vmem>>) target_semaphore(%run_scoped3A : memref<!tpu.dma_semaphore, #tpu.memory_space<semaphore_mem>>)
      %dma_wait3A = arith.constant 0 : i32
      %dma_wait3A_147 = arith.constant 0 : i32
      %dma_wait3A_148 = tpu.memref_slice %arg2[%select_n3A, %add3A_87, %dma_wait3A, %dma_wait3A_147] : memref<2x128x80x100xf32, #tpu.memory_space<hbm>> -> memref<1x1x80x100xf32, #tpu.memory_space<hbm>>
      %dma_wait3A_149 = tpu.memref_squeeze %dma_wait3A_148 : memref<1x1x80x100xf32, #tpu.memory_space<hbm>> -> memref<80x100xf32, #tpu.memory_space<hbm>>
      %dma_wait3A_150 = arith.constant 0 : i32
      %dma_wait3A_151 = arith.constant 0 : i32
      %dma_wait3A_152 = tpu.memref_slice %arg2[%select_n3A, %add3A_87, %dma_wait3A_150, %dma_wait3A_151] : memref<2x128x80x100xf32, #tpu.memory_space<hbm>> -> memref<1x1x80x100xf32, #tpu.memory_space<hbm>>
      %dma_wait3A_153 = tpu.memref_squeeze %dma_wait3A_152 : memref<1x1x80x100xf32, #tpu.memory_space<hbm>> -> memref<80x100xf32, #tpu.memory_space<hbm>>
      tpu.wait_dma2 semaphore(%run_scoped3A : memref<!tpu.dma_semaphore, #tpu.memory_space<semaphore_mem>>) src(%dma_wait3A_153 : memref<80x100xf32, #tpu.memory_space<hbm>>) dst(%arg10 : memref<80x100xf32, #tpu.memory_space<vmem>>)
      tpu.yield
    }) : () -> ()
    %scan3A_88 = arith.constant 0 : i32
    %scan3A_89 = arith.constant 0 : i32
    %scan3A_90 = arith.constant 80 : i32
    %scan3A_91 = arith.addi %scan3A_89, %scan3A_90 : i32
    %scan3A_92 = arith.constant 1 : i32
    %scan3A_93 = scf.for %scan3A_140 = %scan3A_89 to %scan3A_91 step %scan3A_92 iter_args(%scan3A_141 = %scan3A_88) -> (i32)  : i32 {
      %mul3A_142 = arith.constant 100 : i32
      %mul3A_143 = arith.muli %scan3A_140, %mul3A_142 : i32
      %get3A = arith.index_cast %scan3A_140 : i32 to index
      %get3A_144 = arith.constant 0 : index
      %get3A_145 = tpu.vector_load %arg9[%get3A, %get3A_144] {strides = array<i32>} : memref<80x100xf32, #tpu.memory_space<vmem>>, vector<16xf32>,
      %get3A_146 = arith.index_cast %scan3A_140 : i32 to index
      %get3A_147 = arith.constant 0 : index
      %get3A_148 = tpu.vector_load %arg10[%get3A_146, %get3A_147] {strides = array<i32>} : memref<80x100xf32, #tpu.memory_space<vmem>>, vector<16xf32>,
      %pack3A = tpu.pack_subelements %get3A_145, %get3A_148 {pack_format = #tpu.pack_format<interleaved>, positions = array<i32: 0, 1>} : vector<16xf32>, vector<16xf32> -> vector<32xbf16>
      %bitcast3A = vector.bitcast %pack3A : vector<32xbf16> to vector<16xf32>
      %add3A_149 = arith.constant 0 : i32
      %add3A_150 = arith.addi %mul3A_143, %add3A_149 : i32
      %swap3A = arith.index_cast %add3A_150 : i32 to index
      %swap3A_151 = tpu.vector_load %arg7[%swap3A] {strides = array<i32>} : memref<8000xf32, #tpu.memory_space<vmem>>, vector<16xf32>,
      tpu.vector_store %arg7[%swap3A], %bitcast3A {strides = array<i32>} : memref<8000xf32, #tpu.memory_space<vmem>>, vector<16xf32>,
      %get3A_152 = arith.index_cast %scan3A_140 : i32 to index
      %get3A_153 = arith.constant 16 : index
      %get3A_154 = tpu.vector_load %arg9[%get3A_152, %get3A_153] {strides = array<i32>} : memref<80x100xf32, #tpu.memory_space<vmem>>, vector<16xf32>,
      %get3A_155 = arith.index_cast %scan3A_140 : i32 to index
      %get3A_156 = arith.constant 16 : index
      %get3A_157 = tpu.vector_load %arg10[%get3A_155, %get3A_156] {strides = array<i32>} : memref<80x100xf32, #tpu.memory_space<vmem>>, vector<16xf32>,
      %pack3A_158 = tpu.pack_subelements %get3A_154, %get3A_157 {pack_format = #tpu.pack_format<interleaved>, positions = array<i32: 0, 1>} : vector<16xf32>, vector<16xf32> -> vector<32xbf16>
      %bitcast3A_159 = vector.bitcast %pack3A_158 : vector<32xbf16> to vector<16xf32>
      %add3A_160 = arith.constant 16 : i32
      %add3A_161 = arith.addi %mul3A_143, %add3A_160 : i32
      %swap3A_162 = arith.index_cast %add3A_161 : i32 to index
      %swap3A_163 = tpu.vector_load %arg7[%swap3A_162] {strides = array<i32>} : memref<8000xf32, #tpu.memory_space<vmem>>, vector<16xf32>,
      tpu.vector_store %arg7[%swap3A_162], %bitcast3A_159 {strides = array<i32>} : memref<8000xf32, #tpu.memory_space<vmem>>, vector<16xf32>,
      %get3A_164 = arith.index_cast %scan3A_140 : i32 to index
      %get3A_165 = arith.constant 32 : index
      %get3A_166 = tpu.vector_load %arg9[%get3A_164, %get3A_165] {strides = array<i32>} : memref<80x100xf32, #tpu.memory_space<vmem>>, vector<16xf32>,
      %get3A_167 = arith.index_cast %scan3A_140 : i32 to index
      %get3A_168 = arith.constant 32 : index
      %get3A_169 = tpu.vector_load %arg10[%get3A_167, %get3A_168] {strides = array<i32>} : memref<80x100xf32, #tpu.memory_space<vmem>>, vector<16xf32>,
      %pack3A_170 = tpu.pack_subelements %get3A_166, %get3A_169 {pack_format = #tpu.pack_format<interleaved>, positions = array<i32: 0, 1>} : vector<16xf32>, vector<16xf32> -> vector<32xbf16>
      %bitcast3A_171 = vector.bitcast %pack3A_170 : vector<32xbf16> to vector<16xf32>
      %add3A_172 = arith.constant 32 : i32
      %add3A_173 = arith.addi %mul3A_143, %add3A_172 : i32
      %swap3A_174 = arith.index_cast %add3A_173 : i32 to index
      %swap3A_175 = tpu.vector_load %arg7[%swap3A_174] {strides = array<i32>} : memref<8000xf32, #tpu.memory_space<vmem>>, vector<16xf32>,
      tpu.vector_store %arg7[%swap3A_174], %bitcast3A_171 {strides = array<i32>} : memref<8000xf32, #tpu.memory_space<vmem>>, vector<16xf32>,
      %get3A_176 = arith.index_cast %scan3A_140 : i32 to index
      %get3A_177 = arith.constant 48 : index
      %get3A_178 = tpu.vector_load %arg9[%get3A_176, %get3A_177] {strides = array<i32>} : memref<80x100xf32, #tpu.memory_space<vmem>>, vector<16xf32>,
      %get3A_179 = arith.index_cast %scan3A_140 : i32 to index
      %get3A_180 = arith.constant 48 : index
      %get3A_181 = tpu.vector_load %arg10[%get3A_179, %get3A_180] {strides = array<i32>} : memref<80x100xf32, #tpu.memory_space<vmem>>, vector<16xf32>,
      %pack3A_182 = tpu.pack_subelements %get3A_178, %get3A_181 {pack_format = #tpu.pack_format<interleaved>, positions = array<i32: 0, 1>} : vector<16xf32>, vector<16xf32> -> vector<32xbf16>
      %bitcast3A_183 = vector.bitcast %pack3A_182 : vector<32xbf16> to vector<16xf32>
      %add3A_184 = arith.constant 48 : i32
      %add3A_185 = arith.addi %mul3A_143, %add3A_184 : i32
      %swap3A_186 = arith.index_cast %add3A_185 : i32 to index
      %swap3A_187 = tpu.vector_load %arg7[%swap3A_186] {strides = array<i32>} : memref<8000xf32, #tpu.memory_space<vmem>>, vector<16xf32>,
      tpu.vector_store %arg7[%swap3A_186], %bitcast3A_183 {strides = array<i32>} : memref<8000xf32, #tpu.memory_space<vmem>>, vector<16xf32>,
      %get3A_188 = arith.index_cast %scan3A_140 : i32 to index
      %get3A_189 = arith.constant 64 : index
      %get3A_190 = tpu.vector_load %arg9[%get3A_188, %get3A_189] {strides = array<i32>} : memref<80x100xf32, #tpu.memory_space<vmem>>, vector<16xf32>,
      %get3A_191 = arith.index_cast %scan3A_140 : i32 to index
      %get3A_192 = arith.constant 64 : index
      %get3A_193 = tpu.vector_load %arg10[%get3A_191, %get3A_192] {strides = array<i32>} : memref<80x100xf32, #tpu.memory_space<vmem>>, vector<16xf32>,
      %pack3A_194 = tpu.pack_subelements %get3A_190, %get3A_193 {pack_format = #tpu.pack_format<interleaved>, positions = array<i32: 0, 1>} : vector<16xf32>, vector<16xf32> -> vector<32xbf16>
      %bitcast3A_195 = vector.bitcast %pack3A_194 : vector<32xbf16> to vector<16xf32>
      %add3A_196 = arith.constant 64 : i32
      %add3A_197 = arith.addi %mul3A_143, %add3A_196 : i32
      %swap3A_198 = arith.index_cast %add3A_197 : i32 to index
      %swap3A_199 = tpu.vector_load %arg7[%swap3A_198] {strides = array<i32>} : memref<8000xf32, #tpu.memory_space<vmem>>, vector<16xf32>,
      tpu.vector_store %arg7[%swap3A_198], %bitcast3A_195 {strides = array<i32>} : memref<8000xf32, #tpu.memory_space<vmem>>, vector<16xf32>,
      %get3A_200 = arith.index_cast %scan3A_140 : i32 to index
      %get3A_201 = arith.constant 80 : index
      %get3A_202 = tpu.vector_load %arg9[%get3A_200, %get3A_201] {strides = array<i32>} : memref<80x100xf32, #tpu.memory_space<vmem>>, vector<16xf32>,
      %get3A_203 = arith.index_cast %scan3A_140 : i32 to index
      %get3A_204 = arith.constant 80 : index
      %get3A_205 = tpu.vector_load %arg10[%get3A_203, %get3A_204] {strides = array<i32>} : memref<80x100xf32, #tpu.memory_space<vmem>>, vector<16xf32>,
      %pack3A_206 = tpu.pack_subelements %get3A_202, %get3A_205 {pack_format = #tpu.pack_format<interleaved>, positions = array<i32: 0, 1>} : vector<16xf32>, vector<16xf32> -> vector<32xbf16>
      %bitcast3A_207 = vector.bitcast %pack3A_206 : vector<32xbf16> to vector<16xf32>
      %add3A_208 = arith.constant 80 : i32
      %add3A_209 = arith.addi %mul3A_143, %add3A_208 : i32
      %swap3A_210 = arith.index_cast %add3A_209 : i32 to index
      %swap3A_211 = tpu.vector_load %arg7[%swap3A_210] {strides = array<i32>} : memref<8000xf32, #tpu.memory_space<vmem>>, vector<16xf32>,
      tpu.vector_store %arg7[%swap3A_210], %bitcast3A_207 {strides = array<i32>} : memref<8000xf32, #tpu.memory_space<vmem>>, vector<16xf32>,
      %get3A_212 = arith.index_cast %scan3A_140 : i32 to index
      %get3A_213 = arith.constant 84 : index
      %get3A_214 = tpu.vector_load %arg9[%get3A_212, %get3A_213] {strides = array<i32>} : memref<80x100xf32, #tpu.memory_space<vmem>>, vector<16xf32>,
      %get3A_215 = arith.index_cast %scan3A_140 : i32 to index
      %get3A_216 = arith.constant 84 : index
      %get3A_217 = tpu.vector_load %arg10[%get3A_215, %get3A_216] {strides = array<i32>} : memref<80x100xf32, #tpu.memory_space<vmem>>, vector<16xf32>,
      %pack3A_218 = tpu.pack_subelements %get3A_214, %get3A_217 {pack_format = #tpu.pack_format<interleaved>, positions = array<i32: 0, 1>} : vector<16xf32>, vector<16xf32> -> vector<32xbf16>
      %bitcast3A_219 = vector.bitcast %pack3A_218 : vector<32xbf16> to vector<16xf32>
      %add3A_220 = arith.constant 84 : i32
      %add3A_221 = arith.addi %mul3A_143, %add3A_220 : i32
      %swap3A_222 = arith.index_cast %add3A_221 : i32 to index
      %swap3A_223 = tpu.vector_load %arg7[%swap3A_222] {strides = array<i32>} : memref<8000xf32, #tpu.memory_space<vmem>>, vector<16xf32>,
      tpu.vector_store %arg7[%swap3A_222], %bitcast3A_219 {strides = array<i32>} : memref<8000xf32, #tpu.memory_space<vmem>>, vector<16xf32>,
      %scan3A_224 = arith.constant 0 : i32
      scf.yield %scan3A_224 : i32
    }
    %scan3A_94 = arith.constant 80 : i32
    %add3A_95 = arith.constant 6 : i32
    %add3A_96 = arith.addi %mul3A_56, %add3A_95 : i32
    "tpu.region"() ({
      %run_scoped3A = tpu.sem_alloc : memref<!tpu.dma_semaphore, #tpu.memory_space<semaphore_mem>>
      %dma_start3A = arith.constant 0 : i32
      %dma_start3A_140 = arith.constant 0 : i32
      %dma_start3A_141 = tpu.memref_slice %arg2[%select_n3A, %add3A_96, %dma_start3A, %dma_start3A_140] : memref<2x128x80x100xf32, #tpu.memory_space<hbm>> -> memref<1x1x80x100xf32, #tpu.memory_space<hbm>>
      %dma_start3A_142 = tpu.memref_squeeze %dma_start3A_141 : memref<1x1x80x100xf32, #tpu.memory_space<hbm>> -> memref<80x100xf32, #tpu.memory_space<hbm>>
      %dma_start3A_143 = arith.constant 0 : i32
      %dma_start3A_144 = arith.constant 0 : i32
      %dma_start3A_145 = tpu.memref_slice %arg2[%select_n3A, %add3A_96, %dma_start3A_143, %dma_start3A_144] : memref<2x128x80x100xf32, #tpu.memory_space<hbm>> -> memref<1x1x80x100xf32, #tpu.memory_space<hbm>>
      %dma_start3A_146 = tpu.memref_squeeze %dma_start3A_145 : memref<1x1x80x100xf32, #tpu.memory_space<hbm>> -> memref<80x100xf32, #tpu.memory_space<hbm>>
      tpu.enqueue_dma source(%dma_start3A_146 : memref<80x100xf32, #tpu.memory_space<hbm>>) target(%arg9 : memref<80x100xf32, #tpu.memory_space<vmem>>) target_semaphore(%run_scoped3A : memref<!tpu.dma_semaphore, #tpu.memory_space<semaphore_mem>>)
      %dma_wait3A = arith.constant 0 : i32
      %dma_wait3A_147 = arith.constant 0 : i32
      %dma_wait3A_148 = tpu.memref_slice %arg2[%select_n3A, %add3A_96, %dma_wait3A, %dma_wait3A_147] : memref<2x128x80x100xf32, #tpu.memory_space<hbm>> -> memref<1x1x80x100xf32, #tpu.memory_space<hbm>>
      %dma_wait3A_149 = tpu.memref_squeeze %dma_wait3A_148 : memref<1x1x80x100xf32, #tpu.memory_space<hbm>> -> memref<80x100xf32, #tpu.memory_space<hbm>>
      %dma_wait3A_150 = arith.constant 0 : i32
      %dma_wait3A_151 = arith.constant 0 : i32
      %dma_wait3A_152 = tpu.memref_slice %arg2[%select_n3A, %add3A_96, %dma_wait3A_150, %dma_wait3A_151] : memref<2x128x80x100xf32, #tpu.memory_space<hbm>> -> memref<1x1x80x100xf32, #tpu.memory_space<hbm>>
      %dma_wait3A_153 = tpu.memref_squeeze %dma_wait3A_152 : memref<1x1x80x100xf32, #tpu.memory_space<hbm>> -> memref<80x100xf32, #tpu.memory_space<hbm>>
      tpu.wait_dma2 semaphore(%run_scoped3A : memref<!tpu.dma_semaphore, #tpu.memory_space<semaphore_mem>>) src(%dma_wait3A_153 : memref<80x100xf32, #tpu.memory_space<hbm>>) dst(%arg9 : memref<80x100xf32, #tpu.memory_space<vmem>>)
      tpu.yield
    }) : () -> ()
    %add3A_97 = arith.constant 6 : i32
    %add3A_98 = arith.addi %mul3A_56, %add3A_97 : i32
    %add3A_99 = arith.constant 1 : i32
    %add3A_100 = arith.addi %add3A_98, %add3A_99 : i32
    "tpu.region"() ({
      %run_scoped3A = tpu.sem_alloc : memref<!tpu.dma_semaphore, #tpu.memory_space<semaphore_mem>>
      %dma_start3A = arith.constant 0 : i32
      %dma_start3A_140 = arith.constant 0 : i32
      %dma_start3A_141 = tpu.memref_slice %arg2[%select_n3A, %add3A_100, %dma_start3A, %dma_start3A_140] : memref<2x128x80x100xf32, #tpu.memory_space<hbm>> -> memref<1x1x80x100xf32, #tpu.memory_space<hbm>>
      %dma_start3A_142 = tpu.memref_squeeze %dma_start3A_141 : memref<1x1x80x100xf32, #tpu.memory_space<hbm>> -> memref<80x100xf32, #tpu.memory_space<hbm>>
      %dma_start3A_143 = arith.constant 0 : i32
      %dma_start3A_144 = arith.constant 0 : i32
      %dma_start3A_145 = tpu.memref_slice %arg2[%select_n3A, %add3A_100, %dma_start3A_143, %dma_start3A_144] : memref<2x128x80x100xf32, #tpu.memory_space<hbm>> -> memref<1x1x80x100xf32, #tpu.memory_space<hbm>>
      %dma_start3A_146 = tpu.memref_squeeze %dma_start3A_145 : memref<1x1x80x100xf32, #tpu.memory_space<hbm>> -> memref<80x100xf32, #tpu.memory_space<hbm>>
      tpu.enqueue_dma source(%dma_start3A_146 : memref<80x100xf32, #tpu.memory_space<hbm>>) target(%arg10 : memref<80x100xf32, #tpu.memory_space<vmem>>) target_semaphore(%run_scoped3A : memref<!tpu.dma_semaphore, #tpu.memory_space<semaphore_mem>>)
      %dma_wait3A = arith.constant 0 : i32
      %dma_wait3A_147 = arith.constant 0 : i32
      %dma_wait3A_148 = tpu.memref_slice %arg2[%select_n3A, %add3A_100, %dma_wait3A, %dma_wait3A_147] : memref<2x128x80x100xf32, #tpu.memory_space<hbm>> -> memref<1x1x80x100xf32, #tpu.memory_space<hbm>>
      %dma_wait3A_149 = tpu.memref_squeeze %dma_wait3A_148 : memref<1x1x80x100xf32, #tpu.memory_space<hbm>> -> memref<80x100xf32, #tpu.memory_space<hbm>>
      %dma_wait3A_150 = arith.constant 0 : i32
      %dma_wait3A_151 = arith.constant 0 : i32
      %dma_wait3A_152 = tpu.memref_slice %arg2[%select_n3A, %add3A_100, %dma_wait3A_150, %dma_wait3A_151] : memref<2x128x80x100xf32, #tpu.memory_space<hbm>> -> memref<1x1x80x100xf32, #tpu.memory_space<hbm>>
      %dma_wait3A_153 = tpu.memref_squeeze %dma_wait3A_152 : memref<1x1x80x100xf32, #tpu.memory_space<hbm>> -> memref<80x100xf32, #tpu.memory_space<hbm>>
      tpu.wait_dma2 semaphore(%run_scoped3A : memref<!tpu.dma_semaphore, #tpu.memory_space<semaphore_mem>>) src(%dma_wait3A_153 : memref<80x100xf32, #tpu.memory_space<hbm>>) dst(%arg10 : memref<80x100xf32, #tpu.memory_space<vmem>>)
      tpu.yield
    }) : () -> ()
    %scan3A_101 = arith.constant 0 : i32
    %scan3A_102 = arith.constant 0 : i32
    %scan3A_103 = arith.constant 80 : i32
    %scan3A_104 = arith.addi %scan3A_102, %scan3A_103 : i32
    %scan3A_105 = arith.constant 1 : i32
    %scan3A_106 = scf.for %scan3A_140 = %scan3A_102 to %scan3A_104 step %scan3A_105 iter_args(%scan3A_141 = %scan3A_101) -> (i32)  : i32 {
      %mul3A_142 = arith.constant 100 : i32
      %mul3A_143 = arith.muli %scan3A_140, %mul3A_142 : i32
      %get3A = arith.index_cast %scan3A_140 : i32 to index
      %get3A_144 = arith.constant 0 : index
      %get3A_145 = tpu.vector_load %arg9[%get3A, %get3A_144] {strides = array<i32>} : memref<80x100xf32, #tpu.memory_space<vmem>>, vector<16xf32>,
      %get3A_146 = arith.index_cast %scan3A_140 : i32 to index
      %get3A_147 = arith.constant 0 : index
      %get3A_148 = tpu.vector_load %arg10[%get3A_146, %get3A_147] {strides = array<i32>} : memref<80x100xf32, #tpu.memory_space<vmem>>, vector<16xf32>,
      %pack3A = tpu.pack_subelements %get3A_145, %get3A_148 {pack_format = #tpu.pack_format<interleaved>, positions = array<i32: 0, 1>} : vector<16xf32>, vector<16xf32> -> vector<32xbf16>
      %bitcast3A = vector.bitcast %pack3A : vector<32xbf16> to vector<16xf32>
      %add3A_149 = arith.constant 0 : i32
      %add3A_150 = arith.addi %mul3A_143, %add3A_149 : i32
      %swap3A = arith.index_cast %add3A_150 : i32 to index
      %swap3A_151 = tpu.vector_load %arg8[%swap3A] {strides = array<i32>} : memref<8000xf32, #tpu.memory_space<vmem>>, vector<16xf32>,
      tpu.vector_store %arg8[%swap3A], %bitcast3A {strides = array<i32>} : memref<8000xf32, #tpu.memory_space<vmem>>, vector<16xf32>,
      %get3A_152 = arith.index_cast %scan3A_140 : i32 to index
      %get3A_153 = arith.constant 16 : index
      %get3A_154 = tpu.vector_load %arg9[%get3A_152, %get3A_153] {strides = array<i32>} : memref<80x100xf32, #tpu.memory_space<vmem>>, vector<16xf32>,
      %get3A_155 = arith.index_cast %scan3A_140 : i32 to index
      %get3A_156 = arith.constant 16 : index
      %get3A_157 = tpu.vector_load %arg10[%get3A_155, %get3A_156] {strides = array<i32>} : memref<80x100xf32, #tpu.memory_space<vmem>>, vector<16xf32>,
      %pack3A_158 = tpu.pack_subelements %get3A_154, %get3A_157 {pack_format = #tpu.pack_format<interleaved>, positions = array<i32: 0, 1>} : vector<16xf32>, vector<16xf32> -> vector<32xbf16>
      %bitcast3A_159 = vector.bitcast %pack3A_158 : vector<32xbf16> to vector<16xf32>
      %add3A_160 = arith.constant 16 : i32
      %add3A_161 = arith.addi %mul3A_143, %add3A_160 : i32
      %swap3A_162 = arith.index_cast %add3A_161 : i32 to index
      %swap3A_163 = tpu.vector_load %arg8[%swap3A_162] {strides = array<i32>} : memref<8000xf32, #tpu.memory_space<vmem>>, vector<16xf32>,
      tpu.vector_store %arg8[%swap3A_162], %bitcast3A_159 {strides = array<i32>} : memref<8000xf32, #tpu.memory_space<vmem>>, vector<16xf32>,
      %get3A_164 = arith.index_cast %scan3A_140 : i32 to index
      %get3A_165 = arith.constant 32 : index
      %get3A_166 = tpu.vector_load %arg9[%get3A_164, %get3A_165] {strides = array<i32>} : memref<80x100xf32, #tpu.memory_space<vmem>>, vector<16xf32>,
      %get3A_167 = arith.index_cast %scan3A_140 : i32 to index
      %get3A_168 = arith.constant 32 : index
      %get3A_169 = tpu.vector_load %arg10[%get3A_167, %get3A_168] {strides = array<i32>} : memref<80x100xf32, #tpu.memory_space<vmem>>, vector<16xf32>,
      %pack3A_170 = tpu.pack_subelements %get3A_166, %get3A_169 {pack_format = #tpu.pack_format<interleaved>, positions = array<i32: 0, 1>} : vector<16xf32>, vector<16xf32> -> vector<32xbf16>
      %bitcast3A_171 = vector.bitcast %pack3A_170 : vector<32xbf16> to vector<16xf32>
      %add3A_172 = arith.constant 32 : i32
      %add3A_173 = arith.addi %mul3A_143, %add3A_172 : i32
      %swap3A_174 = arith.index_cast %add3A_173 : i32 to index
      %swap3A_175 = tpu.vector_load %arg8[%swap3A_174] {strides = array<i32>} : memref<8000xf32, #tpu.memory_space<vmem>>, vector<16xf32>,
      tpu.vector_store %arg8[%swap3A_174], %bitcast3A_171 {strides = array<i32>} : memref<8000xf32, #tpu.memory_space<vmem>>, vector<16xf32>,
      %get3A_176 = arith.index_cast %scan3A_140 : i32 to index
      %get3A_177 = arith.constant 48 : index
      %get3A_178 = tpu.vector_load %arg9[%get3A_176, %get3A_177] {strides = array<i32>} : memref<80x100xf32, #tpu.memory_space<vmem>>, vector<16xf32>,
      %get3A_179 = arith.index_cast %scan3A_140 : i32 to index
      %get3A_180 = arith.constant 48 : index
      %get3A_181 = tpu.vector_load %arg10[%get3A_179, %get3A_180] {strides = array<i32>} : memref<80x100xf32, #tpu.memory_space<vmem>>, vector<16xf32>,
      %pack3A_182 = tpu.pack_subelements %get3A_178, %get3A_181 {pack_format = #tpu.pack_format<interleaved>, positions = array<i32: 0, 1>} : vector<16xf32>, vector<16xf32> -> vector<32xbf16>
      %bitcast3A_183 = vector.bitcast %pack3A_182 : vector<32xbf16> to vector<16xf32>
      %add3A_184 = arith.constant 48 : i32
      %add3A_185 = arith.addi %mul3A_143, %add3A_184 : i32
      %swap3A_186 = arith.index_cast %add3A_185 : i32 to index
      %swap3A_187 = tpu.vector_load %arg8[%swap3A_186] {strides = array<i32>} : memref<8000xf32, #tpu.memory_space<vmem>>, vector<16xf32>,
      tpu.vector_store %arg8[%swap3A_186], %bitcast3A_183 {strides = array<i32>} : memref<8000xf32, #tpu.memory_space<vmem>>, vector<16xf32>,
      %get3A_188 = arith.index_cast %scan3A_140 : i32 to index
      %get3A_189 = arith.constant 64 : index
      %get3A_190 = tpu.vector_load %arg9[%get3A_188, %get3A_189] {strides = array<i32>} : memref<80x100xf32, #tpu.memory_space<vmem>>, vector<16xf32>,
      %get3A_191 = arith.index_cast %scan3A_140 : i32 to index
      %get3A_192 = arith.constant 64 : index
      %get3A_193 = tpu.vector_load %arg10[%get3A_191, %get3A_192] {strides = array<i32>} : memref<80x100xf32, #tpu.memory_space<vmem>>, vector<16xf32>,
      %pack3A_194 = tpu.pack_subelements %get3A_190, %get3A_193 {pack_format = #tpu.pack_format<interleaved>, positions = array<i32: 0, 1>} : vector<16xf32>, vector<16xf32> -> vector<32xbf16>
      %bitcast3A_195 = vector.bitcast %pack3A_194 : vector<32xbf16> to vector<16xf32>
      %add3A_196 = arith.constant 64 : i32
      %add3A_197 = arith.addi %mul3A_143, %add3A_196 : i32
      %swap3A_198 = arith.index_cast %add3A_197 : i32 to index
      %swap3A_199 = tpu.vector_load %arg8[%swap3A_198] {strides = array<i32>} : memref<8000xf32, #tpu.memory_space<vmem>>, vector<16xf32>,
      tpu.vector_store %arg8[%swap3A_198], %bitcast3A_195 {strides = array<i32>} : memref<8000xf32, #tpu.memory_space<vmem>>, vector<16xf32>,
      %get3A_200 = arith.index_cast %scan3A_140 : i32 to index
      %get3A_201 = arith.constant 80 : index
      %get3A_202 = tpu.vector_load %arg9[%get3A_200, %get3A_201] {strides = array<i32>} : memref<80x100xf32, #tpu.memory_space<vmem>>, vector<16xf32>,
      %get3A_203 = arith.index_cast %scan3A_140 : i32 to index
      %get3A_204 = arith.constant 80 : index
      %get3A_205 = tpu.vector_load %arg10[%get3A_203, %get3A_204] {strides = array<i32>} : memref<80x100xf32, #tpu.memory_space<vmem>>, vector<16xf32>,
      %pack3A_206 = tpu.pack_subelements %get3A_202, %get3A_205 {pack_format = #tpu.pack_format<interleaved>, positions = array<i32: 0, 1>} : vector<16xf32>, vector<16xf32> -> vector<32xbf16>
      %bitcast3A_207 = vector.bitcast %pack3A_206 : vector<32xbf16> to vector<16xf32>
      %add3A_208 = arith.constant 80 : i32
      %add3A_209 = arith.addi %mul3A_143, %add3A_208 : i32
      %swap3A_210 = arith.index_cast %add3A_209 : i32 to index
      %swap3A_211 = tpu.vector_load %arg8[%swap3A_210] {strides = array<i32>} : memref<8000xf32, #tpu.memory_space<vmem>>, vector<16xf32>,
      tpu.vector_store %arg8[%swap3A_210], %bitcast3A_207 {strides = array<i32>} : memref<8000xf32, #tpu.memory_space<vmem>>, vector<16xf32>,
      %get3A_212 = arith.index_cast %scan3A_140 : i32 to index
      %get3A_213 = arith.constant 84 : index
      %get3A_214 = tpu.vector_load %arg9[%get3A_212, %get3A_213] {strides = array<i32>} : memref<80x100xf32, #tpu.memory_space<vmem>>, vector<16xf32>,
      %get3A_215 = arith.index_cast %scan3A_140 : i32 to index
      %get3A_216 = arith.constant 84 : index
      %get3A_217 = tpu.vector_load %arg10[%get3A_215, %get3A_216] {strides = array<i32>} : memref<80x100xf32, #tpu.memory_space<vmem>>, vector<16xf32>,
      %pack3A_218 = tpu.pack_subelements %get3A_214, %get3A_217 {pack_format = #tpu.pack_format<interleaved>, positions = array<i32: 0, 1>} : vector<16xf32>, vector<16xf32> -> vector<32xbf16>
      %bitcast3A_219 = vector.bitcast %pack3A_218 : vector<32xbf16> to vector<16xf32>
      %add3A_220 = arith.constant 84 : i32
      %add3A_221 = arith.addi %mul3A_143, %add3A_220 : i32
      %swap3A_222 = arith.index_cast %add3A_221 : i32 to index
      %swap3A_223 = tpu.vector_load %arg8[%swap3A_222] {strides = array<i32>} : memref<8000xf32, #tpu.memory_space<vmem>>, vector<16xf32>,
      tpu.vector_store %arg8[%swap3A_222], %bitcast3A_219 {strides = array<i32>} : memref<8000xf32, #tpu.memory_space<vmem>>, vector<16xf32>,
      %scan3A_224 = arith.constant 0 : i32
      scf.yield %scan3A_224 : i32
    }
    %scan3A_107 = arith.constant 80 : i32
    "tpu.region"() ({
      %run_scoped3A = tpu.sem_alloc : memref<!tpu.dma_semaphore, #tpu.memory_space<semaphore_mem>>
      %dma_start3A = arith.constant 0 : i32
      %dma_start3A_140 = arith.constant 0 : i32
      %dma_start3A_141 = tpu.memref_slice %arg3[%select_n3A, %dma_start3A, %dma_start3A_140] : memref<2x4x8000xf32, #tpu.memory_space<hbm>> -> memref<1x4x8000xf32, #tpu.memory_space<hbm>>
      %dma_start3A_142 = tpu.memref_squeeze %dma_start3A_141 : memref<1x4x8000xf32, #tpu.memory_space<hbm>> -> memref<4x8000xf32, #tpu.memory_space<hbm>>
      %dma_start3A_143 = arith.constant 0 : i32
      %dma_start3A_144 = arith.constant 0 : i32
      %dma_start3A_145 = tpu.memref_slice %arg3[%select_n3A, %dma_start3A_143, %dma_start3A_144] : memref<2x4x8000xf32, #tpu.memory_space<hbm>> -> memref<1x4x8000xf32, #tpu.memory_space<hbm>>
      %dma_start3A_146 = tpu.memref_squeeze %dma_start3A_145 : memref<1x4x8000xf32, #tpu.memory_space<hbm>> -> memref<4x8000xf32, #tpu.memory_space<hbm>>
      tpu.enqueue_dma source(%dma_start3A_146 : memref<4x8000xf32, #tpu.memory_space<hbm>>) target(%arg11 : memref<4x8000xf32, #tpu.memory_space<vmem>>) target_semaphore(%run_scoped3A : memref<!tpu.dma_semaphore, #tpu.memory_space<semaphore_mem>>)
      %dma_wait3A = arith.constant 0 : i32
      %dma_wait3A_147 = arith.constant 0 : i32
      %dma_wait3A_148 = tpu.memref_slice %arg3[%select_n3A, %dma_wait3A, %dma_wait3A_147] : memref<2x4x8000xf32, #tpu.memory_space<hbm>> -> memref<1x4x8000xf32, #tpu.memory_space<hbm>>
      %dma_wait3A_149 = tpu.memref_squeeze %dma_wait3A_148 : memref<1x4x8000xf32, #tpu.memory_space<hbm>> -> memref<4x8000xf32, #tpu.memory_space<hbm>>
      %dma_wait3A_150 = arith.constant 0 : i32
      %dma_wait3A_151 = arith.constant 0 : i32
      %dma_wait3A_152 = tpu.memref_slice %arg3[%select_n3A, %dma_wait3A_150, %dma_wait3A_151] : memref<2x4x8000xf32, #tpu.memory_space<hbm>> -> memref<1x4x8000xf32, #tpu.memory_space<hbm>>
      %dma_wait3A_153 = tpu.memref_squeeze %dma_wait3A_152 : memref<1x4x8000xf32, #tpu.memory_space<hbm>> -> memref<4x8000xf32, #tpu.memory_space<hbm>>
      tpu.wait_dma2 semaphore(%run_scoped3A : memref<!tpu.dma_semaphore, #tpu.memory_space<semaphore_mem>>) src(%dma_wait3A_153 : memref<4x8000xf32, #tpu.memory_space<hbm>>) dst(%arg11 : memref<4x8000xf32, #tpu.memory_space<vmem>>)
      tpu.yield
    }) : () -> ()
    %ge3A = arith.constant 2 : i32
    %ge3A_108 = arith.cmpi sge, %select_n3A_54, %ge3A : i32
    %jit3A_109 = arith.constant 1.000000e+00 : f32
    %jit3A_110 = arith.constant 0.000000e+00 : f32
    %select_n3A_111 = arith.select %ge3A_108, %jit3A_109, %jit3A_110 : f32
    %eq3A_112 = arith.constant 0 : i32
    %eq3A_113 = arith.cmpi eq, %select_n3A_54, %eq3A_112 : i32
    %jit3A_114 = arith.constant 1.000000e+00 : f32
    %jit3A_115 = arith.constant 0.000000e+00 : f32
    %select_n3A_116 = arith.select %eq3A_113, %jit3A_114, %jit3A_115 : f32
    %eq3A_117 = arith.constant 2 : i32
    %eq3A_118 = arith.cmpi eq, %select_n3A_54, %eq3A_117 : i32
    %jit3A_119 = arith.constant 1.000000e+00 : f32
    %jit3A_120 = arith.constant 0.000000e+00 : f32
    %select_n3A_121 = arith.select %eq3A_118, %jit3A_119, %jit3A_120 : f32
    %sub3A_122 = arith.subf %select_n3A_116, %select_n3A_121 : f32
    %eq3A_123 = arith.constant 1 : i32
    %eq3A_124 = arith.cmpi eq, %select_n3A_54, %eq3A_123 : i32
    %jit3A_125 = arith.constant 1.000000e+00 : f32
    %jit3A_126 = arith.constant 0.000000e+00 : f32
    %select_n3A_127 = arith.select %eq3A_124, %jit3A_125, %jit3A_126 : f32
    %eq3A_128 = arith.constant 3 : i32
    %eq3A_129 = arith.cmpi eq, %select_n3A_54, %eq3A_128 : i32
    %jit3A_130 = arith.constant 1.000000e+00 : f32
    %jit3A_131 = arith.constant 0.000000e+00 : f32
    %select_n3A_132 = arith.select %eq3A_129, %jit3A_130, %jit3A_131 : f32
    %sub3A_133 = arith.subf %select_n3A_127, %select_n3A_132 : f32
    %scan3A_134 = arith.constant 0 : i32
    %scan3A_135 = arith.constant 0 : i32
    %scan3A_136 = arith.constant 4 : i32
    %scan3A_137 = arith.addi %scan3A_135, %scan3A_136 : i32
    %scan3A_138 = arith.constant 1 : i32
    scf.for %scan3A_140 = %scan3A_135 to %scan3A_137 step %scan3A_138  : i32 {
      %scan3A_141 = arith.constant 0 : i32
      %scan3A_142 = arith.constant 125 : i32
      %scan3A_143 = arith.addi %scan3A_141, %scan3A_142 : i32
      %scan3A_144 = arith.constant 1 : i32
      scf.for %scan3A_153 = %scan3A_141 to %scan3A_143 step %scan3A_144  : i32 {
        %mul3A_154 = arith.constant 2000 : i32
        %mul3A_155 = arith.muli %scan3A_140, %mul3A_154 : i32
        %mul3A_156 = arith.constant 16 : i32
        %mul3A_157 = arith.muli %scan3A_153, %mul3A_156 : i32
        %add3A_158 = arith.addi %mul3A_155, %mul3A_157 : i32
        %get3A = arith.constant 0 : i32
        %get3A_159 = arith.index_cast %get3A : i32 to index
        %get3A_160 = arith.index_cast %add3A_158 : i32 to index
        %get3A_161 = tpu.vector_load %arg11[%get3A_159, %get3A_160] {strides = array<i32>} : memref<4x8000xf32, #tpu.memory_space<vmem>>, vector<16xf32>,
        %get3A_162 = arith.constant 1 : i32
        %get3A_163 = arith.index_cast %get3A_162 : i32 to index
        %get3A_164 = arith.index_cast %add3A_158 : i32 to index
        %get3A_165 = tpu.vector_load %arg11[%get3A_163, %get3A_164] {strides = array<i32>} : memref<4x8000xf32, #tpu.memory_space<vmem>>, vector<16xf32>,
        %get3A_166 = arith.constant 2 : i32
        %get3A_167 = arith.index_cast %get3A_166 : i32 to index
        %get3A_168 = arith.index_cast %add3A_158 : i32 to index
        %get3A_169 = tpu.vector_load %arg11[%get3A_167, %get3A_168] {strides = array<i32>} : memref<4x8000xf32, #tpu.memory_space<vmem>>, vector<16xf32>,
        %get3A_170 = arith.constant 3 : i32
        %get3A_171 = arith.index_cast %get3A_170 : i32 to index
        %get3A_172 = arith.index_cast %add3A_158 : i32 to index
        %get3A_173 = tpu.vector_load %arg11[%get3A_171, %get3A_172] {strides = array<i32>} : memref<4x8000xf32, #tpu.memory_space<vmem>>, vector<16xf32>,
        %sub3A_174 = arith.subf %get3A_169, %get3A_161 : vector<16xf32>
        %sub3A_175 = arith.subf %get3A_173, %get3A_165 : vector<16xf32>
        %mul3A_176 = arith.constant 1.000000e-01 : f32
        %mul3A_177 = arith.mulf %sub3A_122, %mul3A_176 : f32
        %mul3A_178 = vector.broadcast %mul3A_177 : f32 to vector<16xf32>
        %mul3A_179 = arith.mulf %sub3A_174, %mul3A_178 : vector<16xf32>
        %mul3A_180 = arith.constant 1.000000e-01 : f32
        %mul3A_181 = arith.mulf %sub3A_133, %mul3A_180 : f32
        %mul3A_182 = vector.broadcast %mul3A_181 : f32 to vector<16xf32>
        %mul3A_183 = arith.mulf %sub3A_175, %mul3A_182 : vector<16xf32>
        %mul3A_184 = vector.broadcast %select_n3A_111 : f32 to vector<16xf32>
        %mul3A_185 = arith.mulf %sub3A_174, %mul3A_184 : vector<16xf32>
        %add3A_186 = arith.addf %get3A_161, %mul3A_185 : vector<16xf32>
        %mul3A_187 = vector.broadcast %select_n3A_111 : f32 to vector<16xf32>
        %mul3A_188 = arith.mulf %sub3A_175, %mul3A_187 : vector<16xf32>
        %add3A_189 = arith.addf %get3A_165, %mul3A_188 : vector<16xf32>
        %mul3A_190 = arith.constant 0.000000e+00 : f32
        %mul3A_191 = vector.broadcast %mul3A_190 : f32 to vector<16xf32>
        %mul3A_192 = arith.mulf %mul3A_191, %mul3A_179 : vector<16xf32>
        %add3A_193 = arith.addf %add3A_186, %mul3A_192 : vector<16xf32>
        %max3A = arith.constant 0.000000e+00 : f32
        %max3A_194 = vector.broadcast %max3A : f32 to vector<16xf32>
        %max3A_195 = arith.maximumf %add3A_193, %max3A_194 : vector<16xf32>
        %mul3A_196 = arith.constant 0.000000e+00 : f32
        %mul3A_197 = vector.broadcast %mul3A_196 : f32 to vector<16xf32>
        %mul3A_198 = arith.mulf %mul3A_197, %mul3A_183 : vector<16xf32>
        %add3A_199 = arith.addf %add3A_189, %mul3A_198 : vector<16xf32>
        %max3A_200 = arith.constant 0.000000e+00 : f32
        %max3A_201 = vector.broadcast %max3A_200 : f32 to vector<16xf32>
        %max3A_202 = arith.maximumf %add3A_199, %max3A_201 : vector<16xf32>
        %convert_element_type3A = arith.fptosi %max3A_195 : vector<16xf32> to vector<16xi32>
        %convert_element_type3A_203 = arith.fptosi %max3A_202 : vector<16xf32> to vector<16xi32>
        %add3A_204 = arith.constant 1 : i32
        %add3A_205 = vector.broadcast %add3A_204 : i32 to vector<16xi32>
        %add3A_206 = arith.addi %convert_element_type3A, %add3A_205 : vector<16xi32>
        %min3A = arith.constant 99 : i32
        %min3A_207 = vector.broadcast %min3A : i32 to vector<16xi32>
        %min3A_208 = arith.minsi %add3A_206, %min3A_207 : vector<16xi32>
        %add3A_209 = arith.constant 1 : i32
        %add3A_210 = vector.broadcast %add3A_209 : i32 to vector<16xi32>
        %add3A_211 = arith.addi %convert_element_type3A_203, %add3A_210 : vector<16xi32>
        %min3A_212 = arith.constant 79 : i32
        %min3A_213 = vector.broadcast %min3A_212 : i32 to vector<16xi32>
        %min3A_214 = arith.minsi %add3A_211, %min3A_213 : vector<16xi32>
        %ge3A_215 = arith.constant 99 : i32
        %ge3A_216 = vector.broadcast %ge3A_215 : i32 to vector<16xi32>
        %ge3A_217 = arith.cmpi sge, %convert_element_type3A, %ge3A_216 : vector<16xi32>
        %jit3A_218 = arith.constant 9.900000e+01 : f32
        %broadcast_in_dim3A = vector.broadcast %jit3A_218 : f32 to vector<16xf32>
        %select_n3A_219 = arith.select %ge3A_217, %broadcast_in_dim3A, %max3A_195 : vector<16xi1>, vector<16xf32>
        %convert_element_type3A_220 = arith.sitofp %convert_element_type3A : vector<16xi32> to vector<16xf32>
        %sub3A_221 = arith.subf %select_n3A_219, %convert_element_type3A_220 : vector<16xf32>
        %ge3A_222 = arith.constant 79 : i32
        %ge3A_223 = vector.broadcast %ge3A_222 : i32 to vector<16xi32>
        %ge3A_224 = arith.cmpi sge, %convert_element_type3A_203, %ge3A_223 : vector<16xi32>
        %jit3A_225 = arith.constant 7.900000e+01 : f32
        %broadcast_in_dim3A_226 = vector.broadcast %jit3A_225 : f32 to vector<16xf32>
        %select_n3A_227 = arith.select %ge3A_224, %broadcast_in_dim3A_226, %max3A_202 : vector<16xi1>, vector<16xf32>
        %convert_element_type3A_228 = arith.sitofp %convert_element_type3A_203 : vector<16xi32> to vector<16xf32>
        %sub3A_229 = arith.subf %select_n3A_227, %convert_element_type3A_228 : vector<16xf32>
        %sub3A_230 = arith.constant 1.000000e+00 : f32
        %sub3A_231 = vector.broadcast %sub3A_230 : f32 to vector<16xf32>
        %sub3A_232 = arith.subf %sub3A_231, %sub3A_221 : vector<16xf32>
        %sub3A_233 = arith.constant 1.000000e+00 : f32
        %sub3A_234 = vector.broadcast %sub3A_233 : f32 to vector<16xf32>
        %sub3A_235 = arith.subf %sub3A_234, %sub3A_229 : vector<16xf32>
        %mul3A_236 = arith.mulf %sub3A_235, %sub3A_232 : vector<16xf32>
        %mul3A_237 = arith.mulf %sub3A_235, %sub3A_232 : vector<16xf32>
        %pack3A = tpu.pack_subelements %mul3A_236, %mul3A_237 {pack_format = #tpu.pack_format<interleaved>, positions = array<i32: 0, 1>} : vector<16xf32>, vector<16xf32> -> vector<32xbf16>
        %mul3A_238 = arith.mulf %sub3A_235, %sub3A_221 : vector<16xf32>
        %mul3A_239 = arith.mulf %sub3A_235, %sub3A_221 : vector<16xf32>
        %pack3A_240 = tpu.pack_subelements %mul3A_238, %mul3A_239 {pack_format = #tpu.pack_format<interleaved>, positions = array<i32: 0, 1>} : vector<16xf32>, vector<16xf32> -> vector<32xbf16>
        %mul3A_241 = arith.mulf %sub3A_229, %sub3A_232 : vector<16xf32>
        %mul3A_242 = arith.mulf %sub3A_229, %sub3A_232 : vector<16xf32>
        %pack3A_243 = tpu.pack_subelements %mul3A_241, %mul3A_242 {pack_format = #tpu.pack_format<interleaved>, positions = array<i32: 0, 1>} : vector<16xf32>, vector<16xf32> -> vector<32xbf16>
        %mul3A_244 = arith.mulf %sub3A_229, %sub3A_221 : vector<16xf32>
        %mul3A_245 = arith.mulf %sub3A_229, %sub3A_221 : vector<16xf32>
        %pack3A_246 = tpu.pack_subelements %mul3A_244, %mul3A_245 {pack_format = #tpu.pack_format<interleaved>, positions = array<i32: 0, 1>} : vector<16xf32>, vector<16xf32> -> vector<32xbf16>
        %mul3A_247 = arith.constant 100 : i32
        %mul3A_248 = vector.broadcast %mul3A_247 : i32 to vector<16xi32>
        %mul3A_249 = arith.muli %convert_element_type3A_203, %mul3A_248 : vector<16xi32>
        %mul3A_250 = arith.constant 100 : i32
        %mul3A_251 = vector.broadcast %mul3A_250 : i32 to vector<16xi32>
        %mul3A_252 = arith.muli %min3A_214, %mul3A_251 : vector<16xi32>
        %add3A_253 = arith.addi %mul3A_249, %convert_element_type3A : vector<16xi32>
        %add3A_254 = arith.addi %mul3A_249, %min3A_208 : vector<16xi32>
        %add3A_255 = arith.addi %mul3A_252, %convert_element_type3A : vector<16xi32>
        %add3A_256 = arith.addi %mul3A_252, %min3A_208 : vector<16xi32>
        %gather3A = tpu.vector_load_idx %arg5[%add3A_253] : memref<8000xf32, #tpu.memory_space<vmem>>[vector<16xi32>], vector<16xf32>,
        %bitcast3A = vector.bitcast %gather3A : vector<16xf32> to vector<32xbf16>
        %gather3A_257 = tpu.vector_load_idx %arg5[%add3A_254] : memref<8000xf32, #tpu.memory_space<vmem>>[vector<16xi32>], vector<16xf32>,
        %bitcast3A_258 = vector.bitcast %gather3A_257 : vector<16xf32> to vector<32xbf16>
        %gather3A_259 = tpu.vector_load_idx %arg5[%add3A_255] : memref<8000xf32, #tpu.memory_space<vmem>>[vector<16xi32>], vector<16xf32>,
        %bitcast3A_260 = vector.bitcast %gather3A_259 : vector<16xf32> to vector<32xbf16>
        %gather3A_261 = tpu.vector_load_idx %arg5[%add3A_256] : memref<8000xf32, #tpu.memory_space<vmem>>[vector<16xi32>], vector<16xf32>,
        %bitcast3A_262 = vector.bitcast %gather3A_261 : vector<16xf32> to vector<32xbf16>
        %mul3A_263 = arith.mulf %pack3A, %bitcast3A : vector<32xbf16>
        %mul3A_264 = arith.mulf %pack3A_240, %bitcast3A_258 : vector<32xbf16>
        %add3A_265 = arith.addf %mul3A_263, %mul3A_264 : vector<32xbf16>
        %mul3A_266 = arith.mulf %pack3A_243, %bitcast3A_260 : vector<32xbf16>
        %add3A_267 = arith.addf %add3A_265, %mul3A_266 : vector<32xbf16>
        %mul3A_268 = arith.mulf %pack3A_246, %bitcast3A_262 : vector<32xbf16>
        %add3A_269 = arith.addf %add3A_267, %mul3A_268 : vector<32xbf16>
        %gather3A_270 = tpu.vector_load_idx %arg6[%add3A_253] : memref<8000xf32, #tpu.memory_space<vmem>>[vector<16xi32>], vector<16xf32>,
        %bitcast3A_271 = vector.bitcast %gather3A_270 : vector<16xf32> to vector<32xbf16>
        %gather3A_272 = tpu.vector_load_idx %arg6[%add3A_254] : memref<8000xf32, #tpu.memory_space<vmem>>[vector<16xi32>], vector<16xf32>,
        %bitcast3A_273 = vector.bitcast %gather3A_272 : vector<16xf32> to vector<32xbf16>
        %gather3A_274 = tpu.vector_load_idx %arg6[%add3A_255] : memref<8000xf32, #tpu.memory_space<vmem>>[vector<16xi32>], vector<16xf32>,
        %bitcast3A_275 = vector.bitcast %gather3A_274 : vector<16xf32> to vector<32xbf16>
        %gather3A_276 = tpu.vector_load_idx %arg6[%add3A_256] : memref<8000xf32, #tpu.memory_space<vmem>>[vector<16xi32>], vector<16xf32>,
        %bitcast3A_277 = vector.bitcast %gather3A_276 : vector<16xf32> to vector<32xbf16>
        %mul3A_278 = arith.mulf %pack3A, %bitcast3A_271 : vector<32xbf16>
        %mul3A_279 = arith.mulf %pack3A_240, %bitcast3A_273 : vector<32xbf16>
        %add3A_280 = arith.addf %mul3A_278, %mul3A_279 : vector<32xbf16>
        %mul3A_281 = arith.mulf %pack3A_243, %bitcast3A_275 : vector<32xbf16>
        %add3A_282 = arith.addf %add3A_280, %mul3A_281 : vector<32xbf16>
        %mul3A_283 = arith.mulf %pack3A_246, %bitcast3A_277 : vector<32xbf16>
        %add3A_284 = arith.addf %add3A_282, %mul3A_283 : vector<32xbf16>
        %gather3A_285 = tpu.vector_load_idx %arg7[%add3A_253] : memref<8000xf32, #tpu.memory_space<vmem>>[vector<16xi32>], vector<16xf32>,
        %bitcast3A_286 = vector.bitcast %gather3A_285 : vector<16xf32> to vector<32xbf16>
        %gather3A_287 = tpu.vector_load_idx %arg7[%add3A_254] : memref<8000xf32, #tpu.memory_space<vmem>>[vector<16xi32>], vector<16xf32>,
        %bitcast3A_288 = vector.bitcast %gather3A_287 : vector<16xf32> to vector<32xbf16>
        %gather3A_289 = tpu.vector_load_idx %arg7[%add3A_255] : memref<8000xf32, #tpu.memory_space<vmem>>[vector<16xi32>], vector<16xf32>,
        %bitcast3A_290 = vector.bitcast %gather3A_289 : vector<16xf32> to vector<32xbf16>
        %gather3A_291 = tpu.vector_load_idx %arg7[%add3A_256] : memref<8000xf32, #tpu.memory_space<vmem>>[vector<16xi32>], vector<16xf32>,
        %bitcast3A_292 = vector.bitcast %gather3A_291 : vector<16xf32> to vector<32xbf16>
        %mul3A_293 = arith.mulf %pack3A, %bitcast3A_286 : vector<32xbf16>
        %mul3A_294 = arith.mulf %pack3A_240, %bitcast3A_288 : vector<32xbf16>
        %add3A_295 = arith.addf %mul3A_293, %mul3A_294 : vector<32xbf16>
        %mul3A_296 = arith.mulf %pack3A_243, %bitcast3A_290 : vector<32xbf16>
        %add3A_297 = arith.addf %add3A_295, %mul3A_296 : vector<32xbf16>
        %mul3A_298 = arith.mulf %pack3A_246, %bitcast3A_292 : vector<32xbf16>
        %add3A_299 = arith.addf %add3A_297, %mul3A_298 : vector<32xbf16>
        %gather3A_300 = tpu.vector_load_idx %arg8[%add3A_253] : memref<8000xf32, #tpu.memory_space<vmem>>[vector<16xi32>], vector<16xf32>,
        %bitcast3A_301 = vector.bitcast %gather3A_300 : vector<16xf32> to vector<32xbf16>
        %gather3A_302 = tpu.vector_load_idx %arg8[%add3A_254] : memref<8000xf32, #tpu.memory_space<vmem>>[vector<16xi32>], vector<16xf32>,
        %bitcast3A_303 = vector.bitcast %gather3A_302 : vector<16xf32> to vector<32xbf16>
        %gather3A_304 = tpu.vector_load_idx %arg8[%add3A_255] : memref<8000xf32, #tpu.memory_space<vmem>>[vector<16xi32>], vector<16xf32>,
        %bitcast3A_305 = vector.bitcast %gather3A_304 : vector<16xf32> to vector<32xbf16>
        %gather3A_306 = tpu.vector_load_idx %arg8[%add3A_256] : memref<8000xf32, #tpu.memory_space<vmem>>[vector<16xi32>], vector<16xf32>,
        %bitcast3A_307 = vector.bitcast %gather3A_306 : vector<16xf32> to vector<32xbf16>
        %mul3A_308 = arith.mulf %pack3A, %bitcast3A_301 : vector<32xbf16>
        %mul3A_309 = arith.mulf %pack3A_240, %bitcast3A_303 : vector<32xbf16>
        %add3A_310 = arith.addf %mul3A_308, %mul3A_309 : vector<32xbf16>
        %mul3A_311 = arith.mulf %pack3A_243, %bitcast3A_305 : vector<32xbf16>
        %add3A_312 = arith.addf %add3A_310, %mul3A_311 : vector<32xbf16>
        %mul3A_313 = arith.mulf %pack3A_246, %bitcast3A_307 : vector<32xbf16>
        %add3A_314 = arith.addf %add3A_312, %mul3A_313 : vector<32xbf16>
        %mul3A_315 = arith.constant 1.000000e+00 : f32
        %mul3A_316 = vector.broadcast %mul3A_315 : f32 to vector<16xf32>
        %mul3A_317 = arith.mulf %mul3A_316, %mul3A_179 : vector<16xf32>
        %add3A_318 = arith.addf %add3A_186, %mul3A_317 : vector<16xf32>
        %max3A_319 = arith.constant 0.000000e+00 : f32
        %max3A_320 = vector.broadcast %max3A_319 : f32 to vector<16xf32>
        %max3A_321 = arith.maximumf %add3A_318, %max3A_320 : vector<16xf32>
        %mul3A_322 = arith.constant 1.000000e+00 : f32
        %mul3A_323 = vector.broadcast %mul3A_322 : f32 to vector<16xf32>
        %mul3A_324 = arith.mulf %mul3A_323, %mul3A_183 : vector<16xf32>
        %add3A_325 = arith.addf %add3A_189, %mul3A_324 : vector<16xf32>
        %max3A_326 = arith.constant 0.000000e+00 : f32
        %max3A_327 = vector.broadcast %max3A_326 : f32 to vector<16xf32>
        %max3A_328 = arith.maximumf %add3A_325, %max3A_327 : vector<16xf32>
        %convert_element_type3A_329 = arith.fptosi %max3A_321 : vector<16xf32> to vector<16xi32>
        %convert_element_type3A_330 = arith.fptosi %max3A_328 : vector<16xf32> to vector<16xi32>
        %add3A_331 = arith.constant 1 : i32
        %add3A_332 = vector.broadcast %add3A_331 : i32 to vector<16xi32>
        %add3A_333 = arith.addi %convert_element_type3A_329, %add3A_332 : vector<16xi32>
        %min3A_334 = arith.constant 99 : i32
        %min3A_335 = vector.broadcast %min3A_334 : i32 to vector<16xi32>
        %min3A_336 = arith.minsi %add3A_333, %min3A_335 : vector<16xi32>
        %add3A_337 = arith.constant 1 : i32
        %add3A_338 = vector.broadcast %add3A_337 : i32 to vector<16xi32>
        %add3A_339 = arith.addi %convert_element_type3A_330, %add3A_338 : vector<16xi32>
        %min3A_340 = arith.constant 79 : i32
        %min3A_341 = vector.broadcast %min3A_340 : i32 to vector<16xi32>
        %min3A_342 = arith.minsi %add3A_339, %min3A_341 : vector<16xi32>
        %ge3A_343 = arith.constant 99 : i32
        %ge3A_344 = vector.broadcast %ge3A_343 : i32 to vector<16xi32>
        %ge3A_345 = arith.cmpi sge, %convert_element_type3A_329, %ge3A_344 : vector<16xi32>
        %jit3A_346 = arith.constant 9.900000e+01 : f32
        %broadcast_in_dim3A_347 = vector.broadcast %jit3A_346 : f32 to vector<16xf32>
        %select_n3A_348 = arith.select %ge3A_345, %broadcast_in_dim3A_347, %max3A_321 : vector<16xi1>, vector<16xf32>
        %convert_element_type3A_349 = arith.sitofp %convert_element_type3A_329 : vector<16xi32> to vector<16xf32>
        %sub3A_350 = arith.subf %select_n3A_348, %convert_element_type3A_349 : vector<16xf32>
        %ge3A_351 = arith.constant 79 : i32
        %ge3A_352 = vector.broadcast %ge3A_351 : i32 to vector<16xi32>
        %ge3A_353 = arith.cmpi sge, %convert_element_type3A_330, %ge3A_352 : vector<16xi32>
        %jit3A_354 = arith.constant 7.900000e+01 : f32
        %broadcast_in_dim3A_355 = vector.broadcast %jit3A_354 : f32 to vector<16xf32>
        %select_n3A_356 = arith.select %ge3A_353, %broadcast_in_dim3A_355, %max3A_328 : vector<16xi1>, vector<16xf32>
        %convert_element_type3A_357 = arith.sitofp %convert_element_type3A_330 : vector<16xi32> to vector<16xf32>
        %sub3A_358 = arith.subf %select_n3A_356, %convert_element_type3A_357 : vector<16xf32>
        %sub3A_359 = arith.constant 1.000000e+00 : f32
        %sub3A_360 = vector.broadcast %sub3A_359 : f32 to vector<16xf32>
        %sub3A_361 = arith.subf %sub3A_360, %sub3A_350 : vector<16xf32>
        %sub3A_362 = arith.constant 1.000000e+00 : f32
        %sub3A_363 = vector.broadcast %sub3A_362 : f32 to vector<16xf32>
        %sub3A_364 = arith.subf %sub3A_363, %sub3A_358 : vector<16xf32>
        %mul3A_365 = arith.mulf %sub3A_364, %sub3A_361 : vector<16xf32>
        %mul3A_366 = arith.mulf %sub3A_364, %sub3A_361 : vector<16xf32>
        %pack3A_367 = tpu.pack_subelements %mul3A_365, %mul3A_366 {pack_format = #tpu.pack_format<interleaved>, positions = array<i32: 0, 1>} : vector<16xf32>, vector<16xf32> -> vector<32xbf16>
        %mul3A_368 = arith.mulf %sub3A_364, %sub3A_350 : vector<16xf32>
        %mul3A_369 = arith.mulf %sub3A_364, %sub3A_350 : vector<16xf32>
        %pack3A_370 = tpu.pack_subelements %mul3A_368, %mul3A_369 {pack_format = #tpu.pack_format<interleaved>, positions = array<i32: 0, 1>} : vector<16xf32>, vector<16xf32> -> vector<32xbf16>
        %mul3A_371 = arith.mulf %sub3A_358, %sub3A_361 : vector<16xf32>
        %mul3A_372 = arith.mulf %sub3A_358, %sub3A_361 : vector<16xf32>
        %pack3A_373 = tpu.pack_subelements %mul3A_371, %mul3A_372 {pack_format = #tpu.pack_format<interleaved>, positions = array<i32: 0, 1>} : vector<16xf32>, vector<16xf32> -> vector<32xbf16>
        %mul3A_374 = arith.mulf %sub3A_358, %sub3A_350 : vector<16xf32>
        %mul3A_375 = arith.mulf %sub3A_358, %sub3A_350 : vector<16xf32>
        %pack3A_376 = tpu.pack_subelements %mul3A_374, %mul3A_375 {pack_format = #tpu.pack_format<interleaved>, positions = array<i32: 0, 1>} : vector<16xf32>, vector<16xf32> -> vector<32xbf16>
        %mul3A_377 = arith.constant 100 : i32
        %mul3A_378 = vector.broadcast %mul3A_377 : i32 to vector<16xi32>
        %mul3A_379 = arith.muli %convert_element_type3A_330, %mul3A_378 : vector<16xi32>
        %mul3A_380 = arith.constant 100 : i32
        %mul3A_381 = vector.broadcast %mul3A_380 : i32 to vector<16xi32>
        %mul3A_382 = arith.muli %min3A_342, %mul3A_381 : vector<16xi32>
        %add3A_383 = arith.addi %mul3A_379, %convert_element_type3A_329 : vector<16xi32>
        %add3A_384 = arith.addi %mul3A_379, %min3A_336 : vector<16xi32>
        %add3A_385 = arith.addi %mul3A_382, %convert_element_type3A_329 : vector<16xi32>
        %add3A_386 = arith.addi %mul3A_382, %min3A_336 : vector<16xi32>
        %gather3A_387 = tpu.vector_load_idx %arg5[%add3A_383] : memref<8000xf32, #tpu.memory_space<vmem>>[vector<16xi32>], vector<16xf32>,
        %bitcast3A_388 = vector.bitcast %gather3A_387 : vector<16xf32> to vector<32xbf16>
        %gather3A_389 = tpu.vector_load_idx %arg5[%add3A_384] : memref<8000xf32, #tpu.memory_space<vmem>>[vector<16xi32>], vector<16xf32>,
        %bitcast3A_390 = vector.bitcast %gather3A_389 : vector<16xf32> to vector<32xbf16>
        %gather3A_391 = tpu.vector_load_idx %arg5[%add3A_385] : memref<8000xf32, #tpu.memory_space<vmem>>[vector<16xi32>], vector<16xf32>,
        %bitcast3A_392 = vector.bitcast %gather3A_391 : vector<16xf32> to vector<32xbf16>
        %gather3A_393 = tpu.vector_load_idx %arg5[%add3A_386] : memref<8000xf32, #tpu.memory_space<vmem>>[vector<16xi32>], vector<16xf32>,
        %bitcast3A_394 = vector.bitcast %gather3A_393 : vector<16xf32> to vector<32xbf16>
        %mul3A_395 = arith.mulf %pack3A_367, %bitcast3A_388 : vector<32xbf16>
        %mul3A_396 = arith.mulf %pack3A_370, %bitcast3A_390 : vector<32xbf16>
        %add3A_397 = arith.addf %mul3A_395, %mul3A_396 : vector<32xbf16>
        %mul3A_398 = arith.mulf %pack3A_373, %bitcast3A_392 : vector<32xbf16>
        %add3A_399 = arith.addf %add3A_397, %mul3A_398 : vector<32xbf16>
        %mul3A_400 = arith.mulf %pack3A_376, %bitcast3A_394 : vector<32xbf16>
        %add3A_401 = arith.addf %add3A_399, %mul3A_400 : vector<32xbf16>
        %max3A_402 = arith.maximumf %add3A_269, %add3A_401 : vector<32xbf16>
        %gather3A_403 = tpu.vector_load_idx %arg6[%add3A_383] : memref<8000xf32, #tpu.memory_space<vmem>>[vector<16xi32>], vector<16xf32>,
        %bitcast3A_404 = vector.bitcast %gather3A_403 : vector<16xf32> to vector<32xbf16>
        %gather3A_405 = tpu.vector_load_idx %arg6[%add3A_384] : memref<8000xf32, #tpu.memory_space<vmem>>[vector<16xi32>], vector<16xf32>,
        %bitcast3A_406 = vector.bitcast %gather3A_405 : vector<16xf32> to vector<32xbf16>
        %gather3A_407 = tpu.vector_load_idx %arg6[%add3A_385] : memref<8000xf32, #tpu.memory_space<vmem>>[vector<16xi32>], vector<16xf32>,
        %bitcast3A_408 = vector.bitcast %gather3A_407 : vector<16xf32> to vector<32xbf16>
        %gather3A_409 = tpu.vector_load_idx %arg6[%add3A_386] : memref<8000xf32, #tpu.memory_space<vmem>>[vector<16xi32>], vector<16xf32>,
        %bitcast3A_410 = vector.bitcast %gather3A_409 : vector<16xf32> to vector<32xbf16>
        %mul3A_411 = arith.mulf %pack3A_367, %bitcast3A_404 : vector<32xbf16>
        %mul3A_412 = arith.mulf %pack3A_370, %bitcast3A_406 : vector<32xbf16>
        %add3A_413 = arith.addf %mul3A_411, %mul3A_412 : vector<32xbf16>
        %mul3A_414 = arith.mulf %pack3A_373, %bitcast3A_408 : vector<32xbf16>
        %add3A_415 = arith.addf %add3A_413, %mul3A_414 : vector<32xbf16>
        %mul3A_416 = arith.mulf %pack3A_376, %bitcast3A_410 : vector<32xbf16>
        %add3A_417 = arith.addf %add3A_415, %mul3A_416 : vector<32xbf16>
        %max3A_418 = arith.maximumf %add3A_284, %add3A_417 : vector<32xbf16>
        %gather3A_419 = tpu.vector_load_idx %arg7[%add3A_383] : memref<8000xf32, #tpu.memory_space<vmem>>[vector<16xi32>], vector<16xf32>,
        %bitcast3A_420 = vector.bitcast %gather3A_419 : vector<16xf32> to vector<32xbf16>
        %gather3A_421 = tpu.vector_load_idx %arg7[%add3A_384] : memref<8000xf32, #tpu.memory_space<vmem>>[vector<16xi32>], vector<16xf32>,
        %bitcast3A_422 = vector.bitcast %gather3A_421 : vector<16xf32> to vector<32xbf16>
        %gather3A_423 = tpu.vector_load_idx %arg7[%add3A_385] : memref<8000xf32, #tpu.memory_space<vmem>>[vector<16xi32>], vector<16xf32>,
        %bitcast3A_424 = vector.bitcast %gather3A_423 : vector<16xf32> to vector<32xbf16>
        %gather3A_425 = tpu.vector_load_idx %arg7[%add3A_386] : memref<8000xf32, #tpu.memory_space<vmem>>[vector<16xi32>], vector<16xf32>,
        %bitcast3A_426 = vector.bitcast %gather3A_425 : vector<16xf32> to vector<32xbf16>
        %mul3A_427 = arith.mulf %pack3A_367, %bitcast3A_420 : vector<32xbf16>
        %mul3A_428 = arith.mulf %pack3A_370, %bitcast3A_422 : vector<32xbf16>
        %add3A_429 = arith.addf %mul3A_427, %mul3A_428 : vector<32xbf16>
        %mul3A_430 = arith.mulf %pack3A_373, %bitcast3A_424 : vector<32xbf16>
        %add3A_431 = arith.addf %add3A_429, %mul3A_430 : vector<32xbf16>
        %mul3A_432 = arith.mulf %pack3A_376, %bitcast3A_426 : vector<32xbf16>
        %add3A_433 = arith.addf %add3A_431, %mul3A_432 : vector<32xbf16>
        %max3A_434 = arith.maximumf %add3A_299, %add3A_433 : vector<32xbf16>
        %gather3A_435 = tpu.vector_load_idx %arg8[%add3A_383] : memref<8000xf32, #tpu.memory_space<vmem>>[vector<16xi32>], vector<16xf32>,
        %bitcast3A_436 = vector.bitcast %gather3A_435 : vector<16xf32> to vector<32xbf16>
        %gather3A_437 = tpu.vector_load_idx %arg8[%add3A_384] : memref<8000xf32, #tpu.memory_space<vmem>>[vector<16xi32>], vector<16xf32>,
        %bitcast3A_438 = vector.bitcast %gather3A_437 : vector<16xf32> to vector<32xbf16>
        %gather3A_439 = tpu.vector_load_idx %arg8[%add3A_385] : memref<8000xf32, #tpu.memory_space<vmem>>[vector<16xi32>], vector<16xf32>,
        %bitcast3A_440 = vector.bitcast %gather3A_439 : vector<16xf32> to vector<32xbf16>
        %gather3A_441 = tpu.vector_load_idx %arg8[%add3A_386] : memref<8000xf32, #tpu.memory_space<vmem>>[vector<16xi32>], vector<16xf32>,
        %bitcast3A_442 = vector.bitcast %gather3A_441 : vector<16xf32> to vector<32xbf16>
        %mul3A_443 = arith.mulf %pack3A_367, %bitcast3A_436 : vector<32xbf16>
        %mul3A_444 = arith.mulf %pack3A_370, %bitcast3A_438 : vector<32xbf16>
        %add3A_445 = arith.addf %mul3A_443, %mul3A_444 : vector<32xbf16>
        %mul3A_446 = arith.mulf %pack3A_373, %bitcast3A_440 : vector<32xbf16>
        %add3A_447 = arith.addf %add3A_445, %mul3A_446 : vector<32xbf16>
        %mul3A_448 = arith.mulf %pack3A_376, %bitcast3A_442 : vector<32xbf16>
        %add3A_449 = arith.addf %add3A_447, %mul3A_448 : vector<32xbf16>
        %max3A_450 = arith.maximumf %add3A_314, %add3A_449 : vector<32xbf16>
        %mul3A_451 = arith.constant 2.000000e+00 : f32
        %mul3A_452 = vector.broadcast %mul3A_451 : f32 to vector<16xf32>
        %mul3A_453 = arith.mulf %mul3A_452, %mul3A_179 : vector<16xf32>
        %add3A_454 = arith.addf %add3A_186, %mul3A_453 : vector<16xf32>
        %max3A_455 = arith.constant 0.000000e+00 : f32
        %max3A_456 = vector.broadcast %max3A_455 : f32 to vector<16xf32>
        %max3A_457 = arith.maximumf %add3A_454, %max3A_456 : vector<16xf32>
        %mul3A_458 = arith.constant 2.000000e+00 : f32
        %mul3A_459 = vector.broadcast %mul3A_458 : f32 to vector<16xf32>
        %mul3A_460 = arith.mulf %mul3A_459, %mul3A_183 : vector<16xf32>
        %add3A_461 = arith.addf %add3A_189, %mul3A_460 : vector<16xf32>
        %max3A_462 = arith.constant 0.000000e+00 : f32
        %max3A_463 = vector.broadcast %max3A_462 : f32 to vector<16xf32>
        %max3A_464 = arith.maximumf %add3A_461, %max3A_463 : vector<16xf32>
        %convert_element_type3A_465 = arith.fptosi %max3A_457 : vector<16xf32> to vector<16xi32>
        %convert_element_type3A_466 = arith.fptosi %max3A_464 : vector<16xf32> to vector<16xi32>
        %add3A_467 = arith.constant 1 : i32
        %add3A_468 = vector.broadcast %add3A_467 : i32 to vector<16xi32>
        %add3A_469 = arith.addi %convert_element_type3A_465, %add3A_468 : vector<16xi32>
        %min3A_470 = arith.constant 99 : i32
        %min3A_471 = vector.broadcast %min3A_470 : i32 to vector<16xi32>
        %min3A_472 = arith.minsi %add3A_469, %min3A_471 : vector<16xi32>
        %add3A_473 = arith.constant 1 : i32
        %add3A_474 = vector.broadcast %add3A_473 : i32 to vector<16xi32>
        %add3A_475 = arith.addi %convert_element_type3A_466, %add3A_474 : vector<16xi32>
        %min3A_476 = arith.constant 79 : i32
        %min3A_477 = vector.broadcast %min3A_476 : i32 to vector<16xi32>
        %min3A_478 = arith.minsi %add3A_475, %min3A_477 : vector<16xi32>
        %ge3A_479 = arith.constant 99 : i32
        %ge3A_480 = vector.broadcast %ge3A_479 : i32 to vector<16xi32>
        %ge3A_481 = arith.cmpi sge, %convert_element_type3A_465, %ge3A_480 : vector<16xi32>
        %jit3A_482 = arith.constant 9.900000e+01 : f32
        %broadcast_in_dim3A_483 = vector.broadcast %jit3A_482 : f32 to vector<16xf32>
        %select_n3A_484 = arith.select %ge3A_481, %broadcast_in_dim3A_483, %max3A_457 : vector<16xi1>, vector<16xf32>
        %convert_element_type3A_485 = arith.sitofp %convert_element_type3A_465 : vector<16xi32> to vector<16xf32>
        %sub3A_486 = arith.subf %select_n3A_484, %convert_element_type3A_485 : vector<16xf32>
        %ge3A_487 = arith.constant 79 : i32
        %ge3A_488 = vector.broadcast %ge3A_487 : i32 to vector<16xi32>
        %ge3A_489 = arith.cmpi sge, %convert_element_type3A_466, %ge3A_488 : vector<16xi32>
        %jit3A_490 = arith.constant 7.900000e+01 : f32
        %broadcast_in_dim3A_491 = vector.broadcast %jit3A_490 : f32 to vector<16xf32>
        %select_n3A_492 = arith.select %ge3A_489, %broadcast_in_dim3A_491, %max3A_464 : vector<16xi1>, vector<16xf32>
        %convert_element_type3A_493 = arith.sitofp %convert_element_type3A_466 : vector<16xi32> to vector<16xf32>
        %sub3A_494 = arith.subf %select_n3A_492, %convert_element_type3A_493 : vector<16xf32>
        %sub3A_495 = arith.constant 1.000000e+00 : f32
        %sub3A_496 = vector.broadcast %sub3A_495 : f32 to vector<16xf32>
        %sub3A_497 = arith.subf %sub3A_496, %sub3A_486 : vector<16xf32>
        %sub3A_498 = arith.constant 1.000000e+00 : f32
        %sub3A_499 = vector.broadcast %sub3A_498 : f32 to vector<16xf32>
        %sub3A_500 = arith.subf %sub3A_499, %sub3A_494 : vector<16xf32>
        %mul3A_501 = arith.mulf %sub3A_500, %sub3A_497 : vector<16xf32>
        %mul3A_502 = arith.mulf %sub3A_500, %sub3A_497 : vector<16xf32>
        %pack3A_503 = tpu.pack_subelements %mul3A_501, %mul3A_502 {pack_format = #tpu.pack_format<interleaved>, positions = array<i32: 0, 1>} : vector<16xf32>, vector<16xf32> -> vector<32xbf16>
        %mul3A_504 = arith.mulf %sub3A_500, %sub3A_486 : vector<16xf32>
        %mul3A_505 = arith.mulf %sub3A_500, %sub3A_486 : vector<16xf32>
        %pack3A_506 = tpu.pack_subelements %mul3A_504, %mul3A_505 {pack_format = #tpu.pack_format<interleaved>, positions = array<i32: 0, 1>} : vector<16xf32>, vector<16xf32> -> vector<32xbf16>
        %mul3A_507 = arith.mulf %sub3A_494, %sub3A_497 : vector<16xf32>
        %mul3A_508 = arith.mulf %sub3A_494, %sub3A_497 : vector<16xf32>
        %pack3A_509 = tpu.pack_subelements %mul3A_507, %mul3A_508 {pack_format = #tpu.pack_format<interleaved>, positions = array<i32: 0, 1>} : vector<16xf32>, vector<16xf32> -> vector<32xbf16>
        %mul3A_510 = arith.mulf %sub3A_494, %sub3A_486 : vector<16xf32>
        %mul3A_511 = arith.mulf %sub3A_494, %sub3A_486 : vector<16xf32>
        %pack3A_512 = tpu.pack_subelements %mul3A_510, %mul3A_511 {pack_format = #tpu.pack_format<interleaved>, positions = array<i32: 0, 1>} : vector<16xf32>, vector<16xf32> -> vector<32xbf16>
        %mul3A_513 = arith.constant 100 : i32
        %mul3A_514 = vector.broadcast %mul3A_513 : i32 to vector<16xi32>
        %mul3A_515 = arith.muli %convert_element_type3A_466, %mul3A_514 : vector<16xi32>
        %mul3A_516 = arith.constant 100 : i32
        %mul3A_517 = vector.broadcast %mul3A_516 : i32 to vector<16xi32>
        %mul3A_518 = arith.muli %min3A_478, %mul3A_517 : vector<16xi32>
        %add3A_519 = arith.addi %mul3A_515, %convert_element_type3A_465 : vector<16xi32>
        %add3A_520 = arith.addi %mul3A_515, %min3A_472 : vector<16xi32>
        %add3A_521 = arith.addi %mul3A_518, %convert_element_type3A_465 : vector<16xi32>
        %add3A_522 = arith.addi %mul3A_518, %min3A_472 : vector<16xi32>
        %gather3A_523 = tpu.vector_load_idx %arg5[%add3A_519] : memref<8000xf32, #tpu.memory_space<vmem>>[vector<16xi32>], vector<16xf32>,
        %bitcast3A_524 = vector.bitcast %gather3A_523 : vector<16xf32> to vector<32xbf16>
        %gather3A_525 = tpu.vector_load_idx %arg5[%add3A_520] : memref<8000xf32, #tpu.memory_space<vmem>>[vector<16xi32>], vector<16xf32>,
        %bitcast3A_526 = vector.bitcast %gather3A_525 : vector<16xf32> to vector<32xbf16>
        %gather3A_527 = tpu.vector_load_idx %arg5[%add3A_521] : memref<8000xf32, #tpu.memory_space<vmem>>[vector<16xi32>], vector<16xf32>,
        %bitcast3A_528 = vector.bitcast %gather3A_527 : vector<16xf32> to vector<32xbf16>
        %gather3A_529 = tpu.vector_load_idx %arg5[%add3A_522] : memref<8000xf32, #tpu.memory_space<vmem>>[vector<16xi32>], vector<16xf32>,
        %bitcast3A_530 = vector.bitcast %gather3A_529 : vector<16xf32> to vector<32xbf16>
        %mul3A_531 = arith.mulf %pack3A_503, %bitcast3A_524 : vector<32xbf16>
        %mul3A_532 = arith.mulf %pack3A_506, %bitcast3A_526 : vector<32xbf16>
        %add3A_533 = arith.addf %mul3A_531, %mul3A_532 : vector<32xbf16>
        %mul3A_534 = arith.mulf %pack3A_509, %bitcast3A_528 : vector<32xbf16>
        %add3A_535 = arith.addf %add3A_533, %mul3A_534 : vector<32xbf16>
        %mul3A_536 = arith.mulf %pack3A_512, %bitcast3A_530 : vector<32xbf16>
        %add3A_537 = arith.addf %add3A_535, %mul3A_536 : vector<32xbf16>
        %max3A_538 = arith.maximumf %max3A_402, %add3A_537 : vector<32xbf16>
        %gather3A_539 = tpu.vector_load_idx %arg6[%add3A_519] : memref<8000xf32, #tpu.memory_space<vmem>>[vector<16xi32>], vector<16xf32>,
        %bitcast3A_540 = vector.bitcast %gather3A_539 : vector<16xf32> to vector<32xbf16>
        %gather3A_541 = tpu.vector_load_idx %arg6[%add3A_520] : memref<8000xf32, #tpu.memory_space<vmem>>[vector<16xi32>], vector<16xf32>,
        %bitcast3A_542 = vector.bitcast %gather3A_541 : vector<16xf32> to vector<32xbf16>
        %gather3A_543 = tpu.vector_load_idx %arg6[%add3A_521] : memref<8000xf32, #tpu.memory_space<vmem>>[vector<16xi32>], vector<16xf32>,
        %bitcast3A_544 = vector.bitcast %gather3A_543 : vector<16xf32> to vector<32xbf16>
        %gather3A_545 = tpu.vector_load_idx %arg6[%add3A_522] : memref<8000xf32, #tpu.memory_space<vmem>>[vector<16xi32>], vector<16xf32>,
        %bitcast3A_546 = vector.bitcast %gather3A_545 : vector<16xf32> to vector<32xbf16>
        %mul3A_547 = arith.mulf %pack3A_503, %bitcast3A_540 : vector<32xbf16>
        %mul3A_548 = arith.mulf %pack3A_506, %bitcast3A_542 : vector<32xbf16>
        %add3A_549 = arith.addf %mul3A_547, %mul3A_548 : vector<32xbf16>
        %mul3A_550 = arith.mulf %pack3A_509, %bitcast3A_544 : vector<32xbf16>
        %add3A_551 = arith.addf %add3A_549, %mul3A_550 : vector<32xbf16>
        %mul3A_552 = arith.mulf %pack3A_512, %bitcast3A_546 : vector<32xbf16>
        %add3A_553 = arith.addf %add3A_551, %mul3A_552 : vector<32xbf16>
        %max3A_554 = arith.maximumf %max3A_418, %add3A_553 : vector<32xbf16>
        %gather3A_555 = tpu.vector_load_idx %arg7[%add3A_519] : memref<8000xf32, #tpu.memory_space<vmem>>[vector<16xi32>], vector<16xf32>,
        %bitcast3A_556 = vector.bitcast %gather3A_555 : vector<16xf32> to vector<32xbf16>
        %gather3A_557 = tpu.vector_load_idx %arg7[%add3A_520] : memref<8000xf32, #tpu.memory_space<vmem>>[vector<16xi32>], vector<16xf32>,
        %bitcast3A_558 = vector.bitcast %gather3A_557 : vector<16xf32> to vector<32xbf16>
        %gather3A_559 = tpu.vector_load_idx %arg7[%add3A_521] : memref<8000xf32, #tpu.memory_space<vmem>>[vector<16xi32>], vector<16xf32>,
        %bitcast3A_560 = vector.bitcast %gather3A_559 : vector<16xf32> to vector<32xbf16>
        %gather3A_561 = tpu.vector_load_idx %arg7[%add3A_522] : memref<8000xf32, #tpu.memory_space<vmem>>[vector<16xi32>], vector<16xf32>,
        %bitcast3A_562 = vector.bitcast %gather3A_561 : vector<16xf32> to vector<32xbf16>
        %mul3A_563 = arith.mulf %pack3A_503, %bitcast3A_556 : vector<32xbf16>
        %mul3A_564 = arith.mulf %pack3A_506, %bitcast3A_558 : vector<32xbf16>
        %add3A_565 = arith.addf %mul3A_563, %mul3A_564 : vector<32xbf16>
        %mul3A_566 = arith.mulf %pack3A_509, %bitcast3A_560 : vector<32xbf16>
        %add3A_567 = arith.addf %add3A_565, %mul3A_566 : vector<32xbf16>
        %mul3A_568 = arith.mulf %pack3A_512, %bitcast3A_562 : vector<32xbf16>
        %add3A_569 = arith.addf %add3A_567, %mul3A_568 : vector<32xbf16>
        %max3A_570 = arith.maximumf %max3A_434, %add3A_569 : vector<32xbf16>
        %gather3A_571 = tpu.vector_load_idx %arg8[%add3A_519] : memref<8000xf32, #tpu.memory_space<vmem>>[vector<16xi32>], vector<16xf32>,
        %bitcast3A_572 = vector.bitcast %gather3A_571 : vector<16xf32> to vector<32xbf16>
        %gather3A_573 = tpu.vector_load_idx %arg8[%add3A_520] : memref<8000xf32, #tpu.memory_space<vmem>>[vector<16xi32>], vector<16xf32>,
        %bitcast3A_574 = vector.bitcast %gather3A_573 : vector<16xf32> to vector<32xbf16>
        %gather3A_575 = tpu.vector_load_idx %arg8[%add3A_521] : memref<8000xf32, #tpu.memory_space<vmem>>[vector<16xi32>], vector<16xf32>,
        %bitcast3A_576 = vector.bitcast %gather3A_575 : vector<16xf32> to vector<32xbf16>
        %gather3A_577 = tpu.vector_load_idx %arg8[%add3A_522] : memref<8000xf32, #tpu.memory_space<vmem>>[vector<16xi32>], vector<16xf32>,
        %bitcast3A_578 = vector.bitcast %gather3A_577 : vector<16xf32> to vector<32xbf16>
        %mul3A_579 = arith.mulf %pack3A_503, %bitcast3A_572 : vector<32xbf16>
        %mul3A_580 = arith.mulf %pack3A_506, %bitcast3A_574 : vector<32xbf16>
        %add3A_581 = arith.addf %mul3A_579, %mul3A_580 : vector<32xbf16>
        %mul3A_582 = arith.mulf %pack3A_509, %bitcast3A_576 : vector<32xbf16>
        %add3A_583 = arith.addf %add3A_581, %mul3A_582 : vector<32xbf16>
        %mul3A_584 = arith.mulf %pack3A_512, %bitcast3A_578 : vector<32xbf16>
        %add3A_585 = arith.addf %add3A_583, %mul3A_584 : vector<32xbf16>
        %max3A_586 = arith.maximumf %max3A_450, %add3A_585 : vector<32xbf16>
        %mul3A_587 = arith.constant 3.000000e+00 : f32
        %mul3A_588 = vector.broadcast %mul3A_587 : f32 to vector<16xf32>
        %mul3A_589 = arith.mulf %mul3A_588, %mul3A_179 : vector<16xf32>
        %add3A_590 = arith.addf %add3A_186, %mul3A_589 : vector<16xf32>
        %max3A_591 = arith.constant 0.000000e+00 : f32
        %max3A_592 = vector.broadcast %max3A_591 : f32 to vector<16xf32>
        %max3A_593 = arith.maximumf %add3A_590, %max3A_592 : vector<16xf32>
        %mul3A_594 = arith.constant 3.000000e+00 : f32
        %mul3A_595 = vector.broadcast %mul3A_594 : f32 to vector<16xf32>
        %mul3A_596 = arith.mulf %mul3A_595, %mul3A_183 : vector<16xf32>
        %add3A_597 = arith.addf %add3A_189, %mul3A_596 : vector<16xf32>
        %max3A_598 = arith.constant 0.000000e+00 : f32
        %max3A_599 = vector.broadcast %max3A_598 : f32 to vector<16xf32>
        %max3A_600 = arith.maximumf %add3A_597, %max3A_599 : vector<16xf32>
        %convert_element_type3A_601 = arith.fptosi %max3A_593 : vector<16xf32> to vector<16xi32>
        %convert_element_type3A_602 = arith.fptosi %max3A_600 : vector<16xf32> to vector<16xi32>
        %add3A_603 = arith.constant 1 : i32
        %add3A_604 = vector.broadcast %add3A_603 : i32 to vector<16xi32>
        %add3A_605 = arith.addi %convert_element_type3A_601, %add3A_604 : vector<16xi32>
        %min3A_606 = arith.constant 99 : i32
        %min3A_607 = vector.broadcast %min3A_606 : i32 to vector<16xi32>
        %min3A_608 = arith.minsi %add3A_605, %min3A_607 : vector<16xi32>
        %add3A_609 = arith.constant 1 : i32
        %add3A_610 = vector.broadcast %add3A_609 : i32 to vector<16xi32>
        %add3A_611 = arith.addi %convert_element_type3A_602, %add3A_610 : vector<16xi32>
        %min3A_612 = arith.constant 79 : i32
        %min3A_613 = vector.broadcast %min3A_612 : i32 to vector<16xi32>
        %min3A_614 = arith.minsi %add3A_611, %min3A_613 : vector<16xi32>
        %ge3A_615 = arith.constant 99 : i32
        %ge3A_616 = vector.broadcast %ge3A_615 : i32 to vector<16xi32>
        %ge3A_617 = arith.cmpi sge, %convert_element_type3A_601, %ge3A_616 : vector<16xi32>
        %jit3A_618 = arith.constant 9.900000e+01 : f32
        %broadcast_in_dim3A_619 = vector.broadcast %jit3A_618 : f32 to vector<16xf32>
        %select_n3A_620 = arith.select %ge3A_617, %broadcast_in_dim3A_619, %max3A_593 : vector<16xi1>, vector<16xf32>
        %convert_element_type3A_621 = arith.sitofp %convert_element_type3A_601 : vector<16xi32> to vector<16xf32>
        %sub3A_622 = arith.subf %select_n3A_620, %convert_element_type3A_621 : vector<16xf32>
        %ge3A_623 = arith.constant 79 : i32
        %ge3A_624 = vector.broadcast %ge3A_623 : i32 to vector<16xi32>
        %ge3A_625 = arith.cmpi sge, %convert_element_type3A_602, %ge3A_624 : vector<16xi32>
        %jit3A_626 = arith.constant 7.900000e+01 : f32
        %broadcast_in_dim3A_627 = vector.broadcast %jit3A_626 : f32 to vector<16xf32>
        %select_n3A_628 = arith.select %ge3A_625, %broadcast_in_dim3A_627, %max3A_600 : vector<16xi1>, vector<16xf32>
        %convert_element_type3A_629 = arith.sitofp %convert_element_type3A_602 : vector<16xi32> to vector<16xf32>
        %sub3A_630 = arith.subf %select_n3A_628, %convert_element_type3A_629 : vector<16xf32>
        %sub3A_631 = arith.constant 1.000000e+00 : f32
        %sub3A_632 = vector.broadcast %sub3A_631 : f32 to vector<16xf32>
        %sub3A_633 = arith.subf %sub3A_632, %sub3A_622 : vector<16xf32>
        %sub3A_634 = arith.constant 1.000000e+00 : f32
        %sub3A_635 = vector.broadcast %sub3A_634 : f32 to vector<16xf32>
        %sub3A_636 = arith.subf %sub3A_635, %sub3A_630 : vector<16xf32>
        %mul3A_637 = arith.mulf %sub3A_636, %sub3A_633 : vector<16xf32>
        %mul3A_638 = arith.mulf %sub3A_636, %sub3A_633 : vector<16xf32>
        %pack3A_639 = tpu.pack_subelements %mul3A_637, %mul3A_638 {pack_format = #tpu.pack_format<interleaved>, positions = array<i32: 0, 1>} : vector<16xf32>, vector<16xf32> -> vector<32xbf16>
        %mul3A_640 = arith.mulf %sub3A_636, %sub3A_622 : vector<16xf32>
        %mul3A_641 = arith.mulf %sub3A_636, %sub3A_622 : vector<16xf32>
        %pack3A_642 = tpu.pack_subelements %mul3A_640, %mul3A_641 {pack_format = #tpu.pack_format<interleaved>, positions = array<i32: 0, 1>} : vector<16xf32>, vector<16xf32> -> vector<32xbf16>
        %mul3A_643 = arith.mulf %sub3A_630, %sub3A_633 : vector<16xf32>
        %mul3A_644 = arith.mulf %sub3A_630, %sub3A_633 : vector<16xf32>
        %pack3A_645 = tpu.pack_subelements %mul3A_643, %mul3A_644 {pack_format = #tpu.pack_format<interleaved>, positions = array<i32: 0, 1>} : vector<16xf32>, vector<16xf32> -> vector<32xbf16>
        %mul3A_646 = arith.mulf %sub3A_630, %sub3A_622 : vector<16xf32>
        %mul3A_647 = arith.mulf %sub3A_630, %sub3A_622 : vector<16xf32>
        %pack3A_648 = tpu.pack_subelements %mul3A_646, %mul3A_647 {pack_format = #tpu.pack_format<interleaved>, positions = array<i32: 0, 1>} : vector<16xf32>, vector<16xf32> -> vector<32xbf16>
        %mul3A_649 = arith.constant 100 : i32
        %mul3A_650 = vector.broadcast %mul3A_649 : i32 to vector<16xi32>
        %mul3A_651 = arith.muli %convert_element_type3A_602, %mul3A_650 : vector<16xi32>
        %mul3A_652 = arith.constant 100 : i32
        %mul3A_653 = vector.broadcast %mul3A_652 : i32 to vector<16xi32>
        %mul3A_654 = arith.muli %min3A_614, %mul3A_653 : vector<16xi32>
        %add3A_655 = arith.addi %mul3A_651, %convert_element_type3A_601 : vector<16xi32>
        %add3A_656 = arith.addi %mul3A_651, %min3A_608 : vector<16xi32>
        %add3A_657 = arith.addi %mul3A_654, %convert_element_type3A_601 : vector<16xi32>
        %add3A_658 = arith.addi %mul3A_654, %min3A_608 : vector<16xi32>
        %gather3A_659 = tpu.vector_load_idx %arg5[%add3A_655] : memref<8000xf32, #tpu.memory_space<vmem>>[vector<16xi32>], vector<16xf32>,
        %bitcast3A_660 = vector.bitcast %gather3A_659 : vector<16xf32> to vector<32xbf16>
        %gather3A_661 = tpu.vector_load_idx %arg5[%add3A_656] : memref<8000xf32, #tpu.memory_space<vmem>>[vector<16xi32>], vector<16xf32>,
        %bitcast3A_662 = vector.bitcast %gather3A_661 : vector<16xf32> to vector<32xbf16>
        %gather3A_663 = tpu.vector_load_idx %arg5[%add3A_657] : memref<8000xf32, #tpu.memory_space<vmem>>[vector<16xi32>], vector<16xf32>,
        %bitcast3A_664 = vector.bitcast %gather3A_663 : vector<16xf32> to vector<32xbf16>
        %gather3A_665 = tpu.vector_load_idx %arg5[%add3A_658] : memref<8000xf32, #tpu.memory_space<vmem>>[vector<16xi32>], vector<16xf32>,
        %bitcast3A_666 = vector.bitcast %gather3A_665 : vector<16xf32> to vector<32xbf16>
        %mul3A_667 = arith.mulf %pack3A_639, %bitcast3A_660 : vector<32xbf16>
        %mul3A_668 = arith.mulf %pack3A_642, %bitcast3A_662 : vector<32xbf16>
        %add3A_669 = arith.addf %mul3A_667, %mul3A_668 : vector<32xbf16>
        %mul3A_670 = arith.mulf %pack3A_645, %bitcast3A_664 : vector<32xbf16>
        %add3A_671 = arith.addf %add3A_669, %mul3A_670 : vector<32xbf16>
        %mul3A_672 = arith.mulf %pack3A_648, %bitcast3A_666 : vector<32xbf16>
        %add3A_673 = arith.addf %add3A_671, %mul3A_672 : vector<32xbf16>
        %max3A_674 = arith.maximumf %max3A_538, %add3A_673 : vector<32xbf16>
        %gather3A_675 = tpu.vector_load_idx %arg6[%add3A_655] : memref<8000xf32, #tpu.memory_space<vmem>>[vector<16xi32>], vector<16xf32>,
        %bitcast3A_676 = vector.bitcast %gather3A_675 : vector<16xf32> to vector<32xbf16>
        %gather3A_677 = tpu.vector_load_idx %arg6[%add3A_656] : memref<8000xf32, #tpu.memory_space<vmem>>[vector<16xi32>], vector<16xf32>,
        %bitcast3A_678 = vector.bitcast %gather3A_677 : vector<16xf32> to vector<32xbf16>
        %gather3A_679 = tpu.vector_load_idx %arg6[%add3A_657] : memref<8000xf32, #tpu.memory_space<vmem>>[vector<16xi32>], vector<16xf32>,
        %bitcast3A_680 = vector.bitcast %gather3A_679 : vector<16xf32> to vector<32xbf16>
        %gather3A_681 = tpu.vector_load_idx %arg6[%add3A_658] : memref<8000xf32, #tpu.memory_space<vmem>>[vector<16xi32>], vector<16xf32>,
        %bitcast3A_682 = vector.bitcast %gather3A_681 : vector<16xf32> to vector<32xbf16>
        %mul3A_683 = arith.mulf %pack3A_639, %bitcast3A_676 : vector<32xbf16>
        %mul3A_684 = arith.mulf %pack3A_642, %bitcast3A_678 : vector<32xbf16>
        %add3A_685 = arith.addf %mul3A_683, %mul3A_684 : vector<32xbf16>
        %mul3A_686 = arith.mulf %pack3A_645, %bitcast3A_680 : vector<32xbf16>
        %add3A_687 = arith.addf %add3A_685, %mul3A_686 : vector<32xbf16>
        %mul3A_688 = arith.mulf %pack3A_648, %bitcast3A_682 : vector<32xbf16>
        %add3A_689 = arith.addf %add3A_687, %mul3A_688 : vector<32xbf16>
        %max3A_690 = arith.maximumf %max3A_554, %add3A_689 : vector<32xbf16>
        %gather3A_691 = tpu.vector_load_idx %arg7[%add3A_655] : memref<8000xf32, #tpu.memory_space<vmem>>[vector<16xi32>], vector<16xf32>,
        %bitcast3A_692 = vector.bitcast %gather3A_691 : vector<16xf32> to vector<32xbf16>
        %gather3A_693 = tpu.vector_load_idx %arg7[%add3A_656] : memref<8000xf32, #tpu.memory_space<vmem>>[vector<16xi32>], vector<16xf32>,
        %bitcast3A_694 = vector.bitcast %gather3A_693 : vector<16xf32> to vector<32xbf16>
        %gather3A_695 = tpu.vector_load_idx %arg7[%add3A_657] : memref<8000xf32, #tpu.memory_space<vmem>>[vector<16xi32>], vector<16xf32>,
        %bitcast3A_696 = vector.bitcast %gather3A_695 : vector<16xf32> to vector<32xbf16>
        %gather3A_697 = tpu.vector_load_idx %arg7[%add3A_658] : memref<8000xf32, #tpu.memory_space<vmem>>[vector<16xi32>], vector<16xf32>,
        %bitcast3A_698 = vector.bitcast %gather3A_697 : vector<16xf32> to vector<32xbf16>
        %mul3A_699 = arith.mulf %pack3A_639, %bitcast3A_692 : vector<32xbf16>
        %mul3A_700 = arith.mulf %pack3A_642, %bitcast3A_694 : vector<32xbf16>
        %add3A_701 = arith.addf %mul3A_699, %mul3A_700 : vector<32xbf16>
        %mul3A_702 = arith.mulf %pack3A_645, %bitcast3A_696 : vector<32xbf16>
        %add3A_703 = arith.addf %add3A_701, %mul3A_702 : vector<32xbf16>
        %mul3A_704 = arith.mulf %pack3A_648, %bitcast3A_698 : vector<32xbf16>
        %add3A_705 = arith.addf %add3A_703, %mul3A_704 : vector<32xbf16>
        %max3A_706 = arith.maximumf %max3A_570, %add3A_705 : vector<32xbf16>
        %gather3A_707 = tpu.vector_load_idx %arg8[%add3A_655] : memref<8000xf32, #tpu.memory_space<vmem>>[vector<16xi32>], vector<16xf32>,
        %bitcast3A_708 = vector.bitcast %gather3A_707 : vector<16xf32> to vector<32xbf16>
        %gather3A_709 = tpu.vector_load_idx %arg8[%add3A_656] : memref<8000xf32, #tpu.memory_space<vmem>>[vector<16xi32>], vector<16xf32>,
        %bitcast3A_710 = vector.bitcast %gather3A_709 : vector<16xf32> to vector<32xbf16>
        %gather3A_711 = tpu.vector_load_idx %arg8[%add3A_657] : memref<8000xf32, #tpu.memory_space<vmem>>[vector<16xi32>], vector<16xf32>,
        %bitcast3A_712 = vector.bitcast %gather3A_711 : vector<16xf32> to vector<32xbf16>
        %gather3A_713 = tpu.vector_load_idx %arg8[%add3A_658] : memref<8000xf32, #tpu.memory_space<vmem>>[vector<16xi32>], vector<16xf32>,
        %bitcast3A_714 = vector.bitcast %gather3A_713 : vector<16xf32> to vector<32xbf16>
        %mul3A_715 = arith.mulf %pack3A_639, %bitcast3A_708 : vector<32xbf16>
        %mul3A_716 = arith.mulf %pack3A_642, %bitcast3A_710 : vector<32xbf16>
        %add3A_717 = arith.addf %mul3A_715, %mul3A_716 : vector<32xbf16>
        %mul3A_718 = arith.mulf %pack3A_645, %bitcast3A_712 : vector<32xbf16>
        %add3A_719 = arith.addf %add3A_717, %mul3A_718 : vector<32xbf16>
        %mul3A_720 = arith.mulf %pack3A_648, %bitcast3A_714 : vector<32xbf16>
        %add3A_721 = arith.addf %add3A_719, %mul3A_720 : vector<32xbf16>
        %max3A_722 = arith.maximumf %max3A_586, %add3A_721 : vector<32xbf16>
        %mul3A_723 = arith.constant 4.000000e+00 : f32
        %mul3A_724 = vector.broadcast %mul3A_723 : f32 to vector<16xf32>
        %mul3A_725 = arith.mulf %mul3A_724, %mul3A_179 : vector<16xf32>
        %add3A_726 = arith.addf %add3A_186, %mul3A_725 : vector<16xf32>
        %max3A_727 = arith.constant 0.000000e+00 : f32
        %max3A_728 = vector.broadcast %max3A_727 : f32 to vector<16xf32>
        %max3A_729 = arith.maximumf %add3A_726, %max3A_728 : vector<16xf32>
        %mul3A_730 = arith.constant 4.000000e+00 : f32
        %mul3A_731 = vector.broadcast %mul3A_730 : f32 to vector<16xf32>
        %mul3A_732 = arith.mulf %mul3A_731, %mul3A_183 : vector<16xf32>
        %add3A_733 = arith.addf %add3A_189, %mul3A_732 : vector<16xf32>
        %max3A_734 = arith.constant 0.000000e+00 : f32
        %max3A_735 = vector.broadcast %max3A_734 : f32 to vector<16xf32>
        %max3A_736 = arith.maximumf %add3A_733, %max3A_735 : vector<16xf32>
        %convert_element_type3A_737 = arith.fptosi %max3A_729 : vector<16xf32> to vector<16xi32>
        %convert_element_type3A_738 = arith.fptosi %max3A_736 : vector<16xf32> to vector<16xi32>
        %add3A_739 = arith.constant 1 : i32
        %add3A_740 = vector.broadcast %add3A_739 : i32 to vector<16xi32>
        %add3A_741 = arith.addi %convert_element_type3A_737, %add3A_740 : vector<16xi32>
        %min3A_742 = arith.constant 99 : i32
        %min3A_743 = vector.broadcast %min3A_742 : i32 to vector<16xi32>
        %min3A_744 = arith.minsi %add3A_741, %min3A_743 : vector<16xi32>
        %add3A_745 = arith.constant 1 : i32
        %add3A_746 = vector.broadcast %add3A_745 : i32 to vector<16xi32>
        %add3A_747 = arith.addi %convert_element_type3A_738, %add3A_746 : vector<16xi32>
        %min3A_748 = arith.constant 79 : i32
        %min3A_749 = vector.broadcast %min3A_748 : i32 to vector<16xi32>
        %min3A_750 = arith.minsi %add3A_747, %min3A_749 : vector<16xi32>
        %ge3A_751 = arith.constant 99 : i32
        %ge3A_752 = vector.broadcast %ge3A_751 : i32 to vector<16xi32>
        %ge3A_753 = arith.cmpi sge, %convert_element_type3A_737, %ge3A_752 : vector<16xi32>
        %jit3A_754 = arith.constant 9.900000e+01 : f32
        %broadcast_in_dim3A_755 = vector.broadcast %jit3A_754 : f32 to vector<16xf32>
        %select_n3A_756 = arith.select %ge3A_753, %broadcast_in_dim3A_755, %max3A_729 : vector<16xi1>, vector<16xf32>
        %convert_element_type3A_757 = arith.sitofp %convert_element_type3A_737 : vector<16xi32> to vector<16xf32>
        %sub3A_758 = arith.subf %select_n3A_756, %convert_element_type3A_757 : vector<16xf32>
        %ge3A_759 = arith.constant 79 : i32
        %ge3A_760 = vector.broadcast %ge3A_759 : i32 to vector<16xi32>
        %ge3A_761 = arith.cmpi sge, %convert_element_type3A_738, %ge3A_760 : vector<16xi32>
        %jit3A_762 = arith.constant 7.900000e+01 : f32
        %broadcast_in_dim3A_763 = vector.broadcast %jit3A_762 : f32 to vector<16xf32>
        %select_n3A_764 = arith.select %ge3A_761, %broadcast_in_dim3A_763, %max3A_736 : vector<16xi1>, vector<16xf32>
        %convert_element_type3A_765 = arith.sitofp %convert_element_type3A_738 : vector<16xi32> to vector<16xf32>
        %sub3A_766 = arith.subf %select_n3A_764, %convert_element_type3A_765 : vector<16xf32>
        %sub3A_767 = arith.constant 1.000000e+00 : f32
        %sub3A_768 = vector.broadcast %sub3A_767 : f32 to vector<16xf32>
        %sub3A_769 = arith.subf %sub3A_768, %sub3A_758 : vector<16xf32>
        %sub3A_770 = arith.constant 1.000000e+00 : f32
        %sub3A_771 = vector.broadcast %sub3A_770 : f32 to vector<16xf32>
        %sub3A_772 = arith.subf %sub3A_771, %sub3A_766 : vector<16xf32>
        %mul3A_773 = arith.mulf %sub3A_772, %sub3A_769 : vector<16xf32>
        %mul3A_774 = arith.mulf %sub3A_772, %sub3A_769 : vector<16xf32>
        %pack3A_775 = tpu.pack_subelements %mul3A_773, %mul3A_774 {pack_format = #tpu.pack_format<interleaved>, positions = array<i32: 0, 1>} : vector<16xf32>, vector<16xf32> -> vector<32xbf16>
        %mul3A_776 = arith.mulf %sub3A_772, %sub3A_758 : vector<16xf32>
        %mul3A_777 = arith.mulf %sub3A_772, %sub3A_758 : vector<16xf32>
        %pack3A_778 = tpu.pack_subelements %mul3A_776, %mul3A_777 {pack_format = #tpu.pack_format<interleaved>, positions = array<i32: 0, 1>} : vector<16xf32>, vector<16xf32> -> vector<32xbf16>
        %mul3A_779 = arith.mulf %sub3A_766, %sub3A_769 : vector<16xf32>
        %mul3A_780 = arith.mulf %sub3A_766, %sub3A_769 : vector<16xf32>
        %pack3A_781 = tpu.pack_subelements %mul3A_779, %mul3A_780 {pack_format = #tpu.pack_format<interleaved>, positions = array<i32: 0, 1>} : vector<16xf32>, vector<16xf32> -> vector<32xbf16>
        %mul3A_782 = arith.mulf %sub3A_766, %sub3A_758 : vector<16xf32>
        %mul3A_783 = arith.mulf %sub3A_766, %sub3A_758 : vector<16xf32>
        %pack3A_784 = tpu.pack_subelements %mul3A_782, %mul3A_783 {pack_format = #tpu.pack_format<interleaved>, positions = array<i32: 0, 1>} : vector<16xf32>, vector<16xf32> -> vector<32xbf16>
        %mul3A_785 = arith.constant 100 : i32
        %mul3A_786 = vector.broadcast %mul3A_785 : i32 to vector<16xi32>
        %mul3A_787 = arith.muli %convert_element_type3A_738, %mul3A_786 : vector<16xi32>
        %mul3A_788 = arith.constant 100 : i32
        %mul3A_789 = vector.broadcast %mul3A_788 : i32 to vector<16xi32>
        %mul3A_790 = arith.muli %min3A_750, %mul3A_789 : vector<16xi32>
        %add3A_791 = arith.addi %mul3A_787, %convert_element_type3A_737 : vector<16xi32>
        %add3A_792 = arith.addi %mul3A_787, %min3A_744 : vector<16xi32>
        %add3A_793 = arith.addi %mul3A_790, %convert_element_type3A_737 : vector<16xi32>
        %add3A_794 = arith.addi %mul3A_790, %min3A_744 : vector<16xi32>
        %gather3A_795 = tpu.vector_load_idx %arg5[%add3A_791] : memref<8000xf32, #tpu.memory_space<vmem>>[vector<16xi32>], vector<16xf32>,
        %bitcast3A_796 = vector.bitcast %gather3A_795 : vector<16xf32> to vector<32xbf16>
        %gather3A_797 = tpu.vector_load_idx %arg5[%add3A_792] : memref<8000xf32, #tpu.memory_space<vmem>>[vector<16xi32>], vector<16xf32>,
        %bitcast3A_798 = vector.bitcast %gather3A_797 : vector<16xf32> to vector<32xbf16>
        %gather3A_799 = tpu.vector_load_idx %arg5[%add3A_793] : memref<8000xf32, #tpu.memory_space<vmem>>[vector<16xi32>], vector<16xf32>,
        %bitcast3A_800 = vector.bitcast %gather3A_799 : vector<16xf32> to vector<32xbf16>
        %gather3A_801 = tpu.vector_load_idx %arg5[%add3A_794] : memref<8000xf32, #tpu.memory_space<vmem>>[vector<16xi32>], vector<16xf32>,
        %bitcast3A_802 = vector.bitcast %gather3A_801 : vector<16xf32> to vector<32xbf16>
        %mul3A_803 = arith.mulf %pack3A_775, %bitcast3A_796 : vector<32xbf16>
        %mul3A_804 = arith.mulf %pack3A_778, %bitcast3A_798 : vector<32xbf16>
        %add3A_805 = arith.addf %mul3A_803, %mul3A_804 : vector<32xbf16>
        %mul3A_806 = arith.mulf %pack3A_781, %bitcast3A_800 : vector<32xbf16>
        %add3A_807 = arith.addf %add3A_805, %mul3A_806 : vector<32xbf16>
        %mul3A_808 = arith.mulf %pack3A_784, %bitcast3A_802 : vector<32xbf16>
        %add3A_809 = arith.addf %add3A_807, %mul3A_808 : vector<32xbf16>
        %max3A_810 = arith.maximumf %max3A_674, %add3A_809 : vector<32xbf16>
        %gather3A_811 = tpu.vector_load_idx %arg6[%add3A_791] : memref<8000xf32, #tpu.memory_space<vmem>>[vector<16xi32>], vector<16xf32>,
        %bitcast3A_812 = vector.bitcast %gather3A_811 : vector<16xf32> to vector<32xbf16>
        %gather3A_813 = tpu.vector_load_idx %arg6[%add3A_792] : memref<8000xf32, #tpu.memory_space<vmem>>[vector<16xi32>], vector<16xf32>,
        %bitcast3A_814 = vector.bitcast %gather3A_813 : vector<16xf32> to vector<32xbf16>
        %gather3A_815 = tpu.vector_load_idx %arg6[%add3A_793] : memref<8000xf32, #tpu.memory_space<vmem>>[vector<16xi32>], vector<16xf32>,
        %bitcast3A_816 = vector.bitcast %gather3A_815 : vector<16xf32> to vector<32xbf16>
        %gather3A_817 = tpu.vector_load_idx %arg6[%add3A_794] : memref<8000xf32, #tpu.memory_space<vmem>>[vector<16xi32>], vector<16xf32>,
        %bitcast3A_818 = vector.bitcast %gather3A_817 : vector<16xf32> to vector<32xbf16>
        %mul3A_819 = arith.mulf %pack3A_775, %bitcast3A_812 : vector<32xbf16>
        %mul3A_820 = arith.mulf %pack3A_778, %bitcast3A_814 : vector<32xbf16>
        %add3A_821 = arith.addf %mul3A_819, %mul3A_820 : vector<32xbf16>
        %mul3A_822 = arith.mulf %pack3A_781, %bitcast3A_816 : vector<32xbf16>
        %add3A_823 = arith.addf %add3A_821, %mul3A_822 : vector<32xbf16>
        %mul3A_824 = arith.mulf %pack3A_784, %bitcast3A_818 : vector<32xbf16>
        %add3A_825 = arith.addf %add3A_823, %mul3A_824 : vector<32xbf16>
        %max3A_826 = arith.maximumf %max3A_690, %add3A_825 : vector<32xbf16>
        %gather3A_827 = tpu.vector_load_idx %arg7[%add3A_791] : memref<8000xf32, #tpu.memory_space<vmem>>[vector<16xi32>], vector<16xf32>,
        %bitcast3A_828 = vector.bitcast %gather3A_827 : vector<16xf32> to vector<32xbf16>
        %gather3A_829 = tpu.vector_load_idx %arg7[%add3A_792] : memref<8000xf32, #tpu.memory_space<vmem>>[vector<16xi32>], vector<16xf32>,
        %bitcast3A_830 = vector.bitcast %gather3A_829 : vector<16xf32> to vector<32xbf16>
        %gather3A_831 = tpu.vector_load_idx %arg7[%add3A_793] : memref<8000xf32, #tpu.memory_space<vmem>>[vector<16xi32>], vector<16xf32>,
        %bitcast3A_832 = vector.bitcast %gather3A_831 : vector<16xf32> to vector<32xbf16>
        %gather3A_833 = tpu.vector_load_idx %arg7[%add3A_794] : memref<8000xf32, #tpu.memory_space<vmem>>[vector<16xi32>], vector<16xf32>,
        %bitcast3A_834 = vector.bitcast %gather3A_833 : vector<16xf32> to vector<32xbf16>
        %mul3A_835 = arith.mulf %pack3A_775, %bitcast3A_828 : vector<32xbf16>
        %mul3A_836 = arith.mulf %pack3A_778, %bitcast3A_830 : vector<32xbf16>
        %add3A_837 = arith.addf %mul3A_835, %mul3A_836 : vector<32xbf16>
        %mul3A_838 = arith.mulf %pack3A_781, %bitcast3A_832 : vector<32xbf16>
        %add3A_839 = arith.addf %add3A_837, %mul3A_838 : vector<32xbf16>
        %mul3A_840 = arith.mulf %pack3A_784, %bitcast3A_834 : vector<32xbf16>
        %add3A_841 = arith.addf %add3A_839, %mul3A_840 : vector<32xbf16>
        %max3A_842 = arith.maximumf %max3A_706, %add3A_841 : vector<32xbf16>
        %gather3A_843 = tpu.vector_load_idx %arg8[%add3A_791] : memref<8000xf32, #tpu.memory_space<vmem>>[vector<16xi32>], vector<16xf32>,
        %bitcast3A_844 = vector.bitcast %gather3A_843 : vector<16xf32> to vector<32xbf16>
        %gather3A_845 = tpu.vector_load_idx %arg8[%add3A_792] : memref<8000xf32, #tpu.memory_space<vmem>>[vector<16xi32>], vector<16xf32>,
        %bitcast3A_846 = vector.bitcast %gather3A_845 : vector<16xf32> to vector<32xbf16>
        %gather3A_847 = tpu.vector_load_idx %arg8[%add3A_793] : memref<8000xf32, #tpu.memory_space<vmem>>[vector<16xi32>], vector<16xf32>,
        %bitcast3A_848 = vector.bitcast %gather3A_847 : vector<16xf32> to vector<32xbf16>
        %gather3A_849 = tpu.vector_load_idx %arg8[%add3A_794] : memref<8000xf32, #tpu.memory_space<vmem>>[vector<16xi32>], vector<16xf32>,
        %bitcast3A_850 = vector.bitcast %gather3A_849 : vector<16xf32> to vector<32xbf16>
        %mul3A_851 = arith.mulf %pack3A_775, %bitcast3A_844 : vector<32xbf16>
        %mul3A_852 = arith.mulf %pack3A_778, %bitcast3A_846 : vector<32xbf16>
        %add3A_853 = arith.addf %mul3A_851, %mul3A_852 : vector<32xbf16>
        %mul3A_854 = arith.mulf %pack3A_781, %bitcast3A_848 : vector<32xbf16>
        %add3A_855 = arith.addf %add3A_853, %mul3A_854 : vector<32xbf16>
        %mul3A_856 = arith.mulf %pack3A_784, %bitcast3A_850 : vector<32xbf16>
        %add3A_857 = arith.addf %add3A_855, %mul3A_856 : vector<32xbf16>
        %max3A_858 = arith.maximumf %max3A_722, %add3A_857 : vector<32xbf16>
        %mul3A_859 = arith.constant 5.000000e+00 : f32
        %mul3A_860 = vector.broadcast %mul3A_859 : f32 to vector<16xf32>
        %mul3A_861 = arith.mulf %mul3A_860, %mul3A_179 : vector<16xf32>
        %add3A_862 = arith.addf %add3A_186, %mul3A_861 : vector<16xf32>
        %max3A_863 = arith.constant 0.000000e+00 : f32
        %max3A_864 = vector.broadcast %max3A_863 : f32 to vector<16xf32>
        %max3A_865 = arith.maximumf %add3A_862, %max3A_864 : vector<16xf32>
        %mul3A_866 = arith.constant 5.000000e+00 : f32
        %mul3A_867 = vector.broadcast %mul3A_866 : f32 to vector<16xf32>
        %mul3A_868 = arith.mulf %mul3A_867, %mul3A_183 : vector<16xf32>
        %add3A_869 = arith.addf %add3A_189, %mul3A_868 : vector<16xf32>
        %max3A_870 = arith.constant 0.000000e+00 : f32
        %max3A_871 = vector.broadcast %max3A_870 : f32 to vector<16xf32>
        %max3A_872 = arith.maximumf %add3A_869, %max3A_871 : vector<16xf32>
        %convert_element_type3A_873 = arith.fptosi %max3A_865 : vector<16xf32> to vector<16xi32>
        %convert_element_type3A_874 = arith.fptosi %max3A_872 : vector<16xf32> to vector<16xi32>
        %add3A_875 = arith.constant 1 : i32
        %add3A_876 = vector.broadcast %add3A_875 : i32 to vector<16xi32>
        %add3A_877 = arith.addi %convert_element_type3A_873, %add3A_876 : vector<16xi32>
        %min3A_878 = arith.constant 99 : i32
        %min3A_879 = vector.broadcast %min3A_878 : i32 to vector<16xi32>
        %min3A_880 = arith.minsi %add3A_877, %min3A_879 : vector<16xi32>
        %add3A_881 = arith.constant 1 : i32
        %add3A_882 = vector.broadcast %add3A_881 : i32 to vector<16xi32>
        %add3A_883 = arith.addi %convert_element_type3A_874, %add3A_882 : vector<16xi32>
        %min3A_884 = arith.constant 79 : i32
        %min3A_885 = vector.broadcast %min3A_884 : i32 to vector<16xi32>
        %min3A_886 = arith.minsi %add3A_883, %min3A_885 : vector<16xi32>
        %ge3A_887 = arith.constant 99 : i32
        %ge3A_888 = vector.broadcast %ge3A_887 : i32 to vector<16xi32>
        %ge3A_889 = arith.cmpi sge, %convert_element_type3A_873, %ge3A_888 : vector<16xi32>
        %jit3A_890 = arith.constant 9.900000e+01 : f32
        %broadcast_in_dim3A_891 = vector.broadcast %jit3A_890 : f32 to vector<16xf32>
        %select_n3A_892 = arith.select %ge3A_889, %broadcast_in_dim3A_891, %max3A_865 : vector<16xi1>, vector<16xf32>
        %convert_element_type3A_893 = arith.sitofp %convert_element_type3A_873 : vector<16xi32> to vector<16xf32>
        %sub3A_894 = arith.subf %select_n3A_892, %convert_element_type3A_893 : vector<16xf32>
        %ge3A_895 = arith.constant 79 : i32
        %ge3A_896 = vector.broadcast %ge3A_895 : i32 to vector<16xi32>
        %ge3A_897 = arith.cmpi sge, %convert_element_type3A_874, %ge3A_896 : vector<16xi32>
        %jit3A_898 = arith.constant 7.900000e+01 : f32
        %broadcast_in_dim3A_899 = vector.broadcast %jit3A_898 : f32 to vector<16xf32>
        %select_n3A_900 = arith.select %ge3A_897, %broadcast_in_dim3A_899, %max3A_872 : vector<16xi1>, vector<16xf32>
        %convert_element_type3A_901 = arith.sitofp %convert_element_type3A_874 : vector<16xi32> to vector<16xf32>
        %sub3A_902 = arith.subf %select_n3A_900, %convert_element_type3A_901 : vector<16xf32>
        %sub3A_903 = arith.constant 1.000000e+00 : f32
        %sub3A_904 = vector.broadcast %sub3A_903 : f32 to vector<16xf32>
        %sub3A_905 = arith.subf %sub3A_904, %sub3A_894 : vector<16xf32>
        %sub3A_906 = arith.constant 1.000000e+00 : f32
        %sub3A_907 = vector.broadcast %sub3A_906 : f32 to vector<16xf32>
        %sub3A_908 = arith.subf %sub3A_907, %sub3A_902 : vector<16xf32>
        %mul3A_909 = arith.mulf %sub3A_908, %sub3A_905 : vector<16xf32>
        %mul3A_910 = arith.mulf %sub3A_908, %sub3A_905 : vector<16xf32>
        %pack3A_911 = tpu.pack_subelements %mul3A_909, %mul3A_910 {pack_format = #tpu.pack_format<interleaved>, positions = array<i32: 0, 1>} : vector<16xf32>, vector<16xf32> -> vector<32xbf16>
        %mul3A_912 = arith.mulf %sub3A_908, %sub3A_894 : vector<16xf32>
        %mul3A_913 = arith.mulf %sub3A_908, %sub3A_894 : vector<16xf32>
        %pack3A_914 = tpu.pack_subelements %mul3A_912, %mul3A_913 {pack_format = #tpu.pack_format<interleaved>, positions = array<i32: 0, 1>} : vector<16xf32>, vector<16xf32> -> vector<32xbf16>
        %mul3A_915 = arith.mulf %sub3A_902, %sub3A_905 : vector<16xf32>
        %mul3A_916 = arith.mulf %sub3A_902, %sub3A_905 : vector<16xf32>
        %pack3A_917 = tpu.pack_subelements %mul3A_915, %mul3A_916 {pack_format = #tpu.pack_format<interleaved>, positions = array<i32: 0, 1>} : vector<16xf32>, vector<16xf32> -> vector<32xbf16>
        %mul3A_918 = arith.mulf %sub3A_902, %sub3A_894 : vector<16xf32>
        %mul3A_919 = arith.mulf %sub3A_902, %sub3A_894 : vector<16xf32>
        %pack3A_920 = tpu.pack_subelements %mul3A_918, %mul3A_919 {pack_format = #tpu.pack_format<interleaved>, positions = array<i32: 0, 1>} : vector<16xf32>, vector<16xf32> -> vector<32xbf16>
        %mul3A_921 = arith.constant 100 : i32
        %mul3A_922 = vector.broadcast %mul3A_921 : i32 to vector<16xi32>
        %mul3A_923 = arith.muli %convert_element_type3A_874, %mul3A_922 : vector<16xi32>
        %mul3A_924 = arith.constant 100 : i32
        %mul3A_925 = vector.broadcast %mul3A_924 : i32 to vector<16xi32>
        %mul3A_926 = arith.muli %min3A_886, %mul3A_925 : vector<16xi32>
        %add3A_927 = arith.addi %mul3A_923, %convert_element_type3A_873 : vector<16xi32>
        %add3A_928 = arith.addi %mul3A_923, %min3A_880 : vector<16xi32>
        %add3A_929 = arith.addi %mul3A_926, %convert_element_type3A_873 : vector<16xi32>
        %add3A_930 = arith.addi %mul3A_926, %min3A_880 : vector<16xi32>
        %gather3A_931 = tpu.vector_load_idx %arg5[%add3A_927] : memref<8000xf32, #tpu.memory_space<vmem>>[vector<16xi32>], vector<16xf32>,
        %bitcast3A_932 = vector.bitcast %gather3A_931 : vector<16xf32> to vector<32xbf16>
        %gather3A_933 = tpu.vector_load_idx %arg5[%add3A_928] : memref<8000xf32, #tpu.memory_space<vmem>>[vector<16xi32>], vector<16xf32>,
        %bitcast3A_934 = vector.bitcast %gather3A_933 : vector<16xf32> to vector<32xbf16>
        %gather3A_935 = tpu.vector_load_idx %arg5[%add3A_929] : memref<8000xf32, #tpu.memory_space<vmem>>[vector<16xi32>], vector<16xf32>,
        %bitcast3A_936 = vector.bitcast %gather3A_935 : vector<16xf32> to vector<32xbf16>
        %gather3A_937 = tpu.vector_load_idx %arg5[%add3A_930] : memref<8000xf32, #tpu.memory_space<vmem>>[vector<16xi32>], vector<16xf32>,
        %bitcast3A_938 = vector.bitcast %gather3A_937 : vector<16xf32> to vector<32xbf16>
        %mul3A_939 = arith.mulf %pack3A_911, %bitcast3A_932 : vector<32xbf16>
        %mul3A_940 = arith.mulf %pack3A_914, %bitcast3A_934 : vector<32xbf16>
        %add3A_941 = arith.addf %mul3A_939, %mul3A_940 : vector<32xbf16>
        %mul3A_942 = arith.mulf %pack3A_917, %bitcast3A_936 : vector<32xbf16>
        %add3A_943 = arith.addf %add3A_941, %mul3A_942 : vector<32xbf16>
        %mul3A_944 = arith.mulf %pack3A_920, %bitcast3A_938 : vector<32xbf16>
        %add3A_945 = arith.addf %add3A_943, %mul3A_944 : vector<32xbf16>
        %max3A_946 = arith.maximumf %max3A_810, %add3A_945 : vector<32xbf16>
        %gather3A_947 = tpu.vector_load_idx %arg6[%add3A_927] : memref<8000xf32, #tpu.memory_space<vmem>>[vector<16xi32>], vector<16xf32>,
        %bitcast3A_948 = vector.bitcast %gather3A_947 : vector<16xf32> to vector<32xbf16>
        %gather3A_949 = tpu.vector_load_idx %arg6[%add3A_928] : memref<8000xf32, #tpu.memory_space<vmem>>[vector<16xi32>], vector<16xf32>,
        %bitcast3A_950 = vector.bitcast %gather3A_949 : vector<16xf32> to vector<32xbf16>
        %gather3A_951 = tpu.vector_load_idx %arg6[%add3A_929] : memref<8000xf32, #tpu.memory_space<vmem>>[vector<16xi32>], vector<16xf32>,
        %bitcast3A_952 = vector.bitcast %gather3A_951 : vector<16xf32> to vector<32xbf16>
        %gather3A_953 = tpu.vector_load_idx %arg6[%add3A_930] : memref<8000xf32, #tpu.memory_space<vmem>>[vector<16xi32>], vector<16xf32>,
        %bitcast3A_954 = vector.bitcast %gather3A_953 : vector<16xf32> to vector<32xbf16>
        %mul3A_955 = arith.mulf %pack3A_911, %bitcast3A_948 : vector<32xbf16>
        %mul3A_956 = arith.mulf %pack3A_914, %bitcast3A_950 : vector<32xbf16>
        %add3A_957 = arith.addf %mul3A_955, %mul3A_956 : vector<32xbf16>
        %mul3A_958 = arith.mulf %pack3A_917, %bitcast3A_952 : vector<32xbf16>
        %add3A_959 = arith.addf %add3A_957, %mul3A_958 : vector<32xbf16>
        %mul3A_960 = arith.mulf %pack3A_920, %bitcast3A_954 : vector<32xbf16>
        %add3A_961 = arith.addf %add3A_959, %mul3A_960 : vector<32xbf16>
        %max3A_962 = arith.maximumf %max3A_826, %add3A_961 : vector<32xbf16>
        %gather3A_963 = tpu.vector_load_idx %arg7[%add3A_927] : memref<8000xf32, #tpu.memory_space<vmem>>[vector<16xi32>], vector<16xf32>,
        %bitcast3A_964 = vector.bitcast %gather3A_963 : vector<16xf32> to vector<32xbf16>
        %gather3A_965 = tpu.vector_load_idx %arg7[%add3A_928] : memref<8000xf32, #tpu.memory_space<vmem>>[vector<16xi32>], vector<16xf32>,
        %bitcast3A_966 = vector.bitcast %gather3A_965 : vector<16xf32> to vector<32xbf16>
        %gather3A_967 = tpu.vector_load_idx %arg7[%add3A_929] : memref<8000xf32, #tpu.memory_space<vmem>>[vector<16xi32>], vector<16xf32>,
        %bitcast3A_968 = vector.bitcast %gather3A_967 : vector<16xf32> to vector<32xbf16>
        %gather3A_969 = tpu.vector_load_idx %arg7[%add3A_930] : memref<8000xf32, #tpu.memory_space<vmem>>[vector<16xi32>], vector<16xf32>,
        %bitcast3A_970 = vector.bitcast %gather3A_969 : vector<16xf32> to vector<32xbf16>
        %mul3A_971 = arith.mulf %pack3A_911, %bitcast3A_964 : vector<32xbf16>
        %mul3A_972 = arith.mulf %pack3A_914, %bitcast3A_966 : vector<32xbf16>
        %add3A_973 = arith.addf %mul3A_971, %mul3A_972 : vector<32xbf16>
        %mul3A_974 = arith.mulf %pack3A_917, %bitcast3A_968 : vector<32xbf16>
        %add3A_975 = arith.addf %add3A_973, %mul3A_974 : vector<32xbf16>
        %mul3A_976 = arith.mulf %pack3A_920, %bitcast3A_970 : vector<32xbf16>
        %add3A_977 = arith.addf %add3A_975, %mul3A_976 : vector<32xbf16>
        %max3A_978 = arith.maximumf %max3A_842, %add3A_977 : vector<32xbf16>
        %gather3A_979 = tpu.vector_load_idx %arg8[%add3A_927] : memref<8000xf32, #tpu.memory_space<vmem>>[vector<16xi32>], vector<16xf32>,
        %bitcast3A_980 = vector.bitcast %gather3A_979 : vector<16xf32> to vector<32xbf16>
        %gather3A_981 = tpu.vector_load_idx %arg8[%add3A_928] : memref<8000xf32, #tpu.memory_space<vmem>>[vector<16xi32>], vector<16xf32>,
        %bitcast3A_982 = vector.bitcast %gather3A_981 : vector<16xf32> to vector<32xbf16>
        %gather3A_983 = tpu.vector_load_idx %arg8[%add3A_929] : memref<8000xf32, #tpu.memory_space<vmem>>[vector<16xi32>], vector<16xf32>,
        %bitcast3A_984 = vector.bitcast %gather3A_983 : vector<16xf32> to vector<32xbf16>
        %gather3A_985 = tpu.vector_load_idx %arg8[%add3A_930] : memref<8000xf32, #tpu.memory_space<vmem>>[vector<16xi32>], vector<16xf32>,
        %bitcast3A_986 = vector.bitcast %gather3A_985 : vector<16xf32> to vector<32xbf16>
        %mul3A_987 = arith.mulf %pack3A_911, %bitcast3A_980 : vector<32xbf16>
        %mul3A_988 = arith.mulf %pack3A_914, %bitcast3A_982 : vector<32xbf16>
        %add3A_989 = arith.addf %mul3A_987, %mul3A_988 : vector<32xbf16>
        %mul3A_990 = arith.mulf %pack3A_917, %bitcast3A_984 : vector<32xbf16>
        %add3A_991 = arith.addf %add3A_989, %mul3A_990 : vector<32xbf16>
        %mul3A_992 = arith.mulf %pack3A_920, %bitcast3A_986 : vector<32xbf16>
        %add3A_993 = arith.addf %add3A_991, %mul3A_992 : vector<32xbf16>
        %max3A_994 = arith.maximumf %max3A_858, %add3A_993 : vector<32xbf16>
        %mul3A_995 = arith.constant 6.000000e+00 : f32
        %mul3A_996 = vector.broadcast %mul3A_995 : f32 to vector<16xf32>
        %mul3A_997 = arith.mulf %mul3A_996, %mul3A_179 : vector<16xf32>
        %add3A_998 = arith.addf %add3A_186, %mul3A_997 : vector<16xf32>
        %max3A_999 = arith.constant 0.000000e+00 : f32
        %max3A_1000 = vector.broadcast %max3A_999 : f32 to vector<16xf32>
        %max3A_1001 = arith.maximumf %add3A_998, %max3A_1000 : vector<16xf32>
        %mul3A_1002 = arith.constant 6.000000e+00 : f32
        %mul3A_1003 = vector.broadcast %mul3A_1002 : f32 to vector<16xf32>
        %mul3A_1004 = arith.mulf %mul3A_1003, %mul3A_183 : vector<16xf32>
        %add3A_1005 = arith.addf %add3A_189, %mul3A_1004 : vector<16xf32>
        %max3A_1006 = arith.constant 0.000000e+00 : f32
        %max3A_1007 = vector.broadcast %max3A_1006 : f32 to vector<16xf32>
        %max3A_1008 = arith.maximumf %add3A_1005, %max3A_1007 : vector<16xf32>
        %convert_element_type3A_1009 = arith.fptosi %max3A_1001 : vector<16xf32> to vector<16xi32>
        %convert_element_type3A_1010 = arith.fptosi %max3A_1008 : vector<16xf32> to vector<16xi32>
        %add3A_1011 = arith.constant 1 : i32
        %add3A_1012 = vector.broadcast %add3A_1011 : i32 to vector<16xi32>
        %add3A_1013 = arith.addi %convert_element_type3A_1009, %add3A_1012 : vector<16xi32>
        %min3A_1014 = arith.constant 99 : i32
        %min3A_1015 = vector.broadcast %min3A_1014 : i32 to vector<16xi32>
        %min3A_1016 = arith.minsi %add3A_1013, %min3A_1015 : vector<16xi32>
        %add3A_1017 = arith.constant 1 : i32
        %add3A_1018 = vector.broadcast %add3A_1017 : i32 to vector<16xi32>
        %add3A_1019 = arith.addi %convert_element_type3A_1010, %add3A_1018 : vector<16xi32>
        %min3A_1020 = arith.constant 79 : i32
        %min3A_1021 = vector.broadcast %min3A_1020 : i32 to vector<16xi32>
        %min3A_1022 = arith.minsi %add3A_1019, %min3A_1021 : vector<16xi32>
        %ge3A_1023 = arith.constant 99 : i32
        %ge3A_1024 = vector.broadcast %ge3A_1023 : i32 to vector<16xi32>
        %ge3A_1025 = arith.cmpi sge, %convert_element_type3A_1009, %ge3A_1024 : vector<16xi32>
        %jit3A_1026 = arith.constant 9.900000e+01 : f32
        %broadcast_in_dim3A_1027 = vector.broadcast %jit3A_1026 : f32 to vector<16xf32>
        %select_n3A_1028 = arith.select %ge3A_1025, %broadcast_in_dim3A_1027, %max3A_1001 : vector<16xi1>, vector<16xf32>
        %convert_element_type3A_1029 = arith.sitofp %convert_element_type3A_1009 : vector<16xi32> to vector<16xf32>
        %sub3A_1030 = arith.subf %select_n3A_1028, %convert_element_type3A_1029 : vector<16xf32>
        %ge3A_1031 = arith.constant 79 : i32
        %ge3A_1032 = vector.broadcast %ge3A_1031 : i32 to vector<16xi32>
        %ge3A_1033 = arith.cmpi sge, %convert_element_type3A_1010, %ge3A_1032 : vector<16xi32>
        %jit3A_1034 = arith.constant 7.900000e+01 : f32
        %broadcast_in_dim3A_1035 = vector.broadcast %jit3A_1034 : f32 to vector<16xf32>
        %select_n3A_1036 = arith.select %ge3A_1033, %broadcast_in_dim3A_1035, %max3A_1008 : vector<16xi1>, vector<16xf32>
        %convert_element_type3A_1037 = arith.sitofp %convert_element_type3A_1010 : vector<16xi32> to vector<16xf32>
        %sub3A_1038 = arith.subf %select_n3A_1036, %convert_element_type3A_1037 : vector<16xf32>
        %sub3A_1039 = arith.constant 1.000000e+00 : f32
        %sub3A_1040 = vector.broadcast %sub3A_1039 : f32 to vector<16xf32>
        %sub3A_1041 = arith.subf %sub3A_1040, %sub3A_1030 : vector<16xf32>
        %sub3A_1042 = arith.constant 1.000000e+00 : f32
        %sub3A_1043 = vector.broadcast %sub3A_1042 : f32 to vector<16xf32>
        %sub3A_1044 = arith.subf %sub3A_1043, %sub3A_1038 : vector<16xf32>
        %mul3A_1045 = arith.mulf %sub3A_1044, %sub3A_1041 : vector<16xf32>
        %mul3A_1046 = arith.mulf %sub3A_1044, %sub3A_1041 : vector<16xf32>
        %pack3A_1047 = tpu.pack_subelements %mul3A_1045, %mul3A_1046 {pack_format = #tpu.pack_format<interleaved>, positions = array<i32: 0, 1>} : vector<16xf32>, vector<16xf32> -> vector<32xbf16>
        %mul3A_1048 = arith.mulf %sub3A_1044, %sub3A_1030 : vector<16xf32>
        %mul3A_1049 = arith.mulf %sub3A_1044, %sub3A_1030 : vector<16xf32>
        %pack3A_1050 = tpu.pack_subelements %mul3A_1048, %mul3A_1049 {pack_format = #tpu.pack_format<interleaved>, positions = array<i32: 0, 1>} : vector<16xf32>, vector<16xf32> -> vector<32xbf16>
        %mul3A_1051 = arith.mulf %sub3A_1038, %sub3A_1041 : vector<16xf32>
        %mul3A_1052 = arith.mulf %sub3A_1038, %sub3A_1041 : vector<16xf32>
        %pack3A_1053 = tpu.pack_subelements %mul3A_1051, %mul3A_1052 {pack_format = #tpu.pack_format<interleaved>, positions = array<i32: 0, 1>} : vector<16xf32>, vector<16xf32> -> vector<32xbf16>
        %mul3A_1054 = arith.mulf %sub3A_1038, %sub3A_1030 : vector<16xf32>
        %mul3A_1055 = arith.mulf %sub3A_1038, %sub3A_1030 : vector<16xf32>
        %pack3A_1056 = tpu.pack_subelements %mul3A_1054, %mul3A_1055 {pack_format = #tpu.pack_format<interleaved>, positions = array<i32: 0, 1>} : vector<16xf32>, vector<16xf32> -> vector<32xbf16>
        %mul3A_1057 = arith.constant 100 : i32
        %mul3A_1058 = vector.broadcast %mul3A_1057 : i32 to vector<16xi32>
        %mul3A_1059 = arith.muli %convert_element_type3A_1010, %mul3A_1058 : vector<16xi32>
        %mul3A_1060 = arith.constant 100 : i32
        %mul3A_1061 = vector.broadcast %mul3A_1060 : i32 to vector<16xi32>
        %mul3A_1062 = arith.muli %min3A_1022, %mul3A_1061 : vector<16xi32>
        %add3A_1063 = arith.addi %mul3A_1059, %convert_element_type3A_1009 : vector<16xi32>
        %add3A_1064 = arith.addi %mul3A_1059, %min3A_1016 : vector<16xi32>
        %add3A_1065 = arith.addi %mul3A_1062, %convert_element_type3A_1009 : vector<16xi32>
        %add3A_1066 = arith.addi %mul3A_1062, %min3A_1016 : vector<16xi32>
        %gather3A_1067 = tpu.vector_load_idx %arg5[%add3A_1063] : memref<8000xf32, #tpu.memory_space<vmem>>[vector<16xi32>], vector<16xf32>,
        %bitcast3A_1068 = vector.bitcast %gather3A_1067 : vector<16xf32> to vector<32xbf16>
        %gather3A_1069 = tpu.vector_load_idx %arg5[%add3A_1064] : memref<8000xf32, #tpu.memory_space<vmem>>[vector<16xi32>], vector<16xf32>,
        %bitcast3A_1070 = vector.bitcast %gather3A_1069 : vector<16xf32> to vector<32xbf16>
        %gather3A_1071 = tpu.vector_load_idx %arg5[%add3A_1065] : memref<8000xf32, #tpu.memory_space<vmem>>[vector<16xi32>], vector<16xf32>,
        %bitcast3A_1072 = vector.bitcast %gather3A_1071 : vector<16xf32> to vector<32xbf16>
        %gather3A_1073 = tpu.vector_load_idx %arg5[%add3A_1066] : memref<8000xf32, #tpu.memory_space<vmem>>[vector<16xi32>], vector<16xf32>,
        %bitcast3A_1074 = vector.bitcast %gather3A_1073 : vector<16xf32> to vector<32xbf16>
        %mul3A_1075 = arith.mulf %pack3A_1047, %bitcast3A_1068 : vector<32xbf16>
        %mul3A_1076 = arith.mulf %pack3A_1050, %bitcast3A_1070 : vector<32xbf16>
        %add3A_1077 = arith.addf %mul3A_1075, %mul3A_1076 : vector<32xbf16>
        %mul3A_1078 = arith.mulf %pack3A_1053, %bitcast3A_1072 : vector<32xbf16>
        %add3A_1079 = arith.addf %add3A_1077, %mul3A_1078 : vector<32xbf16>
        %mul3A_1080 = arith.mulf %pack3A_1056, %bitcast3A_1074 : vector<32xbf16>
        %add3A_1081 = arith.addf %add3A_1079, %mul3A_1080 : vector<32xbf16>
        %max3A_1082 = arith.maximumf %max3A_946, %add3A_1081 : vector<32xbf16>
        %gather3A_1083 = tpu.vector_load_idx %arg6[%add3A_1063] : memref<8000xf32, #tpu.memory_space<vmem>>[vector<16xi32>], vector<16xf32>,
        %bitcast3A_1084 = vector.bitcast %gather3A_1083 : vector<16xf32> to vector<32xbf16>
        %gather3A_1085 = tpu.vector_load_idx %arg6[%add3A_1064] : memref<8000xf32, #tpu.memory_space<vmem>>[vector<16xi32>], vector<16xf32>,
        %bitcast3A_1086 = vector.bitcast %gather3A_1085 : vector<16xf32> to vector<32xbf16>
        %gather3A_1087 = tpu.vector_load_idx %arg6[%add3A_1065] : memref<8000xf32, #tpu.memory_space<vmem>>[vector<16xi32>], vector<16xf32>,
        %bitcast3A_1088 = vector.bitcast %gather3A_1087 : vector<16xf32> to vector<32xbf16>
        %gather3A_1089 = tpu.vector_load_idx %arg6[%add3A_1066] : memref<8000xf32, #tpu.memory_space<vmem>>[vector<16xi32>], vector<16xf32>,
        %bitcast3A_1090 = vector.bitcast %gather3A_1089 : vector<16xf32> to vector<32xbf16>
        %mul3A_1091 = arith.mulf %pack3A_1047, %bitcast3A_1084 : vector<32xbf16>
        %mul3A_1092 = arith.mulf %pack3A_1050, %bitcast3A_1086 : vector<32xbf16>
        %add3A_1093 = arith.addf %mul3A_1091, %mul3A_1092 : vector<32xbf16>
        %mul3A_1094 = arith.mulf %pack3A_1053, %bitcast3A_1088 : vector<32xbf16>
        %add3A_1095 = arith.addf %add3A_1093, %mul3A_1094 : vector<32xbf16>
        %mul3A_1096 = arith.mulf %pack3A_1056, %bitcast3A_1090 : vector<32xbf16>
        %add3A_1097 = arith.addf %add3A_1095, %mul3A_1096 : vector<32xbf16>
        %max3A_1098 = arith.maximumf %max3A_962, %add3A_1097 : vector<32xbf16>
        %gather3A_1099 = tpu.vector_load_idx %arg7[%add3A_1063] : memref<8000xf32, #tpu.memory_space<vmem>>[vector<16xi32>], vector<16xf32>,
        %bitcast3A_1100 = vector.bitcast %gather3A_1099 : vector<16xf32> to vector<32xbf16>
        %gather3A_1101 = tpu.vector_load_idx %arg7[%add3A_1064] : memref<8000xf32, #tpu.memory_space<vmem>>[vector<16xi32>], vector<16xf32>,
        %bitcast3A_1102 = vector.bitcast %gather3A_1101 : vector<16xf32> to vector<32xbf16>
        %gather3A_1103 = tpu.vector_load_idx %arg7[%add3A_1065] : memref<8000xf32, #tpu.memory_space<vmem>>[vector<16xi32>], vector<16xf32>,
        %bitcast3A_1104 = vector.bitcast %gather3A_1103 : vector<16xf32> to vector<32xbf16>
        %gather3A_1105 = tpu.vector_load_idx %arg7[%add3A_1066] : memref<8000xf32, #tpu.memory_space<vmem>>[vector<16xi32>], vector<16xf32>,
        %bitcast3A_1106 = vector.bitcast %gather3A_1105 : vector<16xf32> to vector<32xbf16>
        %mul3A_1107 = arith.mulf %pack3A_1047, %bitcast3A_1100 : vector<32xbf16>
        %mul3A_1108 = arith.mulf %pack3A_1050, %bitcast3A_1102 : vector<32xbf16>
        %add3A_1109 = arith.addf %mul3A_1107, %mul3A_1108 : vector<32xbf16>
        %mul3A_1110 = arith.mulf %pack3A_1053, %bitcast3A_1104 : vector<32xbf16>
        %add3A_1111 = arith.addf %add3A_1109, %mul3A_1110 : vector<32xbf16>
        %mul3A_1112 = arith.mulf %pack3A_1056, %bitcast3A_1106 : vector<32xbf16>
        %add3A_1113 = arith.addf %add3A_1111, %mul3A_1112 : vector<32xbf16>
        %max3A_1114 = arith.maximumf %max3A_978, %add3A_1113 : vector<32xbf16>
        %gather3A_1115 = tpu.vector_load_idx %arg8[%add3A_1063] : memref<8000xf32, #tpu.memory_space<vmem>>[vector<16xi32>], vector<16xf32>,
        %bitcast3A_1116 = vector.bitcast %gather3A_1115 : vector<16xf32> to vector<32xbf16>
        %gather3A_1117 = tpu.vector_load_idx %arg8[%add3A_1064] : memref<8000xf32, #tpu.memory_space<vmem>>[vector<16xi32>], vector<16xf32>,
        %bitcast3A_1118 = vector.bitcast %gather3A_1117 : vector<16xf32> to vector<32xbf16>
        %gather3A_1119 = tpu.vector_load_idx %arg8[%add3A_1065] : memref<8000xf32, #tpu.memory_space<vmem>>[vector<16xi32>], vector<16xf32>,
        %bitcast3A_1120 = vector.bitcast %gather3A_1119 : vector<16xf32> to vector<32xbf16>
        %gather3A_1121 = tpu.vector_load_idx %arg8[%add3A_1066] : memref<8000xf32, #tpu.memory_space<vmem>>[vector<16xi32>], vector<16xf32>,
        %bitcast3A_1122 = vector.bitcast %gather3A_1121 : vector<16xf32> to vector<32xbf16>
        %mul3A_1123 = arith.mulf %pack3A_1047, %bitcast3A_1116 : vector<32xbf16>
        %mul3A_1124 = arith.mulf %pack3A_1050, %bitcast3A_1118 : vector<32xbf16>
        %add3A_1125 = arith.addf %mul3A_1123, %mul3A_1124 : vector<32xbf16>
        %mul3A_1126 = arith.mulf %pack3A_1053, %bitcast3A_1120 : vector<32xbf16>
        %add3A_1127 = arith.addf %add3A_1125, %mul3A_1126 : vector<32xbf16>
        %mul3A_1128 = arith.mulf %pack3A_1056, %bitcast3A_1122 : vector<32xbf16>
        %add3A_1129 = arith.addf %add3A_1127, %mul3A_1128 : vector<32xbf16>
        %max3A_1130 = arith.maximumf %max3A_994, %add3A_1129 : vector<32xbf16>
        %mul3A_1131 = arith.constant 7.000000e+00 : f32
        %mul3A_1132 = vector.broadcast %mul3A_1131 : f32 to vector<16xf32>
        %mul3A_1133 = arith.mulf %mul3A_1132, %mul3A_179 : vector<16xf32>
        %add3A_1134 = arith.addf %add3A_186, %mul3A_1133 : vector<16xf32>
        %max3A_1135 = arith.constant 0.000000e+00 : f32
        %max3A_1136 = vector.broadcast %max3A_1135 : f32 to vector<16xf32>
        %max3A_1137 = arith.maximumf %add3A_1134, %max3A_1136 : vector<16xf32>
        %mul3A_1138 = arith.constant 7.000000e+00 : f32
        %mul3A_1139 = vector.broadcast %mul3A_1138 : f32 to vector<16xf32>
        %mul3A_1140 = arith.mulf %mul3A_1139, %mul3A_183 : vector<16xf32>
        %add3A_1141 = arith.addf %add3A_189, %mul3A_1140 : vector<16xf32>
        %max3A_1142 = arith.constant 0.000000e+00 : f32
        %max3A_1143 = vector.broadcast %max3A_1142 : f32 to vector<16xf32>
        %max3A_1144 = arith.maximumf %add3A_1141, %max3A_1143 : vector<16xf32>
        %convert_element_type3A_1145 = arith.fptosi %max3A_1137 : vector<16xf32> to vector<16xi32>
        %convert_element_type3A_1146 = arith.fptosi %max3A_1144 : vector<16xf32> to vector<16xi32>
        %add3A_1147 = arith.constant 1 : i32
        %add3A_1148 = vector.broadcast %add3A_1147 : i32 to vector<16xi32>
        %add3A_1149 = arith.addi %convert_element_type3A_1145, %add3A_1148 : vector<16xi32>
        %min3A_1150 = arith.constant 99 : i32
        %min3A_1151 = vector.broadcast %min3A_1150 : i32 to vector<16xi32>
        %min3A_1152 = arith.minsi %add3A_1149, %min3A_1151 : vector<16xi32>
        %add3A_1153 = arith.constant 1 : i32
        %add3A_1154 = vector.broadcast %add3A_1153 : i32 to vector<16xi32>
        %add3A_1155 = arith.addi %convert_element_type3A_1146, %add3A_1154 : vector<16xi32>
        %min3A_1156 = arith.constant 79 : i32
        %min3A_1157 = vector.broadcast %min3A_1156 : i32 to vector<16xi32>
        %min3A_1158 = arith.minsi %add3A_1155, %min3A_1157 : vector<16xi32>
        %ge3A_1159 = arith.constant 99 : i32
        %ge3A_1160 = vector.broadcast %ge3A_1159 : i32 to vector<16xi32>
        %ge3A_1161 = arith.cmpi sge, %convert_element_type3A_1145, %ge3A_1160 : vector<16xi32>
        %jit3A_1162 = arith.constant 9.900000e+01 : f32
        %broadcast_in_dim3A_1163 = vector.broadcast %jit3A_1162 : f32 to vector<16xf32>
        %select_n3A_1164 = arith.select %ge3A_1161, %broadcast_in_dim3A_1163, %max3A_1137 : vector<16xi1>, vector<16xf32>
        %convert_element_type3A_1165 = arith.sitofp %convert_element_type3A_1145 : vector<16xi32> to vector<16xf32>
        %sub3A_1166 = arith.subf %select_n3A_1164, %convert_element_type3A_1165 : vector<16xf32>
        %ge3A_1167 = arith.constant 79 : i32
        %ge3A_1168 = vector.broadcast %ge3A_1167 : i32 to vector<16xi32>
        %ge3A_1169 = arith.cmpi sge, %convert_element_type3A_1146, %ge3A_1168 : vector<16xi32>
        %jit3A_1170 = arith.constant 7.900000e+01 : f32
        %broadcast_in_dim3A_1171 = vector.broadcast %jit3A_1170 : f32 to vector<16xf32>
        %select_n3A_1172 = arith.select %ge3A_1169, %broadcast_in_dim3A_1171, %max3A_1144 : vector<16xi1>, vector<16xf32>
        %convert_element_type3A_1173 = arith.sitofp %convert_element_type3A_1146 : vector<16xi32> to vector<16xf32>
        %sub3A_1174 = arith.subf %select_n3A_1172, %convert_element_type3A_1173 : vector<16xf32>
        %sub3A_1175 = arith.constant 1.000000e+00 : f32
        %sub3A_1176 = vector.broadcast %sub3A_1175 : f32 to vector<16xf32>
        %sub3A_1177 = arith.subf %sub3A_1176, %sub3A_1166 : vector<16xf32>
        %sub3A_1178 = arith.constant 1.000000e+00 : f32
        %sub3A_1179 = vector.broadcast %sub3A_1178 : f32 to vector<16xf32>
        %sub3A_1180 = arith.subf %sub3A_1179, %sub3A_1174 : vector<16xf32>
        %mul3A_1181 = arith.mulf %sub3A_1180, %sub3A_1177 : vector<16xf32>
        %mul3A_1182 = arith.mulf %sub3A_1180, %sub3A_1177 : vector<16xf32>
        %pack3A_1183 = tpu.pack_subelements %mul3A_1181, %mul3A_1182 {pack_format = #tpu.pack_format<interleaved>, positions = array<i32: 0, 1>} : vector<16xf32>, vector<16xf32> -> vector<32xbf16>
        %mul3A_1184 = arith.mulf %sub3A_1180, %sub3A_1166 : vector<16xf32>
        %mul3A_1185 = arith.mulf %sub3A_1180, %sub3A_1166 : vector<16xf32>
        %pack3A_1186 = tpu.pack_subelements %mul3A_1184, %mul3A_1185 {pack_format = #tpu.pack_format<interleaved>, positions = array<i32: 0, 1>} : vector<16xf32>, vector<16xf32> -> vector<32xbf16>
        %mul3A_1187 = arith.mulf %sub3A_1174, %sub3A_1177 : vector<16xf32>
        %mul3A_1188 = arith.mulf %sub3A_1174, %sub3A_1177 : vector<16xf32>
        %pack3A_1189 = tpu.pack_subelements %mul3A_1187, %mul3A_1188 {pack_format = #tpu.pack_format<interleaved>, positions = array<i32: 0, 1>} : vector<16xf32>, vector<16xf32> -> vector<32xbf16>
        %mul3A_1190 = arith.mulf %sub3A_1174, %sub3A_1166 : vector<16xf32>
        %mul3A_1191 = arith.mulf %sub3A_1174, %sub3A_1166 : vector<16xf32>
        %pack3A_1192 = tpu.pack_subelements %mul3A_1190, %mul3A_1191 {pack_format = #tpu.pack_format<interleaved>, positions = array<i32: 0, 1>} : vector<16xf32>, vector<16xf32> -> vector<32xbf16>
        %mul3A_1193 = arith.constant 100 : i32
        %mul3A_1194 = vector.broadcast %mul3A_1193 : i32 to vector<16xi32>
        %mul3A_1195 = arith.muli %convert_element_type3A_1146, %mul3A_1194 : vector<16xi32>
        %mul3A_1196 = arith.constant 100 : i32
        %mul3A_1197 = vector.broadcast %mul3A_1196 : i32 to vector<16xi32>
        %mul3A_1198 = arith.muli %min3A_1158, %mul3A_1197 : vector<16xi32>
        %add3A_1199 = arith.addi %mul3A_1195, %convert_element_type3A_1145 : vector<16xi32>
        %add3A_1200 = arith.addi %mul3A_1195, %min3A_1152 : vector<16xi32>
        %add3A_1201 = arith.addi %mul3A_1198, %convert_element_type3A_1145 : vector<16xi32>
        %add3A_1202 = arith.addi %mul3A_1198, %min3A_1152 : vector<16xi32>
        %gather3A_1203 = tpu.vector_load_idx %arg5[%add3A_1199] : memref<8000xf32, #tpu.memory_space<vmem>>[vector<16xi32>], vector<16xf32>,
        %bitcast3A_1204 = vector.bitcast %gather3A_1203 : vector<16xf32> to vector<32xbf16>
        %gather3A_1205 = tpu.vector_load_idx %arg5[%add3A_1200] : memref<8000xf32, #tpu.memory_space<vmem>>[vector<16xi32>], vector<16xf32>,
        %bitcast3A_1206 = vector.bitcast %gather3A_1205 : vector<16xf32> to vector<32xbf16>
        %gather3A_1207 = tpu.vector_load_idx %arg5[%add3A_1201] : memref<8000xf32, #tpu.memory_space<vmem>>[vector<16xi32>], vector<16xf32>,
        %bitcast3A_1208 = vector.bitcast %gather3A_1207 : vector<16xf32> to vector<32xbf16>
        %gather3A_1209 = tpu.vector_load_idx %arg5[%add3A_1202] : memref<8000xf32, #tpu.memory_space<vmem>>[vector<16xi32>], vector<16xf32>,
        %bitcast3A_1210 = vector.bitcast %gather3A_1209 : vector<16xf32> to vector<32xbf16>
        %mul3A_1211 = arith.mulf %pack3A_1183, %bitcast3A_1204 : vector<32xbf16>
        %mul3A_1212 = arith.mulf %pack3A_1186, %bitcast3A_1206 : vector<32xbf16>
        %add3A_1213 = arith.addf %mul3A_1211, %mul3A_1212 : vector<32xbf16>
        %mul3A_1214 = arith.mulf %pack3A_1189, %bitcast3A_1208 : vector<32xbf16>
        %add3A_1215 = arith.addf %add3A_1213, %mul3A_1214 : vector<32xbf16>
        %mul3A_1216 = arith.mulf %pack3A_1192, %bitcast3A_1210 : vector<32xbf16>
        %add3A_1217 = arith.addf %add3A_1215, %mul3A_1216 : vector<32xbf16>
        %max3A_1218 = arith.maximumf %max3A_1082, %add3A_1217 : vector<32xbf16>
        %gather3A_1219 = tpu.vector_load_idx %arg6[%add3A_1199] : memref<8000xf32, #tpu.memory_space<vmem>>[vector<16xi32>], vector<16xf32>,
        %bitcast3A_1220 = vector.bitcast %gather3A_1219 : vector<16xf32> to vector<32xbf16>
        %gather3A_1221 = tpu.vector_load_idx %arg6[%add3A_1200] : memref<8000xf32, #tpu.memory_space<vmem>>[vector<16xi32>], vector<16xf32>,
        %bitcast3A_1222 = vector.bitcast %gather3A_1221 : vector<16xf32> to vector<32xbf16>
        %gather3A_1223 = tpu.vector_load_idx %arg6[%add3A_1201] : memref<8000xf32, #tpu.memory_space<vmem>>[vector<16xi32>], vector<16xf32>,
        %bitcast3A_1224 = vector.bitcast %gather3A_1223 : vector<16xf32> to vector<32xbf16>
        %gather3A_1225 = tpu.vector_load_idx %arg6[%add3A_1202] : memref<8000xf32, #tpu.memory_space<vmem>>[vector<16xi32>], vector<16xf32>,
        %bitcast3A_1226 = vector.bitcast %gather3A_1225 : vector<16xf32> to vector<32xbf16>
        %mul3A_1227 = arith.mulf %pack3A_1183, %bitcast3A_1220 : vector<32xbf16>
        %mul3A_1228 = arith.mulf %pack3A_1186, %bitcast3A_1222 : vector<32xbf16>
        %add3A_1229 = arith.addf %mul3A_1227, %mul3A_1228 : vector<32xbf16>
        %mul3A_1230 = arith.mulf %pack3A_1189, %bitcast3A_1224 : vector<32xbf16>
        %add3A_1231 = arith.addf %add3A_1229, %mul3A_1230 : vector<32xbf16>
        %mul3A_1232 = arith.mulf %pack3A_1192, %bitcast3A_1226 : vector<32xbf16>
        %add3A_1233 = arith.addf %add3A_1231, %mul3A_1232 : vector<32xbf16>
        %max3A_1234 = arith.maximumf %max3A_1098, %add3A_1233 : vector<32xbf16>
        %gather3A_1235 = tpu.vector_load_idx %arg7[%add3A_1199] : memref<8000xf32, #tpu.memory_space<vmem>>[vector<16xi32>], vector<16xf32>,
        %bitcast3A_1236 = vector.bitcast %gather3A_1235 : vector<16xf32> to vector<32xbf16>
        %gather3A_1237 = tpu.vector_load_idx %arg7[%add3A_1200] : memref<8000xf32, #tpu.memory_space<vmem>>[vector<16xi32>], vector<16xf32>,
        %bitcast3A_1238 = vector.bitcast %gather3A_1237 : vector<16xf32> to vector<32xbf16>
        %gather3A_1239 = tpu.vector_load_idx %arg7[%add3A_1201] : memref<8000xf32, #tpu.memory_space<vmem>>[vector<16xi32>], vector<16xf32>,
        %bitcast3A_1240 = vector.bitcast %gather3A_1239 : vector<16xf32> to vector<32xbf16>
        %gather3A_1241 = tpu.vector_load_idx %arg7[%add3A_1202] : memref<8000xf32, #tpu.memory_space<vmem>>[vector<16xi32>], vector<16xf32>,
        %bitcast3A_1242 = vector.bitcast %gather3A_1241 : vector<16xf32> to vector<32xbf16>
        %mul3A_1243 = arith.mulf %pack3A_1183, %bitcast3A_1236 : vector<32xbf16>
        %mul3A_1244 = arith.mulf %pack3A_1186, %bitcast3A_1238 : vector<32xbf16>
        %add3A_1245 = arith.addf %mul3A_1243, %mul3A_1244 : vector<32xbf16>
        %mul3A_1246 = arith.mulf %pack3A_1189, %bitcast3A_1240 : vector<32xbf16>
        %add3A_1247 = arith.addf %add3A_1245, %mul3A_1246 : vector<32xbf16>
        %mul3A_1248 = arith.mulf %pack3A_1192, %bitcast3A_1242 : vector<32xbf16>
        %add3A_1249 = arith.addf %add3A_1247, %mul3A_1248 : vector<32xbf16>
        %max3A_1250 = arith.maximumf %max3A_1114, %add3A_1249 : vector<32xbf16>
        %gather3A_1251 = tpu.vector_load_idx %arg8[%add3A_1199] : memref<8000xf32, #tpu.memory_space<vmem>>[vector<16xi32>], vector<16xf32>,
        %bitcast3A_1252 = vector.bitcast %gather3A_1251 : vector<16xf32> to vector<32xbf16>
        %gather3A_1253 = tpu.vector_load_idx %arg8[%add3A_1200] : memref<8000xf32, #tpu.memory_space<vmem>>[vector<16xi32>], vector<16xf32>,
        %bitcast3A_1254 = vector.bitcast %gather3A_1253 : vector<16xf32> to vector<32xbf16>
        %gather3A_1255 = tpu.vector_load_idx %arg8[%add3A_1201] : memref<8000xf32, #tpu.memory_space<vmem>>[vector<16xi32>], vector<16xf32>,
        %bitcast3A_1256 = vector.bitcast %gather3A_1255 : vector<16xf32> to vector<32xbf16>
        %gather3A_1257 = tpu.vector_load_idx %arg8[%add3A_1202] : memref<8000xf32, #tpu.memory_space<vmem>>[vector<16xi32>], vector<16xf32>,
        %bitcast3A_1258 = vector.bitcast %gather3A_1257 : vector<16xf32> to vector<32xbf16>
        %mul3A_1259 = arith.mulf %pack3A_1183, %bitcast3A_1252 : vector<32xbf16>
        %mul3A_1260 = arith.mulf %pack3A_1186, %bitcast3A_1254 : vector<32xbf16>
        %add3A_1261 = arith.addf %mul3A_1259, %mul3A_1260 : vector<32xbf16>
        %mul3A_1262 = arith.mulf %pack3A_1189, %bitcast3A_1256 : vector<32xbf16>
        %add3A_1263 = arith.addf %add3A_1261, %mul3A_1262 : vector<32xbf16>
        %mul3A_1264 = arith.mulf %pack3A_1192, %bitcast3A_1258 : vector<32xbf16>
        %add3A_1265 = arith.addf %add3A_1263, %mul3A_1264 : vector<32xbf16>
        %max3A_1266 = arith.maximumf %max3A_1130, %add3A_1265 : vector<32xbf16>
        %mul3A_1267 = arith.constant 8.000000e+00 : f32
        %mul3A_1268 = vector.broadcast %mul3A_1267 : f32 to vector<16xf32>
        %mul3A_1269 = arith.mulf %mul3A_1268, %mul3A_179 : vector<16xf32>
        %add3A_1270 = arith.addf %add3A_186, %mul3A_1269 : vector<16xf32>
        %max3A_1271 = arith.constant 0.000000e+00 : f32
        %max3A_1272 = vector.broadcast %max3A_1271 : f32 to vector<16xf32>
        %max3A_1273 = arith.maximumf %add3A_1270, %max3A_1272 : vector<16xf32>
        %mul3A_1274 = arith.constant 8.000000e+00 : f32
        %mul3A_1275 = vector.broadcast %mul3A_1274 : f32 to vector<16xf32>
        %mul3A_1276 = arith.mulf %mul3A_1275, %mul3A_183 : vector<16xf32>
        %add3A_1277 = arith.addf %add3A_189, %mul3A_1276 : vector<16xf32>
        %max3A_1278 = arith.constant 0.000000e+00 : f32
        %max3A_1279 = vector.broadcast %max3A_1278 : f32 to vector<16xf32>
        %max3A_1280 = arith.maximumf %add3A_1277, %max3A_1279 : vector<16xf32>
        %convert_element_type3A_1281 = arith.fptosi %max3A_1273 : vector<16xf32> to vector<16xi32>
        %convert_element_type3A_1282 = arith.fptosi %max3A_1280 : vector<16xf32> to vector<16xi32>
        %add3A_1283 = arith.constant 1 : i32
        %add3A_1284 = vector.broadcast %add3A_1283 : i32 to vector<16xi32>
        %add3A_1285 = arith.addi %convert_element_type3A_1281, %add3A_1284 : vector<16xi32>
        %min3A_1286 = arith.constant 99 : i32
        %min3A_1287 = vector.broadcast %min3A_1286 : i32 to vector<16xi32>
        %min3A_1288 = arith.minsi %add3A_1285, %min3A_1287 : vector<16xi32>
        %add3A_1289 = arith.constant 1 : i32
        %add3A_1290 = vector.broadcast %add3A_1289 : i32 to vector<16xi32>
        %add3A_1291 = arith.addi %convert_element_type3A_1282, %add3A_1290 : vector<16xi32>
        %min3A_1292 = arith.constant 79 : i32
        %min3A_1293 = vector.broadcast %min3A_1292 : i32 to vector<16xi32>
        %min3A_1294 = arith.minsi %add3A_1291, %min3A_1293 : vector<16xi32>
        %ge3A_1295 = arith.constant 99 : i32
        %ge3A_1296 = vector.broadcast %ge3A_1295 : i32 to vector<16xi32>
        %ge3A_1297 = arith.cmpi sge, %convert_element_type3A_1281, %ge3A_1296 : vector<16xi32>
        %jit3A_1298 = arith.constant 9.900000e+01 : f32
        %broadcast_in_dim3A_1299 = vector.broadcast %jit3A_1298 : f32 to vector<16xf32>
        %select_n3A_1300 = arith.select %ge3A_1297, %broadcast_in_dim3A_1299, %max3A_1273 : vector<16xi1>, vector<16xf32>
        %convert_element_type3A_1301 = arith.sitofp %convert_element_type3A_1281 : vector<16xi32> to vector<16xf32>
        %sub3A_1302 = arith.subf %select_n3A_1300, %convert_element_type3A_1301 : vector<16xf32>
        %ge3A_1303 = arith.constant 79 : i32
        %ge3A_1304 = vector.broadcast %ge3A_1303 : i32 to vector<16xi32>
        %ge3A_1305 = arith.cmpi sge, %convert_element_type3A_1282, %ge3A_1304 : vector<16xi32>
        %jit3A_1306 = arith.constant 7.900000e+01 : f32
        %broadcast_in_dim3A_1307 = vector.broadcast %jit3A_1306 : f32 to vector<16xf32>
        %select_n3A_1308 = arith.select %ge3A_1305, %broadcast_in_dim3A_1307, %max3A_1280 : vector<16xi1>, vector<16xf32>
        %convert_element_type3A_1309 = arith.sitofp %convert_element_type3A_1282 : vector<16xi32> to vector<16xf32>
        %sub3A_1310 = arith.subf %select_n3A_1308, %convert_element_type3A_1309 : vector<16xf32>
        %sub3A_1311 = arith.constant 1.000000e+00 : f32
        %sub3A_1312 = vector.broadcast %sub3A_1311 : f32 to vector<16xf32>
        %sub3A_1313 = arith.subf %sub3A_1312, %sub3A_1302 : vector<16xf32>
        %sub3A_1314 = arith.constant 1.000000e+00 : f32
        %sub3A_1315 = vector.broadcast %sub3A_1314 : f32 to vector<16xf32>
        %sub3A_1316 = arith.subf %sub3A_1315, %sub3A_1310 : vector<16xf32>
        %mul3A_1317 = arith.mulf %sub3A_1316, %sub3A_1313 : vector<16xf32>
        %mul3A_1318 = arith.mulf %sub3A_1316, %sub3A_1313 : vector<16xf32>
        %pack3A_1319 = tpu.pack_subelements %mul3A_1317, %mul3A_1318 {pack_format = #tpu.pack_format<interleaved>, positions = array<i32: 0, 1>} : vector<16xf32>, vector<16xf32> -> vector<32xbf16>
        %mul3A_1320 = arith.mulf %sub3A_1316, %sub3A_1302 : vector<16xf32>
        %mul3A_1321 = arith.mulf %sub3A_1316, %sub3A_1302 : vector<16xf32>
        %pack3A_1322 = tpu.pack_subelements %mul3A_1320, %mul3A_1321 {pack_format = #tpu.pack_format<interleaved>, positions = array<i32: 0, 1>} : vector<16xf32>, vector<16xf32> -> vector<32xbf16>
        %mul3A_1323 = arith.mulf %sub3A_1310, %sub3A_1313 : vector<16xf32>
        %mul3A_1324 = arith.mulf %sub3A_1310, %sub3A_1313 : vector<16xf32>
        %pack3A_1325 = tpu.pack_subelements %mul3A_1323, %mul3A_1324 {pack_format = #tpu.pack_format<interleaved>, positions = array<i32: 0, 1>} : vector<16xf32>, vector<16xf32> -> vector<32xbf16>
        %mul3A_1326 = arith.mulf %sub3A_1310, %sub3A_1302 : vector<16xf32>
        %mul3A_1327 = arith.mulf %sub3A_1310, %sub3A_1302 : vector<16xf32>
        %pack3A_1328 = tpu.pack_subelements %mul3A_1326, %mul3A_1327 {pack_format = #tpu.pack_format<interleaved>, positions = array<i32: 0, 1>} : vector<16xf32>, vector<16xf32> -> vector<32xbf16>
        %mul3A_1329 = arith.constant 100 : i32
        %mul3A_1330 = vector.broadcast %mul3A_1329 : i32 to vector<16xi32>
        %mul3A_1331 = arith.muli %convert_element_type3A_1282, %mul3A_1330 : vector<16xi32>
        %mul3A_1332 = arith.constant 100 : i32
        %mul3A_1333 = vector.broadcast %mul3A_1332 : i32 to vector<16xi32>
        %mul3A_1334 = arith.muli %min3A_1294, %mul3A_1333 : vector<16xi32>
        %add3A_1335 = arith.addi %mul3A_1331, %convert_element_type3A_1281 : vector<16xi32>
        %add3A_1336 = arith.addi %mul3A_1331, %min3A_1288 : vector<16xi32>
        %add3A_1337 = arith.addi %mul3A_1334, %convert_element_type3A_1281 : vector<16xi32>
        %add3A_1338 = arith.addi %mul3A_1334, %min3A_1288 : vector<16xi32>
        %gather3A_1339 = tpu.vector_load_idx %arg5[%add3A_1335] : memref<8000xf32, #tpu.memory_space<vmem>>[vector<16xi32>], vector<16xf32>,
        %bitcast3A_1340 = vector.bitcast %gather3A_1339 : vector<16xf32> to vector<32xbf16>
        %gather3A_1341 = tpu.vector_load_idx %arg5[%add3A_1336] : memref<8000xf32, #tpu.memory_space<vmem>>[vector<16xi32>], vector<16xf32>,
        %bitcast3A_1342 = vector.bitcast %gather3A_1341 : vector<16xf32> to vector<32xbf16>
        %gather3A_1343 = tpu.vector_load_idx %arg5[%add3A_1337] : memref<8000xf32, #tpu.memory_space<vmem>>[vector<16xi32>], vector<16xf32>,
        %bitcast3A_1344 = vector.bitcast %gather3A_1343 : vector<16xf32> to vector<32xbf16>
        %gather3A_1345 = tpu.vector_load_idx %arg5[%add3A_1338] : memref<8000xf32, #tpu.memory_space<vmem>>[vector<16xi32>], vector<16xf32>,
        %bitcast3A_1346 = vector.bitcast %gather3A_1345 : vector<16xf32> to vector<32xbf16>
        %mul3A_1347 = arith.mulf %pack3A_1319, %bitcast3A_1340 : vector<32xbf16>
        %mul3A_1348 = arith.mulf %pack3A_1322, %bitcast3A_1342 : vector<32xbf16>
        %add3A_1349 = arith.addf %mul3A_1347, %mul3A_1348 : vector<32xbf16>
        %mul3A_1350 = arith.mulf %pack3A_1325, %bitcast3A_1344 : vector<32xbf16>
        %add3A_1351 = arith.addf %add3A_1349, %mul3A_1350 : vector<32xbf16>
        %mul3A_1352 = arith.mulf %pack3A_1328, %bitcast3A_1346 : vector<32xbf16>
        %add3A_1353 = arith.addf %add3A_1351, %mul3A_1352 : vector<32xbf16>
        %max3A_1354 = arith.maximumf %max3A_1218, %add3A_1353 : vector<32xbf16>
        %gather3A_1355 = tpu.vector_load_idx %arg6[%add3A_1335] : memref<8000xf32, #tpu.memory_space<vmem>>[vector<16xi32>], vector<16xf32>,
        %bitcast3A_1356 = vector.bitcast %gather3A_1355 : vector<16xf32> to vector<32xbf16>
        %gather3A_1357 = tpu.vector_load_idx %arg6[%add3A_1336] : memref<8000xf32, #tpu.memory_space<vmem>>[vector<16xi32>], vector<16xf32>,
        %bitcast3A_1358 = vector.bitcast %gather3A_1357 : vector<16xf32> to vector<32xbf16>
        %gather3A_1359 = tpu.vector_load_idx %arg6[%add3A_1337] : memref<8000xf32, #tpu.memory_space<vmem>>[vector<16xi32>], vector<16xf32>,
        %bitcast3A_1360 = vector.bitcast %gather3A_1359 : vector<16xf32> to vector<32xbf16>
        %gather3A_1361 = tpu.vector_load_idx %arg6[%add3A_1338] : memref<8000xf32, #tpu.memory_space<vmem>>[vector<16xi32>], vector<16xf32>,
        %bitcast3A_1362 = vector.bitcast %gather3A_1361 : vector<16xf32> to vector<32xbf16>
        %mul3A_1363 = arith.mulf %pack3A_1319, %bitcast3A_1356 : vector<32xbf16>
        %mul3A_1364 = arith.mulf %pack3A_1322, %bitcast3A_1358 : vector<32xbf16>
        %add3A_1365 = arith.addf %mul3A_1363, %mul3A_1364 : vector<32xbf16>
        %mul3A_1366 = arith.mulf %pack3A_1325, %bitcast3A_1360 : vector<32xbf16>
        %add3A_1367 = arith.addf %add3A_1365, %mul3A_1366 : vector<32xbf16>
        %mul3A_1368 = arith.mulf %pack3A_1328, %bitcast3A_1362 : vector<32xbf16>
        %add3A_1369 = arith.addf %add3A_1367, %mul3A_1368 : vector<32xbf16>
        %max3A_1370 = arith.maximumf %max3A_1234, %add3A_1369 : vector<32xbf16>
        %gather3A_1371 = tpu.vector_load_idx %arg7[%add3A_1335] : memref<8000xf32, #tpu.memory_space<vmem>>[vector<16xi32>], vector<16xf32>,
        %bitcast3A_1372 = vector.bitcast %gather3A_1371 : vector<16xf32> to vector<32xbf16>
        %gather3A_1373 = tpu.vector_load_idx %arg7[%add3A_1336] : memref<8000xf32, #tpu.memory_space<vmem>>[vector<16xi32>], vector<16xf32>,
        %bitcast3A_1374 = vector.bitcast %gather3A_1373 : vector<16xf32> to vector<32xbf16>
        %gather3A_1375 = tpu.vector_load_idx %arg7[%add3A_1337] : memref<8000xf32, #tpu.memory_space<vmem>>[vector<16xi32>], vector<16xf32>,
        %bitcast3A_1376 = vector.bitcast %gather3A_1375 : vector<16xf32> to vector<32xbf16>
        %gather3A_1377 = tpu.vector_load_idx %arg7[%add3A_1338] : memref<8000xf32, #tpu.memory_space<vmem>>[vector<16xi32>], vector<16xf32>,
        %bitcast3A_1378 = vector.bitcast %gather3A_1377 : vector<16xf32> to vector<32xbf16>
        %mul3A_1379 = arith.mulf %pack3A_1319, %bitcast3A_1372 : vector<32xbf16>
        %mul3A_1380 = arith.mulf %pack3A_1322, %bitcast3A_1374 : vector<32xbf16>
        %add3A_1381 = arith.addf %mul3A_1379, %mul3A_1380 : vector<32xbf16>
        %mul3A_1382 = arith.mulf %pack3A_1325, %bitcast3A_1376 : vector<32xbf16>
        %add3A_1383 = arith.addf %add3A_1381, %mul3A_1382 : vector<32xbf16>
        %mul3A_1384 = arith.mulf %pack3A_1328, %bitcast3A_1378 : vector<32xbf16>
        %add3A_1385 = arith.addf %add3A_1383, %mul3A_1384 : vector<32xbf16>
        %max3A_1386 = arith.maximumf %max3A_1250, %add3A_1385 : vector<32xbf16>
        %gather3A_1387 = tpu.vector_load_idx %arg8[%add3A_1335] : memref<8000xf32, #tpu.memory_space<vmem>>[vector<16xi32>], vector<16xf32>,
        %bitcast3A_1388 = vector.bitcast %gather3A_1387 : vector<16xf32> to vector<32xbf16>
        %gather3A_1389 = tpu.vector_load_idx %arg8[%add3A_1336] : memref<8000xf32, #tpu.memory_space<vmem>>[vector<16xi32>], vector<16xf32>,
        %bitcast3A_1390 = vector.bitcast %gather3A_1389 : vector<16xf32> to vector<32xbf16>
        %gather3A_1391 = tpu.vector_load_idx %arg8[%add3A_1337] : memref<8000xf32, #tpu.memory_space<vmem>>[vector<16xi32>], vector<16xf32>,
        %bitcast3A_1392 = vector.bitcast %gather3A_1391 : vector<16xf32> to vector<32xbf16>
        %gather3A_1393 = tpu.vector_load_idx %arg8[%add3A_1338] : memref<8000xf32, #tpu.memory_space<vmem>>[vector<16xi32>], vector<16xf32>,
        %bitcast3A_1394 = vector.bitcast %gather3A_1393 : vector<16xf32> to vector<32xbf16>
        %mul3A_1395 = arith.mulf %pack3A_1319, %bitcast3A_1388 : vector<32xbf16>
        %mul3A_1396 = arith.mulf %pack3A_1322, %bitcast3A_1390 : vector<32xbf16>
        %add3A_1397 = arith.addf %mul3A_1395, %mul3A_1396 : vector<32xbf16>
        %mul3A_1398 = arith.mulf %pack3A_1325, %bitcast3A_1392 : vector<32xbf16>
        %add3A_1399 = arith.addf %add3A_1397, %mul3A_1398 : vector<32xbf16>
        %mul3A_1400 = arith.mulf %pack3A_1328, %bitcast3A_1394 : vector<32xbf16>
        %add3A_1401 = arith.addf %add3A_1399, %mul3A_1400 : vector<32xbf16>
        %max3A_1402 = arith.maximumf %max3A_1266, %add3A_1401 : vector<32xbf16>
        %mul3A_1403 = arith.constant 9.000000e+00 : f32
        %mul3A_1404 = vector.broadcast %mul3A_1403 : f32 to vector<16xf32>
        %mul3A_1405 = arith.mulf %mul3A_1404, %mul3A_179 : vector<16xf32>
        %add3A_1406 = arith.addf %add3A_186, %mul3A_1405 : vector<16xf32>
        %max3A_1407 = arith.constant 0.000000e+00 : f32
        %max3A_1408 = vector.broadcast %max3A_1407 : f32 to vector<16xf32>
        %max3A_1409 = arith.maximumf %add3A_1406, %max3A_1408 : vector<16xf32>
        %mul3A_1410 = arith.constant 9.000000e+00 : f32
        %mul3A_1411 = vector.broadcast %mul3A_1410 : f32 to vector<16xf32>
        %mul3A_1412 = arith.mulf %mul3A_1411, %mul3A_183 : vector<16xf32>
        %add3A_1413 = arith.addf %add3A_189, %mul3A_1412 : vector<16xf32>
        %max3A_1414 = arith.constant 0.000000e+00 : f32
        %max3A_1415 = vector.broadcast %max3A_1414 : f32 to vector<16xf32>
        %max3A_1416 = arith.maximumf %add3A_1413, %max3A_1415 : vector<16xf32>
        %convert_element_type3A_1417 = arith.fptosi %max3A_1409 : vector<16xf32> to vector<16xi32>
        %convert_element_type3A_1418 = arith.fptosi %max3A_1416 : vector<16xf32> to vector<16xi32>
        %add3A_1419 = arith.constant 1 : i32
        %add3A_1420 = vector.broadcast %add3A_1419 : i32 to vector<16xi32>
        %add3A_1421 = arith.addi %convert_element_type3A_1417, %add3A_1420 : vector<16xi32>
        %min3A_1422 = arith.constant 99 : i32
        %min3A_1423 = vector.broadcast %min3A_1422 : i32 to vector<16xi32>
        %min3A_1424 = arith.minsi %add3A_1421, %min3A_1423 : vector<16xi32>
        %add3A_1425 = arith.constant 1 : i32
        %add3A_1426 = vector.broadcast %add3A_1425 : i32 to vector<16xi32>
        %add3A_1427 = arith.addi %convert_element_type3A_1418, %add3A_1426 : vector<16xi32>
        %min3A_1428 = arith.constant 79 : i32
        %min3A_1429 = vector.broadcast %min3A_1428 : i32 to vector<16xi32>
        %min3A_1430 = arith.minsi %add3A_1427, %min3A_1429 : vector<16xi32>
        %ge3A_1431 = arith.constant 99 : i32
        %ge3A_1432 = vector.broadcast %ge3A_1431 : i32 to vector<16xi32>
        %ge3A_1433 = arith.cmpi sge, %convert_element_type3A_1417, %ge3A_1432 : vector<16xi32>
        %jit3A_1434 = arith.constant 9.900000e+01 : f32
        %broadcast_in_dim3A_1435 = vector.broadcast %jit3A_1434 : f32 to vector<16xf32>
        %select_n3A_1436 = arith.select %ge3A_1433, %broadcast_in_dim3A_1435, %max3A_1409 : vector<16xi1>, vector<16xf32>
        %convert_element_type3A_1437 = arith.sitofp %convert_element_type3A_1417 : vector<16xi32> to vector<16xf32>
        %sub3A_1438 = arith.subf %select_n3A_1436, %convert_element_type3A_1437 : vector<16xf32>
        %ge3A_1439 = arith.constant 79 : i32
        %ge3A_1440 = vector.broadcast %ge3A_1439 : i32 to vector<16xi32>
        %ge3A_1441 = arith.cmpi sge, %convert_element_type3A_1418, %ge3A_1440 : vector<16xi32>
        %jit3A_1442 = arith.constant 7.900000e+01 : f32
        %broadcast_in_dim3A_1443 = vector.broadcast %jit3A_1442 : f32 to vector<16xf32>
        %select_n3A_1444 = arith.select %ge3A_1441, %broadcast_in_dim3A_1443, %max3A_1416 : vector<16xi1>, vector<16xf32>
        %convert_element_type3A_1445 = arith.sitofp %convert_element_type3A_1418 : vector<16xi32> to vector<16xf32>
        %sub3A_1446 = arith.subf %select_n3A_1444, %convert_element_type3A_1445 : vector<16xf32>
        %sub3A_1447 = arith.constant 1.000000e+00 : f32
        %sub3A_1448 = vector.broadcast %sub3A_1447 : f32 to vector<16xf32>
        %sub3A_1449 = arith.subf %sub3A_1448, %sub3A_1438 : vector<16xf32>
        %sub3A_1450 = arith.constant 1.000000e+00 : f32
        %sub3A_1451 = vector.broadcast %sub3A_1450 : f32 to vector<16xf32>
        %sub3A_1452 = arith.subf %sub3A_1451, %sub3A_1446 : vector<16xf32>
        %mul3A_1453 = arith.mulf %sub3A_1452, %sub3A_1449 : vector<16xf32>
        %mul3A_1454 = arith.mulf %sub3A_1452, %sub3A_1449 : vector<16xf32>
        %pack3A_1455 = tpu.pack_subelements %mul3A_1453, %mul3A_1454 {pack_format = #tpu.pack_format<interleaved>, positions = array<i32: 0, 1>} : vector<16xf32>, vector<16xf32> -> vector<32xbf16>
        %mul3A_1456 = arith.mulf %sub3A_1452, %sub3A_1438 : vector<16xf32>
        %mul3A_1457 = arith.mulf %sub3A_1452, %sub3A_1438 : vector<16xf32>
        %pack3A_1458 = tpu.pack_subelements %mul3A_1456, %mul3A_1457 {pack_format = #tpu.pack_format<interleaved>, positions = array<i32: 0, 1>} : vector<16xf32>, vector<16xf32> -> vector<32xbf16>
        %mul3A_1459 = arith.mulf %sub3A_1446, %sub3A_1449 : vector<16xf32>
        %mul3A_1460 = arith.mulf %sub3A_1446, %sub3A_1449 : vector<16xf32>
        %pack3A_1461 = tpu.pack_subelements %mul3A_1459, %mul3A_1460 {pack_format = #tpu.pack_format<interleaved>, positions = array<i32: 0, 1>} : vector<16xf32>, vector<16xf32> -> vector<32xbf16>
        %mul3A_1462 = arith.mulf %sub3A_1446, %sub3A_1438 : vector<16xf32>
        %mul3A_1463 = arith.mulf %sub3A_1446, %sub3A_1438 : vector<16xf32>
        %pack3A_1464 = tpu.pack_subelements %mul3A_1462, %mul3A_1463 {pack_format = #tpu.pack_format<interleaved>, positions = array<i32: 0, 1>} : vector<16xf32>, vector<16xf32> -> vector<32xbf16>
        %mul3A_1465 = arith.constant 100 : i32
        %mul3A_1466 = vector.broadcast %mul3A_1465 : i32 to vector<16xi32>
        %mul3A_1467 = arith.muli %convert_element_type3A_1418, %mul3A_1466 : vector<16xi32>
        %mul3A_1468 = arith.constant 100 : i32
        %mul3A_1469 = vector.broadcast %mul3A_1468 : i32 to vector<16xi32>
        %mul3A_1470 = arith.muli %min3A_1430, %mul3A_1469 : vector<16xi32>
        %add3A_1471 = arith.addi %mul3A_1467, %convert_element_type3A_1417 : vector<16xi32>
        %add3A_1472 = arith.addi %mul3A_1467, %min3A_1424 : vector<16xi32>
        %add3A_1473 = arith.addi %mul3A_1470, %convert_element_type3A_1417 : vector<16xi32>
        %add3A_1474 = arith.addi %mul3A_1470, %min3A_1424 : vector<16xi32>
        %gather3A_1475 = tpu.vector_load_idx %arg5[%add3A_1471] : memref<8000xf32, #tpu.memory_space<vmem>>[vector<16xi32>], vector<16xf32>,
        %bitcast3A_1476 = vector.bitcast %gather3A_1475 : vector<16xf32> to vector<32xbf16>
        %gather3A_1477 = tpu.vector_load_idx %arg5[%add3A_1472] : memref<8000xf32, #tpu.memory_space<vmem>>[vector<16xi32>], vector<16xf32>,
        %bitcast3A_1478 = vector.bitcast %gather3A_1477 : vector<16xf32> to vector<32xbf16>
        %gather3A_1479 = tpu.vector_load_idx %arg5[%add3A_1473] : memref<8000xf32, #tpu.memory_space<vmem>>[vector<16xi32>], vector<16xf32>,
        %bitcast3A_1480 = vector.bitcast %gather3A_1479 : vector<16xf32> to vector<32xbf16>
        %gather3A_1481 = tpu.vector_load_idx %arg5[%add3A_1474] : memref<8000xf32, #tpu.memory_space<vmem>>[vector<16xi32>], vector<16xf32>,
        %bitcast3A_1482 = vector.bitcast %gather3A_1481 : vector<16xf32> to vector<32xbf16>
        %mul3A_1483 = arith.mulf %pack3A_1455, %bitcast3A_1476 : vector<32xbf16>
        %mul3A_1484 = arith.mulf %pack3A_1458, %bitcast3A_1478 : vector<32xbf16>
        %add3A_1485 = arith.addf %mul3A_1483, %mul3A_1484 : vector<32xbf16>
        %mul3A_1486 = arith.mulf %pack3A_1461, %bitcast3A_1480 : vector<32xbf16>
        %add3A_1487 = arith.addf %add3A_1485, %mul3A_1486 : vector<32xbf16>
        %mul3A_1488 = arith.mulf %pack3A_1464, %bitcast3A_1482 : vector<32xbf16>
        %add3A_1489 = arith.addf %add3A_1487, %mul3A_1488 : vector<32xbf16>
        %max3A_1490 = arith.maximumf %max3A_1354, %add3A_1489 : vector<32xbf16>
        %gather3A_1491 = tpu.vector_load_idx %arg6[%add3A_1471] : memref<8000xf32, #tpu.memory_space<vmem>>[vector<16xi32>], vector<16xf32>,
        %bitcast3A_1492 = vector.bitcast %gather3A_1491 : vector<16xf32> to vector<32xbf16>
        %gather3A_1493 = tpu.vector_load_idx %arg6[%add3A_1472] : memref<8000xf32, #tpu.memory_space<vmem>>[vector<16xi32>], vector<16xf32>,
        %bitcast3A_1494 = vector.bitcast %gather3A_1493 : vector<16xf32> to vector<32xbf16>
        %gather3A_1495 = tpu.vector_load_idx %arg6[%add3A_1473] : memref<8000xf32, #tpu.memory_space<vmem>>[vector<16xi32>], vector<16xf32>,
        %bitcast3A_1496 = vector.bitcast %gather3A_1495 : vector<16xf32> to vector<32xbf16>
        %gather3A_1497 = tpu.vector_load_idx %arg6[%add3A_1474] : memref<8000xf32, #tpu.memory_space<vmem>>[vector<16xi32>], vector<16xf32>,
        %bitcast3A_1498 = vector.bitcast %gather3A_1497 : vector<16xf32> to vector<32xbf16>
        %mul3A_1499 = arith.mulf %pack3A_1455, %bitcast3A_1492 : vector<32xbf16>
        %mul3A_1500 = arith.mulf %pack3A_1458, %bitcast3A_1494 : vector<32xbf16>
        %add3A_1501 = arith.addf %mul3A_1499, %mul3A_1500 : vector<32xbf16>
        %mul3A_1502 = arith.mulf %pack3A_1461, %bitcast3A_1496 : vector<32xbf16>
        %add3A_1503 = arith.addf %add3A_1501, %mul3A_1502 : vector<32xbf16>
        %mul3A_1504 = arith.mulf %pack3A_1464, %bitcast3A_1498 : vector<32xbf16>
        %add3A_1505 = arith.addf %add3A_1503, %mul3A_1504 : vector<32xbf16>
        %max3A_1506 = arith.maximumf %max3A_1370, %add3A_1505 : vector<32xbf16>
        %gather3A_1507 = tpu.vector_load_idx %arg7[%add3A_1471] : memref<8000xf32, #tpu.memory_space<vmem>>[vector<16xi32>], vector<16xf32>,
        %bitcast3A_1508 = vector.bitcast %gather3A_1507 : vector<16xf32> to vector<32xbf16>
        %gather3A_1509 = tpu.vector_load_idx %arg7[%add3A_1472] : memref<8000xf32, #tpu.memory_space<vmem>>[vector<16xi32>], vector<16xf32>,
        %bitcast3A_1510 = vector.bitcast %gather3A_1509 : vector<16xf32> to vector<32xbf16>
        %gather3A_1511 = tpu.vector_load_idx %arg7[%add3A_1473] : memref<8000xf32, #tpu.memory_space<vmem>>[vector<16xi32>], vector<16xf32>,
        %bitcast3A_1512 = vector.bitcast %gather3A_1511 : vector<16xf32> to vector<32xbf16>
        %gather3A_1513 = tpu.vector_load_idx %arg7[%add3A_1474] : memref<8000xf32, #tpu.memory_space<vmem>>[vector<16xi32>], vector<16xf32>,
        %bitcast3A_1514 = vector.bitcast %gather3A_1513 : vector<16xf32> to vector<32xbf16>
        %mul3A_1515 = arith.mulf %pack3A_1455, %bitcast3A_1508 : vector<32xbf16>
        %mul3A_1516 = arith.mulf %pack3A_1458, %bitcast3A_1510 : vector<32xbf16>
        %add3A_1517 = arith.addf %mul3A_1515, %mul3A_1516 : vector<32xbf16>
        %mul3A_1518 = arith.mulf %pack3A_1461, %bitcast3A_1512 : vector<32xbf16>
        %add3A_1519 = arith.addf %add3A_1517, %mul3A_1518 : vector<32xbf16>
        %mul3A_1520 = arith.mulf %pack3A_1464, %bitcast3A_1514 : vector<32xbf16>
        %add3A_1521 = arith.addf %add3A_1519, %mul3A_1520 : vector<32xbf16>
        %max3A_1522 = arith.maximumf %max3A_1386, %add3A_1521 : vector<32xbf16>
        %gather3A_1523 = tpu.vector_load_idx %arg8[%add3A_1471] : memref<8000xf32, #tpu.memory_space<vmem>>[vector<16xi32>], vector<16xf32>,
        %bitcast3A_1524 = vector.bitcast %gather3A_1523 : vector<16xf32> to vector<32xbf16>
        %gather3A_1525 = tpu.vector_load_idx %arg8[%add3A_1472] : memref<8000xf32, #tpu.memory_space<vmem>>[vector<16xi32>], vector<16xf32>,
        %bitcast3A_1526 = vector.bitcast %gather3A_1525 : vector<16xf32> to vector<32xbf16>
        %gather3A_1527 = tpu.vector_load_idx %arg8[%add3A_1473] : memref<8000xf32, #tpu.memory_space<vmem>>[vector<16xi32>], vector<16xf32>,
        %bitcast3A_1528 = vector.bitcast %gather3A_1527 : vector<16xf32> to vector<32xbf16>
        %gather3A_1529 = tpu.vector_load_idx %arg8[%add3A_1474] : memref<8000xf32, #tpu.memory_space<vmem>>[vector<16xi32>], vector<16xf32>,
        %bitcast3A_1530 = vector.bitcast %gather3A_1529 : vector<16xf32> to vector<32xbf16>
        %mul3A_1531 = arith.mulf %pack3A_1455, %bitcast3A_1524 : vector<32xbf16>
        %mul3A_1532 = arith.mulf %pack3A_1458, %bitcast3A_1526 : vector<32xbf16>
        %add3A_1533 = arith.addf %mul3A_1531, %mul3A_1532 : vector<32xbf16>
        %mul3A_1534 = arith.mulf %pack3A_1461, %bitcast3A_1528 : vector<32xbf16>
        %add3A_1535 = arith.addf %add3A_1533, %mul3A_1534 : vector<32xbf16>
        %mul3A_1536 = arith.mulf %pack3A_1464, %bitcast3A_1530 : vector<32xbf16>
        %add3A_1537 = arith.addf %add3A_1535, %mul3A_1536 : vector<32xbf16>
        %max3A_1538 = arith.maximumf %max3A_1402, %add3A_1537 : vector<32xbf16>
        %mul3A_1539 = arith.constant 1.000000e+01 : f32
        %mul3A_1540 = vector.broadcast %mul3A_1539 : f32 to vector<16xf32>
        %mul3A_1541 = arith.mulf %mul3A_1540, %mul3A_179 : vector<16xf32>
        %add3A_1542 = arith.addf %add3A_186, %mul3A_1541 : vector<16xf32>
        %max3A_1543 = arith.constant 0.000000e+00 : f32
        %max3A_1544 = vector.broadcast %max3A_1543 : f32 to vector<16xf32>
        %max3A_1545 = arith.maximumf %add3A_1542, %max3A_1544 : vector<16xf32>
        %mul3A_1546 = arith.constant 1.000000e+01 : f32
        %mul3A_1547 = vector.broadcast %mul3A_1546 : f32 to vector<16xf32>
        %mul3A_1548 = arith.mulf %mul3A_1547, %mul3A_183 : vector<16xf32>
        %add3A_1549 = arith.addf %add3A_189, %mul3A_1548 : vector<16xf32>
        %max3A_1550 = arith.constant 0.000000e+00 : f32
        %max3A_1551 = vector.broadcast %max3A_1550 : f32 to vector<16xf32>
        %max3A_1552 = arith.maximumf %add3A_1549, %max3A_1551 : vector<16xf32>
        %convert_element_type3A_1553 = arith.fptosi %max3A_1545 : vector<16xf32> to vector<16xi32>
        %convert_element_type3A_1554 = arith.fptosi %max3A_1552 : vector<16xf32> to vector<16xi32>
        %add3A_1555 = arith.constant 1 : i32
        %add3A_1556 = vector.broadcast %add3A_1555 : i32 to vector<16xi32>
        %add3A_1557 = arith.addi %convert_element_type3A_1553, %add3A_1556 : vector<16xi32>
        %min3A_1558 = arith.constant 99 : i32
        %min3A_1559 = vector.broadcast %min3A_1558 : i32 to vector<16xi32>
        %min3A_1560 = arith.minsi %add3A_1557, %min3A_1559 : vector<16xi32>
        %add3A_1561 = arith.constant 1 : i32
        %add3A_1562 = vector.broadcast %add3A_1561 : i32 to vector<16xi32>
        %add3A_1563 = arith.addi %convert_element_type3A_1554, %add3A_1562 : vector<16xi32>
        %min3A_1564 = arith.constant 79 : i32
        %min3A_1565 = vector.broadcast %min3A_1564 : i32 to vector<16xi32>
        %min3A_1566 = arith.minsi %add3A_1563, %min3A_1565 : vector<16xi32>
        %ge3A_1567 = arith.constant 99 : i32
        %ge3A_1568 = vector.broadcast %ge3A_1567 : i32 to vector<16xi32>
        %ge3A_1569 = arith.cmpi sge, %convert_element_type3A_1553, %ge3A_1568 : vector<16xi32>
        %jit3A_1570 = arith.constant 9.900000e+01 : f32
        %broadcast_in_dim3A_1571 = vector.broadcast %jit3A_1570 : f32 to vector<16xf32>
        %select_n3A_1572 = arith.select %ge3A_1569, %broadcast_in_dim3A_1571, %max3A_1545 : vector<16xi1>, vector<16xf32>
        %convert_element_type3A_1573 = arith.sitofp %convert_element_type3A_1553 : vector<16xi32> to vector<16xf32>
        %sub3A_1574 = arith.subf %select_n3A_1572, %convert_element_type3A_1573 : vector<16xf32>
        %ge3A_1575 = arith.constant 79 : i32
        %ge3A_1576 = vector.broadcast %ge3A_1575 : i32 to vector<16xi32>
        %ge3A_1577 = arith.cmpi sge, %convert_element_type3A_1554, %ge3A_1576 : vector<16xi32>
        %jit3A_1578 = arith.constant 7.900000e+01 : f32
        %broadcast_in_dim3A_1579 = vector.broadcast %jit3A_1578 : f32 to vector<16xf32>
        %select_n3A_1580 = arith.select %ge3A_1577, %broadcast_in_dim3A_1579, %max3A_1552 : vector<16xi1>, vector<16xf32>
        %convert_element_type3A_1581 = arith.sitofp %convert_element_type3A_1554 : vector<16xi32> to vector<16xf32>
        %sub3A_1582 = arith.subf %select_n3A_1580, %convert_element_type3A_1581 : vector<16xf32>
        %sub3A_1583 = arith.constant 1.000000e+00 : f32
        %sub3A_1584 = vector.broadcast %sub3A_1583 : f32 to vector<16xf32>
        %sub3A_1585 = arith.subf %sub3A_1584, %sub3A_1574 : vector<16xf32>
        %sub3A_1586 = arith.constant 1.000000e+00 : f32
        %sub3A_1587 = vector.broadcast %sub3A_1586 : f32 to vector<16xf32>
        %sub3A_1588 = arith.subf %sub3A_1587, %sub3A_1582 : vector<16xf32>
        %mul3A_1589 = arith.mulf %sub3A_1588, %sub3A_1585 : vector<16xf32>
        %mul3A_1590 = arith.mulf %sub3A_1588, %sub3A_1585 : vector<16xf32>
        %pack3A_1591 = tpu.pack_subelements %mul3A_1589, %mul3A_1590 {pack_format = #tpu.pack_format<interleaved>, positions = array<i32: 0, 1>} : vector<16xf32>, vector<16xf32> -> vector<32xbf16>
        %mul3A_1592 = arith.mulf %sub3A_1588, %sub3A_1574 : vector<16xf32>
        %mul3A_1593 = arith.mulf %sub3A_1588, %sub3A_1574 : vector<16xf32>
        %pack3A_1594 = tpu.pack_subelements %mul3A_1592, %mul3A_1593 {pack_format = #tpu.pack_format<interleaved>, positions = array<i32: 0, 1>} : vector<16xf32>, vector<16xf32> -> vector<32xbf16>
        %mul3A_1595 = arith.mulf %sub3A_1582, %sub3A_1585 : vector<16xf32>
        %mul3A_1596 = arith.mulf %sub3A_1582, %sub3A_1585 : vector<16xf32>
        %pack3A_1597 = tpu.pack_subelements %mul3A_1595, %mul3A_1596 {pack_format = #tpu.pack_format<interleaved>, positions = array<i32: 0, 1>} : vector<16xf32>, vector<16xf32> -> vector<32xbf16>
        %mul3A_1598 = arith.mulf %sub3A_1582, %sub3A_1574 : vector<16xf32>
        %mul3A_1599 = arith.mulf %sub3A_1582, %sub3A_1574 : vector<16xf32>
        %pack3A_1600 = tpu.pack_subelements %mul3A_1598, %mul3A_1599 {pack_format = #tpu.pack_format<interleaved>, positions = array<i32: 0, 1>} : vector<16xf32>, vector<16xf32> -> vector<32xbf16>
        %mul3A_1601 = arith.constant 100 : i32
        %mul3A_1602 = vector.broadcast %mul3A_1601 : i32 to vector<16xi32>
        %mul3A_1603 = arith.muli %convert_element_type3A_1554, %mul3A_1602 : vector<16xi32>
        %mul3A_1604 = arith.constant 100 : i32
        %mul3A_1605 = vector.broadcast %mul3A_1604 : i32 to vector<16xi32>
        %mul3A_1606 = arith.muli %min3A_1566, %mul3A_1605 : vector<16xi32>
        %add3A_1607 = arith.addi %mul3A_1603, %convert_element_type3A_1553 : vector<16xi32>
        %add3A_1608 = arith.addi %mul3A_1603, %min3A_1560 : vector<16xi32>
        %add3A_1609 = arith.addi %mul3A_1606, %convert_element_type3A_1553 : vector<16xi32>
        %add3A_1610 = arith.addi %mul3A_1606, %min3A_1560 : vector<16xi32>
        %gather3A_1611 = tpu.vector_load_idx %arg5[%add3A_1607] : memref<8000xf32, #tpu.memory_space<vmem>>[vector<16xi32>], vector<16xf32>,
        %bitcast3A_1612 = vector.bitcast %gather3A_1611 : vector<16xf32> to vector<32xbf16>
        %gather3A_1613 = tpu.vector_load_idx %arg5[%add3A_1608] : memref<8000xf32, #tpu.memory_space<vmem>>[vector<16xi32>], vector<16xf32>,
        %bitcast3A_1614 = vector.bitcast %gather3A_1613 : vector<16xf32> to vector<32xbf16>
        %gather3A_1615 = tpu.vector_load_idx %arg5[%add3A_1609] : memref<8000xf32, #tpu.memory_space<vmem>>[vector<16xi32>], vector<16xf32>,
        %bitcast3A_1616 = vector.bitcast %gather3A_1615 : vector<16xf32> to vector<32xbf16>
        %gather3A_1617 = tpu.vector_load_idx %arg5[%add3A_1610] : memref<8000xf32, #tpu.memory_space<vmem>>[vector<16xi32>], vector<16xf32>,
        %bitcast3A_1618 = vector.bitcast %gather3A_1617 : vector<16xf32> to vector<32xbf16>
        %mul3A_1619 = arith.mulf %pack3A_1591, %bitcast3A_1612 : vector<32xbf16>
        %mul3A_1620 = arith.mulf %pack3A_1594, %bitcast3A_1614 : vector<32xbf16>
        %add3A_1621 = arith.addf %mul3A_1619, %mul3A_1620 : vector<32xbf16>
        %mul3A_1622 = arith.mulf %pack3A_1597, %bitcast3A_1616 : vector<32xbf16>
        %add3A_1623 = arith.addf %add3A_1621, %mul3A_1622 : vector<32xbf16>
        %mul3A_1624 = arith.mulf %pack3A_1600, %bitcast3A_1618 : vector<32xbf16>
        %add3A_1625 = arith.addf %add3A_1623, %mul3A_1624 : vector<32xbf16>
        %max3A_1626 = arith.maximumf %max3A_1490, %add3A_1625 : vector<32xbf16>
        %gather3A_1627 = tpu.vector_load_idx %arg6[%add3A_1607] : memref<8000xf32, #tpu.memory_space<vmem>>[vector<16xi32>], vector<16xf32>,
        %bitcast3A_1628 = vector.bitcast %gather3A_1627 : vector<16xf32> to vector<32xbf16>
        %gather3A_1629 = tpu.vector_load_idx %arg6[%add3A_1608] : memref<8000xf32, #tpu.memory_space<vmem>>[vector<16xi32>], vector<16xf32>,
        %bitcast3A_1630 = vector.bitcast %gather3A_1629 : vector<16xf32> to vector<32xbf16>
        %gather3A_1631 = tpu.vector_load_idx %arg6[%add3A_1609] : memref<8000xf32, #tpu.memory_space<vmem>>[vector<16xi32>], vector<16xf32>,
        %bitcast3A_1632 = vector.bitcast %gather3A_1631 : vector<16xf32> to vector<32xbf16>
        %gather3A_1633 = tpu.vector_load_idx %arg6[%add3A_1610] : memref<8000xf32, #tpu.memory_space<vmem>>[vector<16xi32>], vector<16xf32>,
        %bitcast3A_1634 = vector.bitcast %gather3A_1633 : vector<16xf32> to vector<32xbf16>
        %mul3A_1635 = arith.mulf %pack3A_1591, %bitcast3A_1628 : vector<32xbf16>
        %mul3A_1636 = arith.mulf %pack3A_1594, %bitcast3A_1630 : vector<32xbf16>
        %add3A_1637 = arith.addf %mul3A_1635, %mul3A_1636 : vector<32xbf16>
        %mul3A_1638 = arith.mulf %pack3A_1597, %bitcast3A_1632 : vector<32xbf16>
        %add3A_1639 = arith.addf %add3A_1637, %mul3A_1638 : vector<32xbf16>
        %mul3A_1640 = arith.mulf %pack3A_1600, %bitcast3A_1634 : vector<32xbf16>
        %add3A_1641 = arith.addf %add3A_1639, %mul3A_1640 : vector<32xbf16>
        %max3A_1642 = arith.maximumf %max3A_1506, %add3A_1641 : vector<32xbf16>
        %gather3A_1643 = tpu.vector_load_idx %arg7[%add3A_1607] : memref<8000xf32, #tpu.memory_space<vmem>>[vector<16xi32>], vector<16xf32>,
        %bitcast3A_1644 = vector.bitcast %gather3A_1643 : vector<16xf32> to vector<32xbf16>
        %gather3A_1645 = tpu.vector_load_idx %arg7[%add3A_1608] : memref<8000xf32, #tpu.memory_space<vmem>>[vector<16xi32>], vector<16xf32>,
        %bitcast3A_1646 = vector.bitcast %gather3A_1645 : vector<16xf32> to vector<32xbf16>
        %gather3A_1647 = tpu.vector_load_idx %arg7[%add3A_1609] : memref<8000xf32, #tpu.memory_space<vmem>>[vector<16xi32>], vector<16xf32>,
        %bitcast3A_1648 = vector.bitcast %gather3A_1647 : vector<16xf32> to vector<32xbf16>
        %gather3A_1649 = tpu.vector_load_idx %arg7[%add3A_1610] : memref<8000xf32, #tpu.memory_space<vmem>>[vector<16xi32>], vector<16xf32>,
        %bitcast3A_1650 = vector.bitcast %gather3A_1649 : vector<16xf32> to vector<32xbf16>
        %mul3A_1651 = arith.mulf %pack3A_1591, %bitcast3A_1644 : vector<32xbf16>
        %mul3A_1652 = arith.mulf %pack3A_1594, %bitcast3A_1646 : vector<32xbf16>
        %add3A_1653 = arith.addf %mul3A_1651, %mul3A_1652 : vector<32xbf16>
        %mul3A_1654 = arith.mulf %pack3A_1597, %bitcast3A_1648 : vector<32xbf16>
        %add3A_1655 = arith.addf %add3A_1653, %mul3A_1654 : vector<32xbf16>
        %mul3A_1656 = arith.mulf %pack3A_1600, %bitcast3A_1650 : vector<32xbf16>
        %add3A_1657 = arith.addf %add3A_1655, %mul3A_1656 : vector<32xbf16>
        %max3A_1658 = arith.maximumf %max3A_1522, %add3A_1657 : vector<32xbf16>
        %gather3A_1659 = tpu.vector_load_idx %arg8[%add3A_1607] : memref<8000xf32, #tpu.memory_space<vmem>>[vector<16xi32>], vector<16xf32>,
        %bitcast3A_1660 = vector.bitcast %gather3A_1659 : vector<16xf32> to vector<32xbf16>
        %gather3A_1661 = tpu.vector_load_idx %arg8[%add3A_1608] : memref<8000xf32, #tpu.memory_space<vmem>>[vector<16xi32>], vector<16xf32>,
        %bitcast3A_1662 = vector.bitcast %gather3A_1661 : vector<16xf32> to vector<32xbf16>
        %gather3A_1663 = tpu.vector_load_idx %arg8[%add3A_1609] : memref<8000xf32, #tpu.memory_space<vmem>>[vector<16xi32>], vector<16xf32>,
        %bitcast3A_1664 = vector.bitcast %gather3A_1663 : vector<16xf32> to vector<32xbf16>
        %gather3A_1665 = tpu.vector_load_idx %arg8[%add3A_1610] : memref<8000xf32, #tpu.memory_space<vmem>>[vector<16xi32>], vector<16xf32>,
        %bitcast3A_1666 = vector.bitcast %gather3A_1665 : vector<16xf32> to vector<32xbf16>
        %mul3A_1667 = arith.mulf %pack3A_1591, %bitcast3A_1660 : vector<32xbf16>
        %mul3A_1668 = arith.mulf %pack3A_1594, %bitcast3A_1662 : vector<32xbf16>
        %add3A_1669 = arith.addf %mul3A_1667, %mul3A_1668 : vector<32xbf16>
        %mul3A_1670 = arith.mulf %pack3A_1597, %bitcast3A_1664 : vector<32xbf16>
        %add3A_1671 = arith.addf %add3A_1669, %mul3A_1670 : vector<32xbf16>
        %mul3A_1672 = arith.mulf %pack3A_1600, %bitcast3A_1666 : vector<32xbf16>
        %add3A_1673 = arith.addf %add3A_1671, %mul3A_1672 : vector<32xbf16>
        %max3A_1674 = arith.maximumf %max3A_1538, %add3A_1673 : vector<32xbf16>
        %unpack3A = tpu.unpack_subelements %max3A_1626, 0 {pack_format = #tpu.pack_format<interleaved>} : vector<32xbf16> -> vector<16xf32>
        %unpack3A_1675 = tpu.unpack_subelements %max3A_1626, 1 {pack_format = #tpu.pack_format<interleaved>} : vector<32xbf16> -> vector<16xf32>
        %mul3A_1676 = arith.constant 16 : i32
        %mul3A_1677 = arith.muli %scan3A_153, %mul3A_1676 : i32
        %swap3A = arith.constant 0 : i32
        %swap3A_1678 = arith.index_cast %swap3A : i32 to index
        %swap3A_1679 = arith.index_cast %mul3A_1677 : i32 to index
        %swap3A_1680 = tpu.vector_load %arg12[%swap3A_1678, %swap3A_1679] {strides = array<i32>} : memref<8x2000xf32, #tpu.memory_space<vmem>>, vector<16xf32>,
        tpu.vector_store %arg12[%swap3A_1678, %swap3A_1679], %unpack3A {strides = array<i32>} : memref<8x2000xf32, #tpu.memory_space<vmem>>, vector<16xf32>,
        %mul3A_1681 = arith.constant 16 : i32
        %mul3A_1682 = arith.muli %scan3A_153, %mul3A_1681 : i32
        %swap3A_1683 = arith.constant 1 : i32
        %swap3A_1684 = arith.index_cast %swap3A_1683 : i32 to index
        %swap3A_1685 = arith.index_cast %mul3A_1682 : i32 to index
        %swap3A_1686 = tpu.vector_load %arg12[%swap3A_1684, %swap3A_1685] {strides = array<i32>} : memref<8x2000xf32, #tpu.memory_space<vmem>>, vector<16xf32>,
        tpu.vector_store %arg12[%swap3A_1684, %swap3A_1685], %unpack3A_1675 {strides = array<i32>} : memref<8x2000xf32, #tpu.memory_space<vmem>>, vector<16xf32>,
        %unpack3A_1687 = tpu.unpack_subelements %max3A_1642, 0 {pack_format = #tpu.pack_format<interleaved>} : vector<32xbf16> -> vector<16xf32>
        %unpack3A_1688 = tpu.unpack_subelements %max3A_1642, 1 {pack_format = #tpu.pack_format<interleaved>} : vector<32xbf16> -> vector<16xf32>
        %mul3A_1689 = arith.constant 16 : i32
        %mul3A_1690 = arith.muli %scan3A_153, %mul3A_1689 : i32
        %swap3A_1691 = arith.constant 2 : i32
        %swap3A_1692 = arith.index_cast %swap3A_1691 : i32 to index
        %swap3A_1693 = arith.index_cast %mul3A_1690 : i32 to index
        %swap3A_1694 = tpu.vector_load %arg12[%swap3A_1692, %swap3A_1693] {strides = array<i32>} : memref<8x2000xf32, #tpu.memory_space<vmem>>, vector<16xf32>,
        tpu.vector_store %arg12[%swap3A_1692, %swap3A_1693], %unpack3A_1687 {strides = array<i32>} : memref<8x2000xf32, #tpu.memory_space<vmem>>, vector<16xf32>,
        %mul3A_1695 = arith.constant 16 : i32
        %mul3A_1696 = arith.muli %scan3A_153, %mul3A_1695 : i32
        %swap3A_1697 = arith.constant 3 : i32
        %swap3A_1698 = arith.index_cast %swap3A_1697 : i32 to index
        %swap3A_1699 = arith.index_cast %mul3A_1696 : i32 to index
        %swap3A_1700 = tpu.vector_load %arg12[%swap3A_1698, %swap3A_1699] {strides = array<i32>} : memref<8x2000xf32, #tpu.memory_space<vmem>>, vector<16xf32>,
        tpu.vector_store %arg12[%swap3A_1698, %swap3A_1699], %unpack3A_1688 {strides = array<i32>} : memref<8x2000xf32, #tpu.memory_space<vmem>>, vector<16xf32>,
        %unpack3A_1701 = tpu.unpack_subelements %max3A_1658, 0 {pack_format = #tpu.pack_format<interleaved>} : vector<32xbf16> -> vector<16xf32>
        %unpack3A_1702 = tpu.unpack_subelements %max3A_1658, 1 {pack_format = #tpu.pack_format<interleaved>} : vector<32xbf16> -> vector<16xf32>
        %mul3A_1703 = arith.constant 16 : i32
        %mul3A_1704 = arith.muli %scan3A_153, %mul3A_1703 : i32
        %swap3A_1705 = arith.constant 4 : i32
        %swap3A_1706 = arith.index_cast %swap3A_1705 : i32 to index
        %swap3A_1707 = arith.index_cast %mul3A_1704 : i32 to index
        %swap3A_1708 = tpu.vector_load %arg12[%swap3A_1706, %swap3A_1707] {strides = array<i32>} : memref<8x2000xf32, #tpu.memory_space<vmem>>, vector<16xf32>,
        tpu.vector_store %arg12[%swap3A_1706, %swap3A_1707], %unpack3A_1701 {strides = array<i32>} : memref<8x2000xf32, #tpu.memory_space<vmem>>, vector<16xf32>,
        %mul3A_1709 = arith.constant 16 : i32
        %mul3A_1710 = arith.muli %scan3A_153, %mul3A_1709 : i32
        %swap3A_1711 = arith.constant 5 : i32
        %swap3A_1712 = arith.index_cast %swap3A_1711 : i32 to index
        %swap3A_1713 = arith.index_cast %mul3A_1710 : i32 to index
        %swap3A_1714 = tpu.vector_load %arg12[%swap3A_1712, %swap3A_1713] {strides = array<i32>} : memref<8x2000xf32, #tpu.memory_space<vmem>>, vector<16xf32>,
        tpu.vector_store %arg12[%swap3A_1712, %swap3A_1713], %unpack3A_1702 {strides = array<i32>} : memref<8x2000xf32, #tpu.memory_space<vmem>>, vector<16xf32>,
        %unpack3A_1715 = tpu.unpack_subelements %max3A_1674, 0 {pack_format = #tpu.pack_format<interleaved>} : vector<32xbf16> -> vector<16xf32>
        %unpack3A_1716 = tpu.unpack_subelements %max3A_1674, 1 {pack_format = #tpu.pack_format<interleaved>} : vector<32xbf16> -> vector<16xf32>
        %mul3A_1717 = arith.constant 16 : i32
        %mul3A_1718 = arith.muli %scan3A_153, %mul3A_1717 : i32
        %swap3A_1719 = arith.constant 6 : i32
        %swap3A_1720 = arith.index_cast %swap3A_1719 : i32 to index
        %swap3A_1721 = arith.index_cast %mul3A_1718 : i32 to index
        %swap3A_1722 = tpu.vector_load %arg12[%swap3A_1720, %swap3A_1721] {strides = array<i32>} : memref<8x2000xf32, #tpu.memory_space<vmem>>, vector<16xf32>,
        tpu.vector_store %arg12[%swap3A_1720, %swap3A_1721], %unpack3A_1715 {strides = array<i32>} : memref<8x2000xf32, #tpu.memory_space<vmem>>, vector<16xf32>,
        %mul3A_1723 = arith.constant 16 : i32
        %mul3A_1724 = arith.muli %scan3A_153, %mul3A_1723 : i32
        %swap3A_1725 = arith.constant 7 : i32
        %swap3A_1726 = arith.index_cast %swap3A_1725 : i32 to index
        %swap3A_1727 = arith.index_cast %mul3A_1724 : i32 to index
        %swap3A_1728 = tpu.vector_load %arg12[%swap3A_1726, %swap3A_1727] {strides = array<i32>} : memref<8x2000xf32, #tpu.memory_space<vmem>>, vector<16xf32>,
        tpu.vector_store %arg12[%swap3A_1726, %swap3A_1727], %unpack3A_1716 {strides = array<i32>} : memref<8x2000xf32, #tpu.memory_space<vmem>>, vector<16xf32>,
      }
      %scan3A_145 = arith.constant 125 : i32
      %mul3A_146 = arith.constant 128 : i32
      %mul3A_147 = arith.muli %select_n3A, %mul3A_146 : i32
      %mul3A_148 = arith.constant 8 : i32
      %mul3A_149 = arith.muli %select_n3A_30, %mul3A_148 : i32
      %add3A_150 = arith.addi %mul3A_147, %mul3A_149 : i32
      %mul3A_151 = arith.constant 2000 : i32
      %mul3A_152 = arith.muli %scan3A_140, %mul3A_151 : i32
      "tpu.region"() ({
        %run_scoped3A = tpu.sem_alloc : memref<!tpu.dma_semaphore, #tpu.memory_space<semaphore_mem>>
        %dma_start3A = tpu.memref_slice %arg4[%add3A_150, %mul3A_152] : memref<256x8000xf32, #tpu.memory_space<hbm>> -> memref<8x2000xf32, #tpu.memory_space<hbm>>
        %dma_start3A_153 = tpu.memref_slice %arg4[%add3A_150, %mul3A_152] : memref<256x8000xf32, #tpu.memory_space<hbm>> -> memref<8x2000xf32, #tpu.memory_space<hbm>>
        tpu.enqueue_dma source(%arg12 : memref<8x2000xf32, #tpu.memory_space<vmem>>) target(%dma_start3A_153 : memref<8x2000xf32, #tpu.memory_space<hbm>>) target_semaphore(%run_scoped3A : memref<!tpu.dma_semaphore, #tpu.memory_space<semaphore_mem>>)
        %dma_wait3A = tpu.memref_slice %arg4[%add3A_150, %mul3A_152] : memref<256x8000xf32, #tpu.memory_space<hbm>> -> memref<8x2000xf32, #tpu.memory_space<hbm>>
        %dma_wait3A_154 = tpu.memref_slice %arg4[%add3A_150, %mul3A_152] : memref<256x8000xf32, #tpu.memory_space<hbm>> -> memref<8x2000xf32, #tpu.memory_space<hbm>>
        tpu.wait_dma2 semaphore(%run_scoped3A : memref<!tpu.dma_semaphore, #tpu.memory_space<semaphore_mem>>) src(%arg12 : memref<8x2000xf32, #tpu.memory_space<vmem>>) dst(%dma_wait3A_154 : memref<8x2000xf32, #tpu.memory_space<hbm>>)
        tpu.yield
      }) : () -> ()
    }
    %scan3A_139 = arith.constant 4 : i32
    return
  }
}

</mosaic_0001>

<sc_bundles>
// kernel: kernel.3.cloned.1.call-start
scs
__scs_entry_jumppad:
0x0: {  	(pc) =	sbr.rel $0x88, $3  }
0x1: {  	(tag) =	ssettag $0x0;
	lr =	simm.s32 $0x1  }
0x2: {  	[smem:$0x3F9F] =	sst lr;
	_ =	strace $0xD0000000  }
0x3: {  	_ = 	snop  }
0x4: {  	_ = 	snop  }
0x5: {  	_ = 	snop  }
0x6: {  	_ = 	snop  }
0x7: {  	_ = 	snop  }
__scs_overlays_trampoline_lowered:
0x8: {  	[smem:$0x3FAE] =	sst s0  }
0x9: {  	[smem:$0x3FAF] =	sst s1  }
0xa: {  	[smem:$0x3FB0] =	sst s2  }
0xb: {  	[smem:$0x3FB1] =	sst s3  }
0xc: {  	[smem:$0x3FB2] =	sst s4  }
0xd: {  	[smem:$0x3FB3] =	sst s5  }
0xe: {  	[smem:$0x3FB4] =	sst s6  }
0xf: {  	[smem:$0x3FB5] =	sst s7  }
0x10: {  	[smem:$0x3FB6] =	sst s8  }
0x11: {  	[smem:$0x3FB7] =	sst s9;
	s0 =	simm.s32 @!p0 $0x0  }
0x12: {  	s1 =	sld [smem:$0x3F9D];
	s0 =	simm.s32 @p0 $0x1  }
0x13: {  	[smem:$0x3FB8] =	sst s0;
	s0 =	simm.s32 @!p1 $0x0  }
0x14: {  	s2 =	sld [smem:$0x3F9C];
	s0 =	simm.s32 @p1 $0x1  }
0x15: {  	[smem:$0x3FB9] =	sst s0;
	s0 =	simm.s32 @!p2 $0x0  }
0x16: {  	s3 =	sld [smem:$0x3FDB];
	s0 =	simm.s32 @p2 $0x1  }
0x17: {  	s4 =	simm.s32 $0x1BF5;
	[smem:$0x3FBB] =	sst s0  }
0x18: {  	s0 =	sld [smem:$0x3F9E];
	_ =	swait.ge [sflag:s4], $0x0  }
0x19: {  	s7 =	sld [smem:$0x3F9F]  }
0x1a: {  	s8 =	sadd.s32 $0xFFFFE003, lr  }
0x1b: {  	s9 =	sadd.s32 $0xFFFFFEF7, lr;
	s5 =	simm.s32 $0xFFFFFFFF;
	p2 =	slt.u32 s8, $0xFFFFF086  }
0x1c: {  	p1 =	slt.u32 s9, $0xF7A;
	s5 =	simm.s32 @!p2 $0x0  }
0x1d: {  	s5 =	simm.s32 @p1 $0x1;
	p0 =	seq.s32 s7, s2  }
0x1e: {  	s7 =	smul.u32 @!p0 $0xF7A, s2;
	p2 =	seq.s32 @!p0 s5, $0x0  }
0x1f: {  	s9 =	smul.u32 $0xF7A, s1;
	s8 =	simm.s32 @!p0 $0x1BF5;
	p2 =	por !p2, p0  }
0x20: {  	[sflag:s8] =	ssyncset.s32 @!p0 $0xFFFFF086;
	s6 =	sadd.s32 @!p0 s3, s7;
	s7 =	simm.s32 @!p0 $0x108  }
0x21: {  	s3 =	sadd.s32 s3, s9;
	s6 =	sadd.s32 @!p0 $0x88, s6;
	s7 =	simm.s32 @p2 $0x1082  }
0x22: {  	[simem:s7], [sflag:s8] =	dma.local @!p0 [hbm:s6], $0xF7A  }
0x23: {  	s9 =	sor.u32 $0xD0000000, s2;
	s6 =	simm.s32 $0x108;
	_ =	swait.ge @!p0 [sflag:s8], $0x0  }
0x24: {  	s3 =	sadd.s32 $0x88, s3;
	s6 =	simm.s32 @!p1 $0x1082;
	[sflag:s4] =	ssyncset.s32 $0xFFFFF086  }
0x25: {  	[simem:s6], [sflag:s4] =	dma.local [hbm:s3], $0xF7A  }
0x26: {  	[smem:$0x3F9F] =	sst s1;
	(tag) =	ssettag s2;
	_ =	strace s9  }
0x27: {  	s1 =	sld [smem:$0x3FAF]  }
0x28: {  	s2 =	sld [smem:$0x3FB0]  }
0x29: {  	s4 =	sld [smem:$0x3FB2]  }
0x2a: {  	p0 =	seq.s32 s5, $0x0;
	s5 =	sld [smem:$0x3FB3]  }
0x2b: {  	s6 =	sld [smem:$0x3FB4]  }
0x2c: {  	s7 =	sld [smem:$0x3FB5]  }
0x2d: {  	s3 =	simm.s32 $0x108;
	s8 =	sld [smem:$0x3FB6]  }
0x2e: {  	s3 =	simm.s32 @!p0 $0x1082;
	s9 =	sld [smem:$0x3FB7]  }
0x2f: {  	lr =	sadd.s32 s0, s3;
	s0 =	sld [smem:$0x3FAE]  }
0x30: {  	s3 =	sld [smem:$0x3FB1]  }
0x31: {  	[smem:$0x3FBA] =	sst s10  }
0x32: {  	s10 =	sld [smem:$0x3FB8];
	_ =	sdelay $0x3  }
0x33: {  	p0 =	seq.s32 s10, $0x1;
	s10 =	sld [smem:$0x3FBA];
	_ =	sdelay $0x3  }
0x34: {  	[smem:$0x3FBA] =	sst s10  }
0x35: {  	s10 =	sld [smem:$0x3FB9];
	_ =	sdelay $0x3  }
0x36: {  	p1 =	seq.s32 s10, $0x1;
	s10 =	sld [smem:$0x3FBA];
	_ =	sdelay $0x3  }
0x37: {  	[smem:$0x3FBA] =	sst s10  }
0x38: {  	s10 =	sld [smem:$0x3FBB]  }
0x39: {  	_ = 	snop;
	(pc) =	sbr.ind lr, $3  }
0x3a: {  	_ = 	snop  }
0x3b: {  	_ = 	snop  }
0x3c: {  	p2 =	seq.s32 s10, $0x1;
	s10 =	sld [smem:$0x3FBA]  }
0x3d: {  	_ =	shalt  }
0x3e: {  	_ =	shalt  }
0x3f: {  	_ =	shalt  }
0x40: {  	_ =	shalt  }
0x41: {  	_ =	shalt  }
0x42: {  	_ =	shalt  }
0x43: {  	_ =	shalt  }
0x44: {  	_ =	shalt  }
0x45: {  	_ =	shalt  }
0x46: {  	_ =	shalt  }
0x47: {  	_ =	shalt  }
0x48: {  	_ =	shalt  }
0x49: {  	_ =	shalt  }
0x4a: {  	_ =	shalt  }
0x4b: {  	_ =	shalt  }
0x4c: {  	_ =	shalt  }
0x4d: {  	_ =	shalt  }
0x4e: {  	_ =	shalt  }
0x4f: {  	_ =	shalt  }
0x50: {  	_ =	shalt  }
0x51: {  	_ =	shalt  }
0x52: {  	_ =	shalt  }
0x53: {  	_ =	shalt  }
0x54: {  	_ =	shalt  }
0x55: {  	_ =	shalt  }
0x56: {  	_ =	shalt  }
0x57: {  	_ =	shalt  }
0x58: {  	_ =	shalt  }
0x59: {  	_ =	shalt  }
0x5a: {  	_ =	shalt  }
0x5b: {  	_ =	shalt  }
0x5c: {  	_ =	shalt  }
0x5d: {  	_ =	shalt  }
0x5e: {  	_ =	shalt  }
0x5f: {  	_ =	shalt  }
0x60: {  	_ =	shalt  }
0x61: {  	_ =	shalt  }
0x62: {  	_ =	shalt  }
0x63: {  	_ =	shalt  }
0x64: {  	_ =	shalt  }
0x65: {  	_ =	shalt  }
0x66: {  	_ =	shalt  }
0x67: {  	_ =	shalt  }
0x68: {  	_ =	shalt  }
0x69: {  	_ =	shalt  }
0x6a: {  	_ =	shalt  }
0x6b: {  	_ =	shalt  }
0x6c: {  	_ =	shalt  }
0x6d: {  	_ =	shalt  }
0x6e: {  	_ =	shalt  }
0x6f: {  	_ =	shalt  }
0x70: {  	_ =	shalt  }
0x71: {  	_ =	shalt  }
0x72: {  	_ =	shalt  }
0x73: {  	_ =	shalt  }
0x74: {  	_ =	shalt  }
0x75: {  	_ =	shalt  }
0x76: {  	_ =	shalt  }
0x77: {  	_ =	shalt  }
0x78: {  	_ =	shalt  }
0x79: {  	_ =	shalt  }
0x7a: {  	_ =	shalt  }
0x7b: {  	_ =	shalt  }
0x7c: {  	_ =	shalt  }
0x7d: {  	_ =	shalt  }
0x7e: {  	_ =	shalt  }
0x7f: {  	_ =	shalt  }
0x80: {  	_ =	shalt  }
0x81: {  	_ =	shalt  }
0x82: {  	_ =	shalt  }
0x83: {  	_ =	shalt  }
0x84: {  	_ =	shalt  }
0x85: {  	_ =	shalt  }
0x86: {  	_ =	shalt  }
0x87: {  	_ =	shalt  }
.Lfunc_end0:
.L_simem_size_0:
called_computation_lowered:
.L_overlay_start_0:
0x88: {  	s2 =	sld [smem:$0x3FD9]  }
0x89: {  	s3 =	sld [smem:$0x3FFE];
	_ =	sdelay $0x1  }
0x8a: {  	s1 =	srdreg.scid  }
0x8b: {  	s0 =	sand.u32 $0x1, s1  }
0x8c: {  	s17 =	sshll.u32 s0, $0xA;
	s2 =	sadd.s32 s3, s2  }
0x8d: {  	s2 =	sadd.s32 s2, s17  }
0x8e: {  	[smem:$0x3FC6] =	sst s2  }
0x8f: {  	_ = 	snop  }
0x90: {  	s2 =	sld [smem:$0x3FD0];
	(tm) =	ssettm $0x1  }
0x91: {  	s18 =	sld [smem:$0x3FFB];
	_ =	sdelay $0x3  }
0x92: {  	_ =	strace s18  }
0x93: {  	s3 =	sld [smem:$0x3FFC];
	_ =	sdelay $0x3  }
0x94: {  	_ =	strace s3  }
0x95: {  	s3 =	sld [smem:$0x3FFD];
	_ =	sdelay $0x3  }
0x96: {  	_ =	strace s3  }
0x97: {  	_ =	strace $0x8FFFFFFF  }
0x98: {  	s19 =	sld [smem:$0x3FDB];
	_ =	sdelay $0x1  }
0x99: {  	s4 =	simm.s32 $_scs_section_size  }
0x9a: {  	s5 =	simm.s32 $_size__tile_overlayer_lowered;
	s6 =	simm.s32 $_tile_overlayer_lowered  }
0x9b: {  	s22 =	simm.s32 $0x1BFF;
	s21 =	sshll.u32 s6, $0x1;
	s3 =	sadd.s32 s4, s19  }
0x9c: {  	s7 =	simm.s32 $0x0;
	s20 =	sshll.u32 s5, $0x1;
	s5 =	sadd.s32 s21, s3  }
0x9d: {  	[timem:s7], [sflag:s22] =	dma.local [hbm:s5], s20  }
0x9e: {  	_ =	swait.ge [sflag:s22], s20  }
0x9f: {  	s4 =	ssub.s32 $0x0, s20;
	[sflag:s22] =	ssyncset.done $0x0  }
0xa0: {  	[sflag:s22] =	ssyncadd.s32 s4;
	_ =	sdelay $0x1  }
0xa1: {  	s23 =	simm.s32 $0x1B8B  }
0xa2: {  	_ =	swait.ge [sflag:s23], $0x1  }
0xa3: {  	[sflag:s23] =	ssyncset.done $0x0  }
0xa4: {  	s25 =	simm.s32 $0x1B8E;
	s24 =	sld [smem:$0x3FFE];
	[sflag:s23] =	ssyncadd.s32 $0xFFFFFFFF  }
0xa5: {  	s26 =	simm.s32 $execute0_lowered;
	[smem:$0x3FD2] =	sst s25  }
0xa6: {  	s5 =	sshll.u32 s26, $0x1;
	_ =	strace $0x80000046;
	[dreg:$0x1] =	wrdreg $0xFFFFFFFF  }
0xa7: {  	s28 =	simm.s32 $_size_execute0_lowered;
	s3 =	sadd.s32 s3, s5;
	[dreg:$0x0] =	wrdreg $0x0  }
0xa8: {  	s5 =	sshll.u32 s28, $0x1;
	[dreg:$0x2] =	wrdreg s3  }
0xa9: {  	[dreg:$0x3] =	wrdreg s5  }
0xaa: {  	[dreg:$0x4] =	wrdreg $0xC0  }
0xab: {  	_ =	task [dreg:s7], $0x5FFFF  }
0xac: {  	[dreg:$0x1] =	wrdreg $0xFFFFFFFF  }
0xad: {  	[dreg:$0x0] =	wrdreg $0x60  }
0xae: {  	[dreg:$0x2] =	wrdreg s24  }
0xaf: {  	[dreg:$0x3] =	wrdreg s2  }
0xb0: {  	[dreg:$0x4] =	wrdreg $0x9  }
0xb1: {  	_ =	task.clear_ibuf [dreg:s7], $0x5FFFF;
	_ =	strace $0x90000046  }
0xb2: {  	s29 =	simm.s32 $0x9;
	_ =	strace $0x80000048  }
0xb3: {  	_ =	swait.ge [sflag:s29], $0x1  }
0xb4: {  	[sflag:s29] =	ssyncadd.s32 $0xFFFFFFFF  }
0xb5: {  	_ =	strace $0x90000048  }
0xb6: {  	_ =	sfence  }
0xb7: {  	s30 =	sld [smem:$0x0];
	_ =	sdelay $0x2  }
0xb8: {  	s31 =	sshll.u32 s1, $0xD;
	s1 =	sshrl.u32 s1, $0x2  }
0xb9: {  	s3 =	sand.u32 $0x4000, s31;
	s1 =	sadd.s32 s1, s30  }
0xba: {  	s0 =	sor.u32 s3, s0;
	s1 =	sshll.u32 s1, $0x11  }
0xbb: {  	s0 =	sor.u32 s1, s0  }
0xbc: {  	s0 =	sadd.s32 $0x8F2B, s0  }
0xbd: {  	[sflag:s0] =	ssyncadd.remote.s32 $0x1  }
0xbe: {  	_ =	sfence.sel $0xFFFF  }
0xbf: {  	[dreg:$0x0] =	wrdreg $0xFFFFFFFF;
	(pc) =	sbr.abs _section_cstart, $3  }
0xc0: {  	[dreg:$0x1] =	wrdreg $0xFFFFFFFF  }
0xc1: {  	_ =	task.clear_ibuf [dreg:s7], $0x2FFFF;
	_ =	strace $0x9FFFFFFF  }
0xc2: {  	(tm) =	ssettm $0x7FFFFFFF  }
0xc3: {  	_ =	shalt  }
tec
execute0_lowered:
.L_overlay_start_1:
0x0: {  	(tag) =	ssettag $0x1  }
0x1: {  	s0 =	stileid.u32  }
0x2: {  	s1 =	srdreg.scid;
	s5 =	rddreg [dreg:$0x0]  }
0x3: {  	s3 =	simm.s32 $0x0;
	s17 =	simm.f32 $1.000000000e+00;
	s18 =	simm.f32 $1.000000000e+00  }
0x4: {  	s19 =	simm.f32 $1.000000000e+00;
	s20 =	simm.f32 $1.000000000e+00;
	s22 =	simm.f32 $1.000000000e+00  }
0x5: {  	s4 =	sand.u32 $0x1, s1;
	s13 =	sshrl.u32 s0, $0x3;
	s1 =	rddreg [dreg:$0x2]  }
0x6: {  	s2 =	sshll.u32 s0, $0x1;
	[smem:$0x7FF] =	sst s3;
	s7 =	smul.u32 $0x104000, s13  }
0x7: {  	s14 =	sand.u32 $0xE, s2;
	s2 =	rddreg [dreg:$0x1];
	s29 =	smul.u32 $0xFA0, s13  }
0x8: {  	_ =	strace $0x80000047;
	s13 =	sshll.u32 s13, $0x7;
	s6 =	sor.u32 s4, s14  }
0x9: {  	s4 =	ssub.s32 $0x2, s4;
	s10 =	sshrl.u32 s14, $0x2;
	s8 =	smul.u32 $0x10400, s6  }
0xa: {  	s30 =	sshrl.u32 s4, $0x1;
	s12 =	sadd.s32 s29, s5;
	p0 =	seq.s32 s10, $0x0  }
0xb: {  	s16 =	sshll.u32 s6, $0x3;
	s15 =	ssub.s32 s4, s30;
	s17 =	simm.s32 @!p0 $0x0  }
0xc: {  	p0 =	seq.s32 s10, $0x2;
	s12 =	sadd.s32 $0x41600, s12;
	s13 =	sor.u32 s13, s16  }
0xd: {  	s16 =	simm.s32 $0x1;
	s7 =	sadd.s32 s7, s8;
	s18 =	simm.s32 @!p0 $0x0  }
0xe: {  	p0 =	seq.s32 s10, $0x1;
	s13 =	smul.u32 $0x1F40, s13;
	s7 =	sshrl.u32 s7, $0x3  }
0xf: {  	s19 =	simm.s32 @!p0 $0x0;
	p0 =	seq.s32 s10, $0x3;
	s17 =	ssub.f32 s17, s18  }
0x10: {  	s18 =	simm.s32 $0x1F40;
	s11 =	sadd.s32 s7, s5;
	s20 =	simm.s32 @!p0 $0x0  }
0x11: {  	p0 =	sgt.u32 s14, $0x7;
	s14 =	smax.u32 s15, $0x1;
	s15 =	simm.s32 $0x7D00  }
0x12: {  	s4 =	sadd.s32 $0x600, s11;
	s5 =	sadd.s32 $0xA10, s11;
	s6 =	sadd.s32 $0xE20, s11  }
0x13: {  	s7 =	sadd.s32 $0x1230, s11;
	s8 =	sadd.s32 $0x1640, s11;
	s31 =	ssub.f32 s19, s20  }
0x14: {  	s9 =	sadd.s32 $0x1A50, s11;
	s10 =	sadd.s32 $0x1E60, s11;
	s21 =	smul.f32 $1.000000010e-01, s17  }
0x15: {  	s11 =	sadd.s32 $0x2270, s11;
	s22 =	simm.s32 @!p0 $0x0;
	s23 =	smul.f32 $1.000000010e-01, s31  }
0x16: {  	s17 =	simm.s32 $0x9D80;
	s19 =	simm.s32 $0x3E80;
	s20 =	simm.s32 $0x5DC0  }
0x17: {  	v2 =	vmov s22;
	s22 =	simm.s32 $0x13B00;
	v0 =	vmov s21;
	s21 =	simm.s32 $0x7D0;
	v1 =	vmov s23;
	s23 =	simm.s32 $0x0  }
.LBB2_1:
0x18: {  	[tilespmem:s15], [sflag:$0x1] =	stream.linear.gather [hbm4b:s4+s3], $0x2080, $0x38;
	[tilespmem:$0x17980] =	vst v63  }
0x19: {  	_ =	swait.ge [sflag:s16], $0x2080  }
0x1a: {  	[sflag:s16] =	ssyncset.done $0x0  }
0x1b: {  	[sflag:s16] =	ssyncadd.s32 $0xFFFFDF80  }
0x1c: {  	[tilespmem:s17], [sflag:$0x1] =	stream.linear.gather [hbm4b:s5+s3], $0x2080, $0x38;
	[tilespmem:$0x17980] =	vst v63  }
0x1d: {  	_ =	swait.ge [sflag:s16], $0x2080  }
0x1e: {  	[sflag:s16] =	ssyncset.done $0x0  }
0x1f: {  	s25 =	simm.s32 $0x7D30;
	[sflag:s16] =	ssyncadd.s32 $0xFFFFDF80  }
0x20: {  	s24 =	simm.s32 $0x9DB0;
	v3 =	vld [tilespmem:s25+$0xFFFFFFD0]  }
0x21: {  	v4 =	vld [tilespmem:s24+$0xFFFFFFD0];
	_ =	sdelay $0x4  }
0x22: {  	s26 =	simm.s32 $0x54;
	v3 =	vpack.i.f32.bf16 v4, v3  }
0x23: {  	[tilespmem:s26+$0xFFFFFFAC] =	vst v3  }
0x24: {  	v3 =	vld [tilespmem:s24+$0xFFFFFFE0]  }
0x25: {  	v4 =	vld [tilespmem:s25+$0xFFFFFFE0];
	_ =	sdelay $0x4  }
0x26: {  	s28 =	sand.u32 $0x3FFC, s3;
	v3 =	vpack.i.f32.bf16 v3, v4  }
0x27: {  	[tilespmem:s28+$0x10] =	vst v3  }
0x28: {  	v3 =	vld [tilespmem:s25+$0xFFFFFFF0]  }
0x29: {  	v4 =	vld [tilespmem:s24+$0xFFFFFFF0];
	_ =	sdelay $0x4  }
0x2a: {  	v3 =	vpack.i.f32.bf16 v4, v3  }
0x2b: {  	[tilespmem:s28+$0x20] =	vst v3  }
0x2c: {  	v3 =	vld [tilespmem:s25+$0x0]  }
0x2d: {  	v4 =	vld [tilespmem:s24+$0x0];
	_ =	sdelay $0x4  }
0x2e: {  	v3 =	vpack.i.f32.bf16 v4, v3  }
0x2f: {  	[tilespmem:s28+$0x30] =	vst v3  }
0x30: {  	v3 =	vld [tilespmem:s25+$0x10]  }
0x31: {  	v4 =	vld [tilespmem:s24+$0x10];
	_ =	sdelay $0x4  }
0x32: {  	v3 =	vpack.i.f32.bf16 v4, v3  }
0x33: {  	[tilespmem:s28+$0x40] =	vst v3  }
0x34: {  	v3 =	vld [tilespmem:s25+$0x20]  }
0x35: {  	v4 =	vld [tilespmem:s24+$0x20];
	_ =	sdelay $0x4  }
0x36: {  	v3 =	vpack.i.f32.bf16 v4, v3  }
0x37: {  	[tilespmem:s28+$0x50] =	vst v3  }
0x38: {  	s29 =	simm.s32 $0x64;
	s28 =	simm.s32 $0x54;
	v3 =	vld [tilespmem:s25+$0x24]  }
.LBB2_2:
0x39: {  	v4 =	vld [tilespmem:s24+$0x24];
	s26 =	sadd.s32 $0x64, s26;
	s25 =	sadd.s32 $0x68, s25;
	s24 =	sadd.s32 $0x68, s24  }
0x3a: {  	p0 =	sne.s32 s29, $0x1EDC;
	s30 =	smov.u32 s29;
	s29 =	sadd.s32 $0x64, s29  }
0x3b: {  	_ =	sdelay $0x2  }
0x3c: {  	v3 =	vpack.i.f32.bf16 v4, v3  }
0x3d: {  	[tilespmem:s28+$0x0] =	vst v3;
	s28 =	smov.u32 s26  }
0x3e: {  	v3 =	vld [tilespmem:s25+$0xFFFFFFD0]  }
0x3f: {  	v4 =	vld [tilespmem:s24+$0xFFFFFFD0];
	_ =	sdelay $0x4  }
0x40: {  	v3 =	vpack.i.f32.bf16 v4, v3  }
0x41: {  	[tilespmem:s26+$0xFFFFFFAC] =	vst v3  }
0x42: {  	v3 =	vld [tilespmem:s24+$0xFFFFFFE0]  }
0x43: {  	v4 =	vld [tilespmem:s25+$0xFFFFFFE0];
	_ =	sdelay $0x3  }
0x44: {  	s30 =	sand.u32 $0x3FFC, s30  }
0x45: {  	v3 =	vpack.i.f32.bf16 v3, v4  }
0x46: {  	[tilespmem:s30+$0x10] =	vst v3  }
0x47: {  	v3 =	vld [tilespmem:s25+$0xFFFFFFF0]  }
0x48: {  	v4 =	vld [tilespmem:s24+$0xFFFFFFF0];
	_ =	sdelay $0x4  }
0x49: {  	v3 =	vpack.i.f32.bf16 v4, v3  }
0x4a: {  	[tilespmem:s30+$0x20] =	vst v3  }
0x4b: {  	v3 =	vld [tilespmem:s25+$0x0]  }
0x4c: {  	v4 =	vld [tilespmem:s24+$0x0];
	_ =	sdelay $0x4  }
0x4d: {  	v3 =	vpack.i.f32.bf16 v4, v3  }
0x4e: {  	[tilespmem:s30+$0x30] =	vst v3  }
0x4f: {  	v3 =	vld [tilespmem:s25+$0x10]  }
0x50: {  	v4 =	vld [tilespmem:s24+$0x10];
	_ =	sdelay $0x4  }
0x51: {  	v3 =	vpack.i.f32.bf16 v4, v3  }
0x52: {  	[tilespmem:s30+$0x40] =	vst v3  }
0x53: {  	v3 =	vld [tilespmem:s25+$0x20]  }
0x54: {  	v4 =	vld [tilespmem:s24+$0x20];
	_ =	sdelay $0x2  }
.Ltmp0:
0x55: {  	(pc) =	sbr.rel @p0 .LBB2_2-.Ltmp0, $4  }
0x56: {  	_ = 	snop  }
0x57: {  	v3 =	vpack.i.f32.bf16 v4, v3  }
0x58: {  	[tilespmem:s30+$0x50] =	vst v3  }
0x59: {  	v3 =	vld [tilespmem:s25+$0x24]  }
0x5a: {  	v4 =	vld [tilespmem:s24+$0x24];
	_ =	sdelay $0x4  }
0x5b: {  	v3 =	vpack.i.f32.bf16 v4, v3  }
0x5c: {  	[tilespmem:s28+$0x0] =	vst v3;
	s28 =	simm.s32 $0x0  }
0x5d: {  	[tilespmem:s15], [sflag:$0x1] =	stream.linear.gather [hbm4b:s6+s28], $0x2080, $0x38;
	[tilespmem:$0x17980] =	vst v63  }
0x5e: {  	_ =	swait.ge [sflag:s16], $0x2080  }
0x5f: {  	[sflag:s16] =	ssyncset.done $0x0  }
0x60: {  	[sflag:s16] =	ssyncadd.s32 $0xFFFFDF80  }
0x61: {  	[tilespmem:s17], [sflag:$0x1] =	stream.linear.gather [hbm4b:s7+s28], $0x2080, $0x38;
	[tilespmem:$0x17980] =	vst v63  }
0x62: {  	_ =	swait.ge [sflag:s16], $0x2080  }
0x63: {  	[sflag:s16] =	ssyncset.done $0x0  }
0x64: {  	s25 =	simm.s32 $0x7D30;
	[sflag:s16] =	ssyncadd.s32 $0xFFFFDF80  }
0x65: {  	s24 =	simm.s32 $0x9DB0;
	v3 =	vld [tilespmem:s25+$0xFFFFFFD0]  }
0x66: {  	v4 =	vld [tilespmem:s24+$0xFFFFFFD0];
	_ =	sdelay $0x4  }
0x67: {  	s26 =	simm.s32 $0x1F94;
	v3 =	vpack.i.f32.bf16 v4, v3  }
0x68: {  	[tilespmem:s26+$0xFFFFFFAC] =	vst v3  }
0x69: {  	v3 =	vld [tilespmem:s24+$0xFFFFFFE0]  }
0x6a: {  	v4 =	vld [tilespmem:s25+$0xFFFFFFE0];
	_ =	sdelay $0x4  }
0x6b: {  	s28 =	sand.u32 $0x3FFC, s28;
	v3 =	vpack.i.f32.bf16 v3, v4  }
0x6c: {  	[tilespmem:s28+$0x1F50] =	vst v3  }
0x6d: {  	v3 =	vld [tilespmem:s25+$0xFFFFFFF0]  }
0x6e: {  	v4 =	vld [tilespmem:s24+$0xFFFFFFF0];
	_ =	sdelay $0x4  }
0x6f: {  	v3 =	vpack.i.f32.bf16 v4, v3  }
0x70: {  	[tilespmem:s28+$0x1F60] =	vst v3  }
0x71: {  	v3 =	vld [tilespmem:s25+$0x0]  }
0x72: {  	v4 =	vld [tilespmem:s24+$0x0];
	_ =	sdelay $0x4  }
0x73: {  	v3 =	vpack.i.f32.bf16 v4, v3  }
0x74: {  	[tilespmem:s28+$0x1F70] =	vst v3  }
0x75: {  	v3 =	vld [tilespmem:s25+$0x10]  }
0x76: {  	v4 =	vld [tilespmem:s24+$0x10];
	_ =	sdelay $0x4  }
0x77: {  	v3 =	vpack.i.f32.bf16 v4, v3  }
0x78: {  	[tilespmem:s28+$0x1F80] =	vst v3  }
0x79: {  	v3 =	vld [tilespmem:s25+$0x20]  }
0x7a: {  	v4 =	vld [tilespmem:s24+$0x20];
	_ =	sdelay $0x4  }
0x7b: {  	v3 =	vpack.i.f32.bf16 v4, v3  }
0x7c: {  	[tilespmem:s28+$0x1F90] =	vst v3  }
0x7d: {  	s29 =	simm.s32 $0x64;
	s28 =	simm.s32 $0x1F94;
	v3 =	vld [tilespmem:s25+$0x24]  }
.LBB2_4:
0x7e: {  	v4 =	vld [tilespmem:s24+$0x24];
	s26 =	sadd.s32 $0x64, s26;
	s25 =	sadd.s32 $0x68, s25;
	s24 =	sadd.s32 $0x68, s24  }
0x7f: {  	p0 =	sne.s32 s29, $0x1EDC;
	s30 =	smov.u32 s29;
	s29 =	sadd.s32 $0x64, s29  }
0x80: {  	_ =	sdelay $0x2  }
0x81: {  	v3 =	vpack.i.f32.bf16 v4, v3  }
0x82: {  	[tilespmem:s28+$0x0] =	vst v3;
	s28 =	smov.u32 s26  }
0x83: {  	v3 =	vld [tilespmem:s25+$0xFFFFFFD0]  }
0x84: {  	v4 =	vld [tilespmem:s24+$0xFFFFFFD0];
	_ =	sdelay $0x4  }
0x85: {  	v3 =	vpack.i.f32.bf16 v4, v3  }
0x86: {  	[tilespmem:s26+$0xFFFFFFAC] =	vst v3  }
0x87: {  	v3 =	vld [tilespmem:s24+$0xFFFFFFE0]  }
0x88: {  	v4 =	vld [tilespmem:s25+$0xFFFFFFE0];
	_ =	sdelay $0x3  }
0x89: {  	s30 =	sand.u32 $0x3FFC, s30  }
0x8a: {  	v3 =	vpack.i.f32.bf16 v3, v4  }
0x8b: {  	[tilespmem:s30+$0x1F50] =	vst v3  }
0x8c: {  	v3 =	vld [tilespmem:s25+$0xFFFFFFF0]  }
0x8d: {  	v4 =	vld [tilespmem:s24+$0xFFFFFFF0];
	_ =	sdelay $0x4  }
0x8e: {  	v3 =	vpack.i.f32.bf16 v4, v3  }
0x8f: {  	[tilespmem:s30+$0x1F60] =	vst v3  }
0x90: {  	v3 =	vld [tilespmem:s25+$0x0]  }
0x91: {  	v4 =	vld [tilespmem:s24+$0x0];
	_ =	sdelay $0x4  }
0x92: {  	v3 =	vpack.i.f32.bf16 v4, v3  }
0x93: {  	[tilespmem:s30+$0x1F70] =	vst v3  }
0x94: {  	v3 =	vld [tilespmem:s25+$0x10]  }
0x95: {  	v4 =	vld [tilespmem:s24+$0x10];
	_ =	sdelay $0x4  }
0x96: {  	v3 =	vpack.i.f32.bf16 v4, v3  }
0x97: {  	[tilespmem:s30+$0x1F80] =	vst v3  }
0x98: {  	v3 =	vld [tilespmem:s25+$0x20]  }
0x99: {  	v4 =	vld [tilespmem:s24+$0x20];
	_ =	sdelay $0x2  }
.Ltmp1:
0x9a: {  	(pc) =	sbr.rel @p0 .LBB2_4-.Ltmp1, $4  }
0x9b: {  	_ = 	snop  }
0x9c: {  	v3 =	vpack.i.f32.bf16 v4, v3  }
0x9d: {  	[tilespmem:s30+$0x1F90] =	vst v3  }
0x9e: {  	v3 =	vld [tilespmem:s25+$0x24]  }
0x9f: {  	v4 =	vld [tilespmem:s24+$0x24];
	_ =	sdelay $0x4  }
0xa0: {  	v3 =	vpack.i.f32.bf16 v4, v3  }
0xa1: {  	[tilespmem:s28+$0x0] =	vst v3;
	s28 =	simm.s32 $0x0  }
0xa2: {  	[tilespmem:s15], [sflag:$0x1] =	stream.linear.gather [hbm4b:s8+s28], $0x2080, $0x38;
	[tilespmem:$0x17980] =	vst v63  }
0xa3: {  	_ =	swait.ge [sflag:s16], $0x2080  }
0xa4: {  	[sflag:s16] =	ssyncset.done $0x0  }
0xa5: {  	[sflag:s16] =	ssyncadd.s32 $0xFFFFDF80  }
0xa6: {  	[tilespmem:s17], [sflag:$0x1] =	stream.linear.gather [hbm4b:s9+s28], $0x2080, $0x38;
	[tilespmem:$0x17980] =	vst v63  }
0xa7: {  	_ =	swait.ge [sflag:s16], $0x2080  }
0xa8: {  	[sflag:s16] =	ssyncset.done $0x0  }
0xa9: {  	s25 =	simm.s32 $0x7D30;
	[sflag:s16] =	ssyncadd.s32 $0xFFFFDF80  }
0xaa: {  	s24 =	simm.s32 $0x9DB0;
	v3 =	vld [tilespmem:s25+$0xFFFFFFD0]  }
0xab: {  	v4 =	vld [tilespmem:s24+$0xFFFFFFD0];
	_ =	sdelay $0x4  }
0xac: {  	s26 =	simm.s32 $0x3ED4;
	v3 =	vpack.i.f32.bf16 v4, v3  }
0xad: {  	[tilespmem:s26+$0xFFFFFFAC] =	vst v3  }
0xae: {  	v3 =	vld [tilespmem:s24+$0xFFFFFFE0]  }
0xaf: {  	v4 =	vld [tilespmem:s25+$0xFFFFFFE0];
	_ =	sdelay $0x4  }
0xb0: {  	s28 =	sand.u32 $0x3FFC, s28;
	v3 =	vpack.i.f32.bf16 v3, v4  }
0xb1: {  	[tilespmem:s28+$0x3E90] =	vst v3  }
0xb2: {  	v3 =	vld [tilespmem:s25+$0xFFFFFFF0]  }
0xb3: {  	v4 =	vld [tilespmem:s24+$0xFFFFFFF0];
	_ =	sdelay $0x4  }
0xb4: {  	v3 =	vpack.i.f32.bf16 v4, v3  }
0xb5: {  	[tilespmem:s28+$0x3EA0] =	vst v3  }
0xb6: {  	v3 =	vld [tilespmem:s25+$0x0]  }
0xb7: {  	v4 =	vld [tilespmem:s24+$0x0];
	_ =	sdelay $0x4  }
0xb8: {  	v3 =	vpack.i.f32.bf16 v4, v3  }
0xb9: {  	[tilespmem:s28+$0x3EB0] =	vst v3  }
0xba: {  	v3 =	vld [tilespmem:s25+$0x10]  }
0xbb: {  	v4 =	vld [tilespmem:s24+$0x10];
	_ =	sdelay $0x4  }
0xbc: {  	v3 =	vpack.i.f32.bf16 v4, v3  }
0xbd: {  	[tilespmem:s28+$0x3EC0] =	vst v3  }
0xbe: {  	v3 =	vld [tilespmem:s25+$0x20]  }
0xbf: {  	v4 =	vld [tilespmem:s24+$0x20];
	_ =	sdelay $0x4  }
0xc0: {  	v3 =	vpack.i.f32.bf16 v4, v3  }
0xc1: {  	[tilespmem:s28+$0x3ED0] =	vst v3  }
0xc2: {  	s29 =	simm.s32 $0x64;
	s28 =	simm.s32 $0x3ED4;
	v3 =	vld [tilespmem:s25+$0x24]  }
.LBB2_6:
0xc3: {  	v4 =	vld [tilespmem:s24+$0x24];
	s26 =	sadd.s32 $0x64, s26;
	s25 =	sadd.s32 $0x68, s25;
	s24 =	sadd.s32 $0x68, s24  }
0xc4: {  	p0 =	sne.s32 s29, $0x1EDC;
	s30 =	smov.u32 s29;
	s29 =	sadd.s32 $0x64, s29  }
0xc5: {  	_ =	sdelay $0x2  }
0xc6: {  	v3 =	vpack.i.f32.bf16 v4, v3  }
0xc7: {  	[tilespmem:s28+$0x0] =	vst v3;
	s28 =	smov.u32 s26  }
0xc8: {  	v3 =	vld [tilespmem:s25+$0xFFFFFFD0]  }
0xc9: {  	v4 =	vld [tilespmem:s24+$0xFFFFFFD0];
	_ =	sdelay $0x4  }
0xca: {  	v3 =	vpack.i.f32.bf16 v4, v3  }
0xcb: {  	[tilespmem:s26+$0xFFFFFFAC] =	vst v3  }
0xcc: {  	v3 =	vld [tilespmem:s24+$0xFFFFFFE0]  }
0xcd: {  	v4 =	vld [tilespmem:s25+$0xFFFFFFE0];
	_ =	sdelay $0x3  }
0xce: {  	s30 =	sand.u32 $0x3FFC, s30  }
0xcf: {  	v3 =	vpack.i.f32.bf16 v3, v4  }
0xd0: {  	[tilespmem:s30+$0x3E90] =	vst v3  }
0xd1: {  	v3 =	vld [tilespmem:s25+$0xFFFFFFF0]  }
0xd2: {  	v4 =	vld [tilespmem:s24+$0xFFFFFFF0];
	_ =	sdelay $0x4  }
0xd3: {  	v3 =	vpack.i.f32.bf16 v4, v3  }
0xd4: {  	[tilespmem:s30+$0x3EA0] =	vst v3  }
0xd5: {  	v3 =	vld [tilespmem:s25+$0x0]  }
0xd6: {  	v4 =	vld [tilespmem:s24+$0x0];
	_ =	sdelay $0x4  }
0xd7: {  	v3 =	vpack.i.f32.bf16 v4, v3  }
0xd8: {  	[tilespmem:s30+$0x3EB0] =	vst v3  }
0xd9: {  	v3 =	vld [tilespmem:s25+$0x10]  }
0xda: {  	v4 =	vld [tilespmem:s24+$0x10];
	_ =	sdelay $0x4  }
0xdb: {  	v3 =	vpack.i.f32.bf16 v4, v3  }
0xdc: {  	[tilespmem:s30+$0x3EC0] =	vst v3  }
0xdd: {  	v3 =	vld [tilespmem:s25+$0x20]  }
0xde: {  	v4 =	vld [tilespmem:s24+$0x20];
	_ =	sdelay $0x2  }
.Ltmp2:
0xdf: {  	(pc) =	sbr.rel @p0 .LBB2_6-.Ltmp2, $4  }
0xe0: {  	_ = 	snop  }
0xe1: {  	v3 =	vpack.i.f32.bf16 v4, v3  }
0xe2: {  	[tilespmem:s30+$0x3ED0] =	vst v3  }
0xe3: {  	v3 =	vld [tilespmem:s25+$0x24]  }
0xe4: {  	v4 =	vld [tilespmem:s24+$0x24];
	_ =	sdelay $0x4  }
0xe5: {  	v3 =	vpack.i.f32.bf16 v4, v3  }
0xe6: {  	[tilespmem:s28+$0x0] =	vst v3;
	s28 =	simm.s32 $0x0  }
0xe7: {  	[tilespmem:s15], [sflag:$0x1] =	stream.linear.gather [hbm4b:s10+s28], $0x2080, $0x38;
	[tilespmem:$0x17980] =	vst v63  }
0xe8: {  	_ =	swait.ge [sflag:s16], $0x2080  }
0xe9: {  	[sflag:s16] =	ssyncset.done $0x0  }
0xea: {  	[sflag:s16] =	ssyncadd.s32 $0xFFFFDF80  }
0xeb: {  	[tilespmem:s17], [sflag:$0x1] =	stream.linear.gather [hbm4b:s11+s28], $0x2080, $0x38;
	[tilespmem:$0x17980] =	vst v63  }
0xec: {  	_ =	swait.ge [sflag:s16], $0x2080  }
0xed: {  	[sflag:s16] =	ssyncset.done $0x0  }
0xee: {  	s25 =	simm.s32 $0x7D30;
	[sflag:s16] =	ssyncadd.s32 $0xFFFFDF80  }
0xef: {  	s24 =	simm.s32 $0x9DB0;
	v3 =	vld [tilespmem:s25+$0xFFFFFFD0]  }
0xf0: {  	v4 =	vld [tilespmem:s24+$0xFFFFFFD0];
	_ =	sdelay $0x4  }
0xf1: {  	s26 =	simm.s32 $0x5E14;
	v3 =	vpack.i.f32.bf16 v4, v3  }
0xf2: {  	[tilespmem:s26+$0xFFFFFFAC] =	vst v3  }
0xf3: {  	v3 =	vld [tilespmem:s24+$0xFFFFFFE0]  }
0xf4: {  	v4 =	vld [tilespmem:s25+$0xFFFFFFE0];
	_ =	sdelay $0x4  }
0xf5: {  	s28 =	sand.u32 $0x3FFC, s28;
	v3 =	vpack.i.f32.bf16 v3, v4  }
0xf6: {  	[tilespmem:s28+$0x5DD0] =	vst v3  }
0xf7: {  	v3 =	vld [tilespmem:s25+$0xFFFFFFF0]  }
0xf8: {  	v4 =	vld [tilespmem:s24+$0xFFFFFFF0];
	_ =	sdelay $0x4  }
0xf9: {  	v3 =	vpack.i.f32.bf16 v4, v3  }
0xfa: {  	[tilespmem:s28+$0x5DE0] =	vst v3  }
0xfb: {  	v3 =	vld [tilespmem:s25+$0x0]  }
0xfc: {  	v4 =	vld [tilespmem:s24+$0x0];
	_ =	sdelay $0x4  }
0xfd: {  	v3 =	vpack.i.f32.bf16 v4, v3  }
0xfe: {  	[tilespmem:s28+$0x5DF0] =	vst v3  }
0xff: {  	v3 =	vld [tilespmem:s25+$0x10]  }
0x100: {  	v4 =	vld [tilespmem:s24+$0x10];
	_ =	sdelay $0x4  }
0x101: {  	v3 =	vpack.i.f32.bf16 v4, v3  }
0x102: {  	[tilespmem:s28+$0x5E00] =	vst v3  }
0x103: {  	v3 =	vld [tilespmem:s25+$0x20]  }
0x104: {  	v4 =	vld [tilespmem:s24+$0x20];
	_ =	sdelay $0x4  }
0x105: {  	v3 =	vpack.i.f32.bf16 v4, v3  }
0x106: {  	[tilespmem:s28+$0x5E10] =	vst v3  }
0x107: {  	s29 =	simm.s32 $0x64;
	s28 =	simm.s32 $0x5E14;
	v3 =	vld [tilespmem:s25+$0x24]  }
.LBB2_8:
0x108: {  	v4 =	vld [tilespmem:s24+$0x24];
	s26 =	sadd.s32 $0x64, s26;
	s25 =	sadd.s32 $0x68, s25;
	s24 =	sadd.s32 $0x68, s24  }
0x109: {  	p0 =	sne.s32 s29, $0x1EDC;
	s30 =	smov.u32 s29;
	s29 =	sadd.s32 $0x64, s29  }
0x10a: {  	_ =	sdelay $0x2  }
0x10b: {  	v3 =	vpack.i.f32.bf16 v4, v3  }
0x10c: {  	[tilespmem:s28+$0x0] =	vst v3;
	s28 =	smov.u32 s26  }
0x10d: {  	v3 =	vld [tilespmem:s25+$0xFFFFFFD0]  }
0x10e: {  	v4 =	vld [tilespmem:s24+$0xFFFFFFD0];
	_ =	sdelay $0x4  }
0x10f: {  	v3 =	vpack.i.f32.bf16 v4, v3  }
0x110: {  	[tilespmem:s26+$0xFFFFFFAC] =	vst v3  }
0x111: {  	v3 =	vld [tilespmem:s24+$0xFFFFFFE0]  }
0x112: {  	v4 =	vld [tilespmem:s25+$0xFFFFFFE0];
	_ =	sdelay $0x3  }
0x113: {  	s30 =	sand.u32 $0x3FFC, s30  }
0x114: {  	v3 =	vpack.i.f32.bf16 v3, v4  }
0x115: {  	[tilespmem:s30+$0x5DD0] =	vst v3  }
0x116: {  	v3 =	vld [tilespmem:s25+$0xFFFFFFF0]  }
0x117: {  	v4 =	vld [tilespmem:s24+$0xFFFFFFF0];
	_ =	sdelay $0x4  }
0x118: {  	v3 =	vpack.i.f32.bf16 v4, v3  }
0x119: {  	[tilespmem:s30+$0x5DE0] =	vst v3  }
0x11a: {  	v3 =	vld [tilespmem:s25+$0x0]  }
0x11b: {  	v4 =	vld [tilespmem:s24+$0x0];
	_ =	sdelay $0x4  }
0x11c: {  	v3 =	vpack.i.f32.bf16 v4, v3  }
0x11d: {  	[tilespmem:s30+$0x5DF0] =	vst v3  }
0x11e: {  	v3 =	vld [tilespmem:s25+$0x10]  }
0x11f: {  	v4 =	vld [tilespmem:s24+$0x10];
	_ =	sdelay $0x4  }
0x120: {  	v3 =	vpack.i.f32.bf16 v4, v3  }
0x121: {  	[tilespmem:s30+$0x5E00] =	vst v3  }
0x122: {  	v3 =	vld [tilespmem:s25+$0x20]  }
0x123: {  	v4 =	vld [tilespmem:s24+$0x20];
	_ =	sdelay $0x2  }
.Ltmp3:
0x124: {  	(pc) =	sbr.rel @p0 .LBB2_8-.Ltmp3, $4  }
0x125: {  	_ = 	snop  }
0x126: {  	v3 =	vpack.i.f32.bf16 v4, v3  }
0x127: {  	[tilespmem:s30+$0x5E10] =	vst v3  }
0x128: {  	v3 =	vld [tilespmem:s25+$0x24]  }
0x129: {  	v4 =	vld [tilespmem:s24+$0x24];
	_ =	sdelay $0x4  }
0x12a: {  	v3 =	vpack.i.f32.bf16 v4, v3  }
0x12b: {  	s24 =	simm.s32 $0x0;
	s25 =	simm.s32 $0xBE00;
	[tilespmem:s28+$0x0] =	vst v3  }
0x12c: {  	[tilespmem:s25], [sflag:$0x1] =	stream.linear.gather [hbm4b:s12+s24], $0x7D00, $0x38;
	[tilespmem:$0x17980] =	vst v63  }
0x12d: {  	_ =	swait.ge [sflag:s16], $0x7D00  }
0x12e: {  	[sflag:s16] =	ssyncset.done $0x0  }
0x12f: {  	[sflag:s16] =	ssyncadd.s32 $0xFFFF8300  }
.LBB2_10:
0x130: {  	v3 =	vmov s25;
	_ =	sdelay $0x2  }
0x131: {  	s26 =	simm.s32 $0x0  }
.LBB2_11:
0x132: {  	s28 =	sshra.s32 s26, $0x2  }
0x133: {  	v4 =	vld.idx.msk [tilespmem:v3+s28+$0x0 ss:$0x1], $0xffff  }
0x134: {  	v6 =	vld.idx.msk [tilespmem:v3+s28+$0x1F40 ss:$0x1], $0xffff  }
0x135: {  	v7 =	vld.idx.msk [tilespmem:v3+s28+$0x5DC0 ss:$0x1], $0xffff  }
0x136: {  	v5 =	vld.idx.msk [tilespmem:v3+s28+$0x3E80 ss:$0x1], $0xffff;
	_ =	sdelay $0x3  }
0x137: {  	v9 =	vsub.f32 v7, v6  }
0x138: {  	v8 =	vsub.f32 v5, v4  }
0x139: {  	v7 =	vmul.f32 v9, v1;
	v9 =	vmul.f32 v9, v2  }
0x13a: {  	v5 =	vmul.f32 v8, v0  }
0x13b: {  	v8 =	vmul.f32 v8, v2;
	v6 =	vadd.f32 v9, v6;
	v37 =	vmul.f32 $0.0e+00, v7;
	_ =	sdelay $0x1  }
0x13c: {  	v4 =	vadd.f32 v8, v4;
	v36 =	vmul.f32 $0.0e+00, v5;
	v9 =	vadd.f32 v37, v6;
	_ =	sdelay $0x1  }
0x13d: {  	v8 =	vadd.f32 v36, v4;
	v9 =	vmax.f32 v9, $0.0e+00  }
0x13e: {  	v23 =	vadd.f32 v4, v5;
	v11 =	vtrunc.f32 v9  }
0x13f: {  	v8 =	vmax.f32 v8, $0.0e+00;
	v11 =	vcvt.f32.s32 v11  }
0x140: {  	v23 =	vmax.f32 v23, $0.0e+00;
	v10 =	vtrunc.f32 v8  }
0x141: {  	v25 =	vtrunc.f32 v23;
	v10 =	vcvt.f32.s32 v10;
	v14 =	vmul.u32 $0x64, v11  }
0x142: {  	v25 =	vcvt.f32.s32 v25  }
0x143: {  	v12 =	vadd.s32 $0x1, v10;
	v13 =	vadd.s32 $0x1, v11;
	v16 =	vadd.s32 v10, v14  }
0x144: {  	vm10 =	vgt.s32 v10, $0x62;
	v15 =	vcvt.s32.f32 v10;
	vm1 =	vlt.s32 v13, $0x4F  }
0x145: {  	vm11 =	vgt.s32 v11, $0x4E;
	vm0 =	vlt.s32 v12, $0x63;
	v13 =	vnsel vm1, $0x4F, v13  }
0x146: {  	v11 =	vcvt.s32.f32 v11;
	v12 =	vnsel vm0, $0x63, v12;
	v13 =	vmul.u32 $0x64, v13  }
0x147: {  	v8 =	vsel vm10, $0x42C60000, v8;
	v9 =	vsel vm11, $0x429E0000, v9;
	v14 =	vadd.s32 v12, v14  }
0x148: {  	v8 =	vsub.f32 v8, v15;
	v9 =	vsub.f32 v9, v11;
	v10 =	vadd.s32 v10, v13;
	v41 =	vld.idx.msk [tilespmem:v16+s3+$0x0], $0xffff  }
0x149: {  	vm14 =	vgt.s32 v25, $0x62;
	v31 =	vcvt.s32.f32 v25;
	v21 =	vld.idx.msk [tilespmem:v16+s18+$0x0], $0xffff  }
0x14a: {  	v39 =	vsub.f32 $1.000000000e+00, v8;
	v40 =	vsub.f32 $1.000000000e+00, v9;
	v38 =	vadd.s32 v12, v13;
	v24 =	vld.idx.msk [tilespmem:v16+s19+$0x0], $0xffff  }
0x14b: {  	v23 =	vsel vm14, $0x42C60000, v23;
	v16 =	vld.idx.msk [tilespmem:v16+s20+$0x0], $0xffff  }
0x14c: {  	v48 =	vadd.s32 $0x1, v25;
	v23 =	vsub.f32 v23, v31;
	v18 =	vmul.f32 v40, v39;
	v17 =	vld.idx.msk [tilespmem:v14+s3+$0x0], $0xffff  }
0x14d: {  	v44 =	vadd.f32 v6, v7;
	vm12 =	vlt.s32 v48, $0x63;
	v13 =	vmul.f32 v40, v8;
	v19 =	vld.idx.msk [tilespmem:v10+s3+$0x0], $0xffff  }
0x14e: {  	v55 =	vsub.f32 $1.000000000e+00, v23;
	v12 =	vmul.f32 v39, v9;
	v18 =	vpack.i.f32.bf16 v18, v18;
	v42 =	vld.idx.msk [tilespmem:v14+s18+$0x0], $0xffff  }
0x14f: {  	v8 =	vmul.f32 v9, v8;
	v13 =	vpack.i.f32.bf16 v13, v13;
	v20 =	vld.idx.msk [tilespmem:v38+s3+$0x0], $0xffff;
	v15 =	vmul.bf16 v41, v18  }
0x150: {  	v12 =	vpack.i.f32.bf16 v12, v12;
	v22 =	vld.idx.msk [tilespmem:v10+s18+$0x0], $0xffff;
	v21 =	vmul.bf16 v21, v18;
	v24 =	vmul.bf16 v24, v18  }
0x151: {  	v8 =	vpack.i.f32.bf16 v8, v8;
	v45 =	vld.idx.msk [tilespmem:v14+s19+$0x0], $0xffff;
	v16 =	vmul.bf16 v16, v18;
	v17 =	vmul.bf16 v17, v13  }
0x152: {  	v50 =	vld.idx.msk [tilespmem:v10+s19+$0x0], $0xffff;
	v41 =	vadd.f32 v5, v5;
	v43 =	vmul.bf16 v19, v12;
	v19 =	vmax.f32 v44, $0.0e+00  }
0x153: {  	v9 =	vmul.bf16 v42, v13;
	v15 =	vadd.bf16 v17, v15;
	v26 =	vtrunc.f32 v19  }
0x154: {  	v28 =	vld.idx.msk [tilespmem:v38+s18+$0x0], $0xffff;
	v42 =	vadd.f32 v7, v7;
	v20 =	vmul.bf16 v20, v8;
	v47 =	vcvt.f32.s32 v26  }
0x155: {  	v29 =	vld.idx.msk [tilespmem:v38+s19+$0x0], $0xffff;
	v9 =	vadd.bf16 v9, v21;
	v46 =	vmul.bf16 v22, v12;
	v15 =	vadd.bf16 v43, v15  }
0x156: {  	v14 =	vld.idx.msk [tilespmem:v14+s20+$0x0], $0xffff;
	v17 =	vmul.bf16 v45, v13;
	v49 =	vadd.s32 $0x1, v47;
	v27 =	vmul.u32 $0x64, v47  }
0x157: {  	v10 =	vld.idx.msk [tilespmem:v10+s20+$0x0], $0xffff;
	v51 =	vmul.bf16 v50, v12;
	v15 =	vadd.bf16 v20, v15;
	vm13 =	vlt.s32 v49, $0x4F  }
0x158: {  	v11 =	vld.idx.msk [tilespmem:v38+s20+$0x0], $0xffff;
	v20 =	vnsel vm12, $0x63, v48;
	v21 =	vnsel vm13, $0x4F, v49;
	v30 =	vadd.s32 v25, v27  }
0x159: {  	v52 =	vmul.bf16 v28, v8;
	v27 =	vadd.s32 v20, v27;
	v21 =	vmul.u32 $0x64, v21  }
0x15a: {  	v53 =	vmul.bf16 v29, v8;
	vm15 =	vgt.s32 v47, $0x4E;
	v22 =	vcvt.s32.f32 v47  }
0x15b: {  	v13 =	vmul.bf16 v14, v13;
	v19 =	vsel vm15, $0x429E0000, v19;
	v25 =	vadd.s32 v25, v21  }
0x15c: {  	v10 =	vmul.bf16 v10, v12;
	v44 =	vadd.f32 v42, v6;
	v19 =	vsub.f32 v19, v22  }
0x15d: {  	v8 =	vmul.bf16 v11, v8;
	v9 =	vadd.bf16 v46, v9;
	v17 =	vadd.bf16 v17, v24;
	v54 =	vld.idx.msk [tilespmem:v30+s3+$0x0], $0xffff  }
0x15e: {  	v26 =	vadd.f32 v41, v4;
	v56 =	vsub.f32 $1.000000000e+00, v19;
	v20 =	vadd.s32 v20, v21;
	v57 =	vld.idx.msk [tilespmem:v27+s3+$0x0], $0xffff  }
0x15f: {  	v13 =	vadd.bf16 v13, v16;
	v41 =	vmul.f32 $3.000000000e+00, v7;
	v17 =	vadd.bf16 v51, v17  }
0x160: {  	v45 =	vmax.f32 v26, $0.0e+00;
	v59 =	vmul.f32 v56, v55;
	v60 =	vmul.f32 v56, v23;
	v58 =	vld.idx.msk [tilespmem:v25+s3+$0x0], $0xffff  }
0x161: {  	v9 =	vadd.bf16 v52, v9;
	v10 =	vadd.bf16 v10, v13;
	v26 =	vtrunc.f32 v45;
	v61 =	vld.idx.msk [tilespmem:v30+s18+$0x0], $0xffff  }
0x162: {  	v37 =	vmul.f32 v55, v19;
	v62 =	vld.idx.msk [tilespmem:v27+s18+$0x0], $0xffff;
	v63 =	vpack.i.f32.bf16 v59, v59;
	v36 =	vpack.i.f32.bf16 v60, v60  }
0x163: {  	v17 =	vadd.bf16 v53, v17;
	v38 =	vld.idx.msk [tilespmem:v20+s3+$0x0], $0xffff;
	v39 =	vmul.bf16 v54, v63;
	v21 =	vmul.bf16 v57, v36  }
0x164: {  	v26 =	vcvt.f32.s32 v26;
	v19 =	vmul.f32 v19, v23;
	v18 =	vpack.i.f32.bf16 v37, v37  }
0x165: {  	v8 =	vadd.bf16 v8, v10;
	v40 =	vld.idx.msk [tilespmem:v25+s18+$0x0], $0xffff;
	v21 =	vadd.bf16 v21, v39;
	v14 =	vmul.bf16 v58, v18  }
0x166: {  	v52 =	vadd.s32 $0x1, v26;
	v19 =	vpack.i.f32.bf16 v19, v19;
	v46 =	vld.idx.msk [tilespmem:v30+s19+$0x0], $0xffff;
	v24 =	vmul.bf16 v61, v63  }
0x167: {  	v47 =	vld.idx.msk [tilespmem:v27+s19+$0x0], $0xffff;
	v11 =	vmul.bf16 v62, v36;
	v14 =	vadd.bf16 v14, v21;
	v21 =	vmax.f32 v44, $0.0e+00  }
0x168: {  	vm6 =	vgt.s32 v26, $0x62;
	v30 =	vld.idx.msk [tilespmem:v30+s20+$0x0], $0xffff;
	v13 =	vmul.bf16 v38, v19;
	v48 =	vtrunc.f32 v21  }
0x169: {  	v33 =	vcvt.s32.f32 v26;
	vm4 =	vlt.s32 v52, $0x63;
	v27 =	vld.idx.msk [tilespmem:v27+s20+$0x0], $0xffff;
	v50 =	vcvt.f32.s32 v48  }
0x16a: {  	v43 =	vld.idx.msk [tilespmem:v20+s18+$0x0], $0xffff;
	v11 =	vadd.bf16 v11, v24;
	v23 =	vmul.bf16 v40, v18;
	v13 =	vadd.bf16 v13, v14  }
0x16b: {  	v22 =	vsel vm6, $0x42C60000, v45;
	v53 =	vld.idx.msk [tilespmem:v25+s19+$0x0], $0xffff;
	v54 =	vadd.s32 $0x1, v50;
	v56 =	vmul.u32 $0x64, v50  }
0x16c: {  	v55 =	vld.idx.msk [tilespmem:v20+s19+$0x0], $0xffff;
	v11 =	vadd.bf16 v23, v11;
	v51 =	vmax.bf16 v15, v13;
	vm5 =	vlt.s32 v54, $0x4F  }
0x16d: {  	v25 =	vld.idx.msk [tilespmem:v25+s20+$0x0], $0xffff;
	v13 =	vnsel vm4, $0x63, v52;
	v23 =	vnsel vm5, $0x4F, v54;
	v32 =	vadd.s32 v26, v56  }
0x16e: {  	v22 =	vsub.f32 v22, v33;
	v20 =	vld.idx.msk [tilespmem:v20+s20+$0x0], $0xffff;
	v31 =	vadd.s32 v13, v56;
	v23 =	vmul.u32 $0x64, v23  }
0x16f: {  	v12 =	vmul.bf16 v30, v63;
	vm7 =	vgt.s32 v50, $0x4E;
	v28 =	vcvt.s32.f32 v50  }
0x170: {  	v24 =	vmul.bf16 v46, v63;
	v21 =	vsel vm7, $0x429E0000, v21;
	v26 =	vadd.s32 v26, v23  }
0x171: {  	v49 =	vmul.bf16 v43, v19;
	v57 =	vmul.bf16 v55, v19;
	v21 =	vsub.f32 v21, v28  }
0x172: {  	v60 =	vsub.f32 $1.000000000e+00, v22;
	v58 =	vmul.bf16 v27, v36;
	v62 =	vmul.bf16 v25, v18;
	v59 =	vld.idx.msk [tilespmem:v32+s3+$0x0], $0xffff  }
0x173: {  	v34 =	vmul.bf16 v20, v19;
	v40 =	vmul.f32 $3.000000000e+00, v5;
	v28 =	vsub.f32 $1.000000000e+00, v21;
	v61 =	vld.idx.msk [tilespmem:v31+s3+$0x0], $0xffff  }
0x174: {  	v12 =	vadd.bf16 v58, v12;
	v11 =	vadd.bf16 v49, v11;
	v14 =	vmul.bf16 v47, v36  }
0x175: {  	v13 =	vadd.s32 v13, v23;
	v29 =	vmul.f32 v28, v60;
	v30 =	vmul.f32 v28, v22;
	v63 =	vld.idx.msk [tilespmem:v26+s3+$0x0], $0xffff  }
0x176: {  	v14 =	vadd.bf16 v14, v24;
	v15 =	vmul.bf16 v53, v18;
	v9 =	vmax.bf16 v9, v11  }
0x177: {  	v37 =	vmul.f32 v60, v21;
	v33 =	vld.idx.msk [tilespmem:v32+s18+$0x0], $0xffff;
	v11 =	vpack.i.f32.bf16 v29, v29;
	v36 =	vpack.i.f32.bf16 v30, v30  }
0x178: {  	v12 =	vadd.bf16 v62, v12;
	v35 =	vld.idx.msk [tilespmem:v31+s18+$0x0], $0xffff;
	v16 =	vmul.bf16 v59, v11;
	v23 =	vmul.bf16 v61, v36  }
0x179: {  	v43 =	vadd.f32 v41, v6;
	v14 =	vadd.bf16 v15, v14;
	v20 =	vpack.i.f32.bf16 v37, v37  }
0x17a: {  	v12 =	vadd.bf16 v34, v12;
	v38 =	vld.idx.msk [tilespmem:v13+s3+$0x0], $0xffff;
	v16 =	vadd.bf16 v23, v16;
	v18 =	vmul.bf16 v63, v20  }
0x17b: {  	v24 =	vadd.f32 v40, v4;
	v14 =	vadd.bf16 v57, v14;
	v21 =	vmul.f32 v21, v22;
	v39 =	vld.idx.msk [tilespmem:v26+s18+$0x0], $0xffff  }
0x17c: {  	v25 =	vmul.bf16 v33, v11;
	v16 =	vadd.bf16 v18, v16;
	v18 =	vmax.f32 v43, $0.0e+00  }
0x17d: {  	v14 =	vmax.bf16 v17, v14;
	v42 =	vld.idx.msk [tilespmem:v13+s18+$0x0], $0xffff;
	v17 =	vmul.bf16 v35, v36;
	v48 =	vtrunc.f32 v18  }
0x17e: {  	v44 =	vmax.f32 v24, $0.0e+00;
	v21 =	vpack.i.f32.bf16 v21, v21;
	v45 =	vld.idx.msk [tilespmem:v32+s19+$0x0], $0xffff;
	v50 =	vcvt.f32.s32 v48  }
0x17f: {  	v46 =	vtrunc.f32 v44;
	v47 =	vld.idx.msk [tilespmem:v31+s19+$0x0], $0xffff;
	v17 =	vadd.bf16 v17, v25;
	v15 =	vmul.bf16 v38, v21  }
0x180: {  	v53 =	vld.idx.msk [tilespmem:v26+s19+$0x0], $0xffff;
	v25 =	vcvt.f32.s32 v46;
	v22 =	vmul.bf16 v39, v20;
	v56 =	vmul.u32 $0x64, v50  }
0x181: {  	v8 =	vmax.bf16 v8, v12;
	v57 =	vld.idx.msk [tilespmem:v32+s20+$0x0], $0xffff;
	v15 =	vadd.bf16 v15, v16  }
0x182: {  	v31 =	vld.idx.msk [tilespmem:v31+s20+$0x0], $0xffff;
	v49 =	vmul.bf16 v42, v21;
	v17 =	vadd.bf16 v22, v17;
	v32 =	vadd.s32 v25, v56  }
0x183: {  	v55 =	vld.idx.msk [tilespmem:v13+s19+$0x0], $0xffff;
	v24 =	vmul.bf16 v45, v11;
	v10 =	vmax.bf16 v51, v15;
	v51 =	vadd.s32 $0x1, v25  }
0x184: {  	v52 =	vadd.bf16 v49, v17;
	v16 =	vmul.bf16 v47, v36;
	vm8 =	vlt.s32 v51, $0x63  }
0x185: {  	v26 =	vld.idx.msk [tilespmem:v26+s20+$0x0], $0xffff;
	v17 =	vmul.bf16 v53, v20;
	v54 =	vadd.s32 $0x1, v50;
	v12 =	vnsel vm8, $0x63, v51  }
0x186: {  	v13 =	vld.idx.msk [tilespmem:v13+s20+$0x0], $0xffff;
	v16 =	vadd.bf16 v16, v24;
	vm9 =	vlt.s32 v54, $0x4F;
	v29 =	vadd.s32 v12, v56  }
0x187: {  	v11 =	vmul.bf16 v57, v11;
	v60 =	vmul.bf16 v31, v36;
	v22 =	vnsel vm9, $0x4F, v54;
	v61 =	vld.idx.msk [tilespmem:v32+s3+$0x0], $0xffff  }
0x188: {  	v59 =	vmul.bf16 v55, v21;
	v16 =	vadd.bf16 v17, v16;
	v22 =	vmul.u32 $0x64, v22;
	v36 =	vld.idx.msk [tilespmem:v32+s18+$0x0], $0xffff  }
0x189: {  	v11 =	vadd.bf16 v60, v11;
	vm10 =	vgt.s32 v25, $0x62;
	v58 =	vcvt.s32.f32 v25;
	v47 =	vld.idx.msk [tilespmem:v32+s19+$0x0], $0xffff  }
0x18a: {  	v23 =	vsel vm10, $0x42C60000, v44;
	v16 =	vadd.bf16 v59, v16;
	v25 =	vadd.s32 v25, v22;
	v59 =	vld.idx.msk [tilespmem:v32+s20+$0x0], $0xffff  }
0x18b: {  	vm11 =	vgt.s32 v50, $0x4E;
	v27 =	vcvt.s32.f32 v50;
	v12 =	vadd.s32 v12, v22;
	v30 =	vld.idx.msk [tilespmem:v29+s3+$0x0], $0xffff  }
0x18c: {  	v31 =	vmul.bf16 v26, v20;
	v23 =	vsub.f32 v23, v58;
	v18 =	vsel vm11, $0x429E0000, v18;
	v37 =	vld.idx.msk [tilespmem:v29+s18+$0x0], $0xffff  }
0x18d: {  	v42 =	vmul.f32 $4.000000000e+00, v5;
	v18 =	vsub.f32 v18, v27;
	v49 =	vld.idx.msk [tilespmem:v29+s19+$0x0], $0xffff  }
0x18e: {  	v13 =	vmul.bf16 v13, v21;
	v11 =	vadd.bf16 v31, v11;
	v62 =	vsub.f32 $1.000000000e+00, v23;
	v29 =	vld.idx.msk [tilespmem:v29+s20+$0x0], $0xffff  }
0x18f: {  	v43 =	vmul.f32 $4.000000000e+00, v7;
	v24 =	vadd.f32 v42, v4;
	v63 =	vsub.f32 $1.000000000e+00, v18;
	v33 =	vld.idx.msk [tilespmem:v25+s3+$0x0], $0xffff  }
0x190: {  	v11 =	vadd.bf16 v13, v11;
	v40 =	vld.idx.msk [tilespmem:v12+s3+$0x0], $0xffff  }
0x191: {  	v45 =	vadd.f32 v43, v6;
	v46 =	vmax.f32 v24, $0.0e+00;
	v34 =	vmul.f32 v63, v62;
	v41 =	vld.idx.msk [tilespmem:v25+s18+$0x0], $0xffff  }
0x192: {  	v9 =	vmax.bf16 v9, v52;
	v48 =	vtrunc.f32 v46;
	v39 =	vmul.f32 v62, v18;
	v44 =	vld.idx.msk [tilespmem:v12+s18+$0x0], $0xffff  }
0x193: {  	v18 =	vmul.f32 v18, v23;
	v35 =	vmul.f32 v63, v23;
	v15 =	vpack.i.f32.bf16 v34, v34;
	v55 =	vld.idx.msk [tilespmem:v25+s19+$0x0], $0xffff  }
0x194: {  	v14 =	vmax.bf16 v14, v16;
	v57 =	vld.idx.msk [tilespmem:v12+s19+$0x0], $0xffff;
	v19 =	vmul.bf16 v61, v15;
	v26 =	vmul.bf16 v36, v15  }
0x195: {  	v38 =	vpack.i.f32.bf16 v35, v35;
	v25 =	vld.idx.msk [tilespmem:v25+s20+$0x0], $0xffff;
	v24 =	vmul.bf16 v47, v15;
	v15 =	vmul.bf16 v59, v15  }
0x196: {  	v21 =	vpack.i.f32.bf16 v39, v39;
	v12 =	vld.idx.msk [tilespmem:v12+s20+$0x0], $0xffff;
	v22 =	vmul.bf16 v30, v38;
	v16 =	vmul.bf16 v37, v38  }
0x197: {  	v18 =	vpack.i.f32.bf16 v18, v18;
	v17 =	vmul.bf16 v29, v38;
	v20 =	vmul.bf16 v33, v21  }
0x198: {  	v8 =	vmax.bf16 v8, v11;
	v13 =	vmul.bf16 v40, v18;
	v23 =	vmul.bf16 v41, v21  }
0x199: {  	v16 =	vadd.bf16 v16, v26;
	v26 =	vcvt.f32.s32 v48;
	v51 =	vmul.bf16 v44, v18  }
0x19a: {  	v19 =	vadd.bf16 v22, v19;
	v62 =	vmul.bf16 v57, v18;
	v36 =	vmul.bf16 v25, v21  }
0x19b: {  	v15 =	vadd.bf16 v17, v15;
	v12 =	vmul.bf16 v12, v18;
	v48 =	vmul.f32 $5.000000000e+00, v7  }
0x19c: {  	v19 =	vadd.bf16 v20, v19;
	v20 =	vmax.f32 v45, $0.0e+00;
	v16 =	vadd.bf16 v23, v16  }
0x19d: {  	v53 =	vadd.s32 $0x1, v26;
	vm14 =	vgt.s32 v26, $0x62;
	v61 =	vcvt.s32.f32 v26  }
0x19e: {  	v15 =	vadd.bf16 v36, v15;
	v50 =	vtrunc.f32 v20;
	vm12 =	vlt.s32 v53, $0x63  }
0x19f: {  	v22 =	vsel vm14, $0x42C60000, v46;
	v46 =	vmul.f32 $5.000000000e+00, v5;
	v52 =	vcvt.f32.s32 v50  }
0x1a0: {  	v13 =	vadd.bf16 v13, v19;
	v54 =	vadd.bf16 v51, v16;
	v11 =	vnsel vm12, $0x63, v53  }
0x1a1: {  	v19 =	vmul.bf16 v49, v38;
	v16 =	vmul.bf16 v55, v21;
	v58 =	vmul.u32 $0x64, v52  }
0x1a2: {  	v22 =	vsub.f32 v22, v61;
	v12 =	vadd.bf16 v12, v15;
	v10 =	vmax.bf16 v10, v13  }
0x1a3: {  	v56 =	vadd.s32 $0x1, v52;
	vm15 =	vgt.s32 v52, $0x4E;
	v60 =	vadd.s32 v26, v58  }
0x1a4: {  	v27 =	vcvt.s32.f32 v52;
	v19 =	vadd.bf16 v19, v24;
	v30 =	vadd.s32 v11, v58  }
0x1a5: {  	v33 =	vsub.f32 $1.000000000e+00, v22;
	v24 =	vadd.f32 v46, v4;
	vm13 =	vlt.s32 v56, $0x4F  }
0x1a6: {  	v9 =	vmax.bf16 v9, v54;
	v20 =	vsel vm15, $0x429E0000, v20;
	v23 =	vnsel vm13, $0x4F, v56  }
0x1a7: {  	v20 =	vsub.f32 v20, v27;
	v16 =	vadd.bf16 v16, v19;
	v24 =	vmax.f32 v24, $0.0e+00  }
0x1a8: {  	v27 =	vadd.f32 v48, v6;
	v23 =	vmul.u32 $0x64, v23;
	v52 =	vtrunc.f32 v24;
	v63 =	vld.idx.msk [tilespmem:v60+s3+$0x0], $0xffff  }
0x1a9: {  	v34 =	vsub.f32 $1.000000000e+00, v20;
	v16 =	vadd.bf16 v62, v16;
	v43 =	vmul.f32 v33, v20;
	v35 =	vld.idx.msk [tilespmem:v30+s3+$0x0], $0xffff  }
0x1aa: {  	v20 =	vmul.f32 v20, v22;
	v51 =	vmax.f32 v27, $0.0e+00;
	v26 =	vadd.s32 v26, v23;
	v40 =	vld.idx.msk [tilespmem:v60+s18+$0x0], $0xffff  }
0x1ab: {  	v27 =	vcvt.f32.s32 v52;
	v11 =	vadd.s32 v11, v23;
	v54 =	vtrunc.f32 v51;
	v41 =	vld.idx.msk [tilespmem:v30+s18+$0x0], $0xffff  }
0x1ac: {  	v8 =	vmax.bf16 v8, v12;
	v38 =	vmul.f32 v34, v33;
	v39 =	vmul.f32 v34, v22;
	v49 =	vld.idx.msk [tilespmem:v60+s19+$0x0], $0xffff  }
0x1ad: {  	v14 =	vmax.bf16 v14, v16;
	v18 =	vpack.i.f32.bf16 v43, v43;
	v20 =	vpack.i.f32.bf16 v20, v20;
	v56 =	vld.idx.msk [tilespmem:v60+s20+$0x0], $0xffff  }
0x1ae: {  	v29 =	vcvt.f32.s32 v54;
	v57 =	vadd.s32 $0x1, v27;
	vm6 =	vgt.s32 v27, $0x62;
	v59 =	vld.idx.msk [tilespmem:v30+s20+$0x0], $0xffff  }
0x1af: {  	vm4 =	vlt.s32 v57, $0x63;
	v13 =	vpack.i.f32.bf16 v38, v38;
	v42 =	vpack.i.f32.bf16 v39, v39;
	v37 =	vld.idx.msk [tilespmem:v26+s3+$0x0], $0xffff  }
0x1b0: {  	v58 =	vadd.s32 $0x1, v29;
	v60 =	vnsel vm4, $0x63, v57;
	v61 =	vmul.u32 $0x64, v29;
	v44 =	vld.idx.msk [tilespmem:v11+s3+$0x0], $0xffff  }
0x1b1: {  	vm7 =	vgt.s32 v29, $0x4E;
	v29 =	vcvt.s32.f32 v29;
	vm5 =	vlt.s32 v58, $0x4F;
	v45 =	vld.idx.msk [tilespmem:v26+s18+$0x0], $0xffff  }
0x1b2: {  	v47 =	vld.idx.msk [tilespmem:v11+s18+$0x0], $0xffff;
	v33 =	vadd.s32 v27, v61;
	v19 =	vmul.bf16 v63, v13;
	v23 =	vmul.bf16 v35, v42  }
0x1b3: {  	v62 =	vld.idx.msk [tilespmem:v11+s19+$0x0], $0xffff;
	v31 =	vadd.s32 v60, v61;
	v25 =	vmul.bf16 v40, v13;
	v16 =	vmul.bf16 v41, v42  }
0x1b4: {  	v36 =	vld.idx.msk [tilespmem:v26+s20+$0x0], $0xffff;
	v28 =	vmul.bf16 v49, v13;
	v13 =	vmul.bf16 v56, v13;
	v63 =	vsel vm6, $0x42C60000, v24  }
0x1b5: {  	v11 =	vld.idx.msk [tilespmem:v11+s20+$0x0], $0xffff;
	v17 =	vmul.bf16 v59, v42;
	v56 =	vmul.f32 $6.000000000e+00, v5;
	v19 =	vadd.bf16 v23, v19  }
0x1b6: {  	v50 =	vld.idx.msk [tilespmem:v30+s19+$0x0], $0xffff;
	v16 =	vadd.bf16 v16, v25;
	v25 =	vsel vm7, $0x429E0000, v51;
	v21 =	vmul.bf16 v37, v18  }
0x1b7: {  	v13 =	vadd.bf16 v17, v13;
	v15 =	vmul.bf16 v44, v20;
	v22 =	vmul.bf16 v45, v18  }
0x1b8: {  	v59 =	vadd.f32 v56, v4;
	v55 =	vmul.bf16 v47, v20;
	v37 =	vcvt.s32.f32 v27  }
0x1b9: {  	v39 =	vsub.f32 v25, v29;
	v40 =	vmul.bf16 v62, v20;
	v41 =	vmul.bf16 v36, v18  }
0x1ba: {  	v53 =	vld.idx.msk [tilespmem:v26+s19+$0x0], $0xffff;
	v11 =	vmul.bf16 v11, v20;
	v23 =	vmax.f32 v59, $0.0e+00;
	v19 =	vadd.bf16 v21, v19  }
0x1bb: {  	v16 =	vadd.bf16 v22, v16;
	v21 =	vmul.bf16 v50, v42;
	v38 =	vsub.f32 v63, v37  }
0x1bc: {  	v22 =	vnsel vm5, $0x4F, v58;
	v43 =	vsub.f32 $1.000000000e+00, v39;
	v13 =	vadd.bf16 v41, v13  }
0x1bd: {  	v58 =	vmul.f32 $6.000000000e+00, v7;
	v62 =	vtrunc.f32 v23;
	v22 =	vmul.u32 $0x64, v22  }
0x1be: {  	v63 =	vcvt.f32.s32 v62;
	v15 =	vadd.bf16 v15, v19;
	v16 =	vadd.bf16 v55, v16  }
0x1bf: {  	v21 =	vadd.bf16 v21, v28;
	v19 =	vmul.bf16 v53, v18;
	v42 =	vsub.f32 $1.000000000e+00, v38  }
0x1c0: {  	v46 =	vld.idx.msk [tilespmem:v31+s3+$0x0], $0xffff;
	v49 =	vmul.f32 v43, v38;
	v11 =	vadd.bf16 v11, v13;
	v12 =	vmul.f32 v39, v38  }
0x1c1: {  	v41 =	vld.idx.msk [tilespmem:v31+s19+$0x0], $0xffff;
	v27 =	vadd.s32 v27, v22;
	v50 =	vadd.s32 v60, v22;
	v38 =	vadd.s32 $0x1, v63  }
0x1c2: {  	v44 =	vld.idx.msk [tilespmem:v33+s3+$0x0], $0xffff;
	vm10 =	vgt.s32 v63, $0x62;
	v34 =	vcvt.s32.f32 v63;
	v19 =	vadd.bf16 v19, v21  }
0x1c3: {  	v51 =	vld.idx.msk [tilespmem:v33+s18+$0x0], $0xffff;
	v10 =	vmax.bf16 v10, v15;
	v9 =	vmax.bf16 v9, v16;
	v47 =	vmul.f32 v43, v42  }
0x1c4: {  	v53 =	vld.idx.msk [tilespmem:v31+s18+$0x0], $0xffff;
	v52 =	vmul.f32 v42, v39;
	v15 =	vpack.i.f32.bf16 v49, v49;
	v8 =	vmax.bf16 v8, v11  }
0x1c5: {  	v31 =	vld.idx.msk [tilespmem:v31+s20+$0x0], $0xffff;
	v16 =	vadd.f32 v58, v6;
	v12 =	vpack.i.f32.bf16 v12, v12;
	vm8 =	vlt.s32 v38, $0x63  }
0x1c6: {  	v23 =	vsel vm10, $0x42C60000, v23;
	v57 =	vmul.bf16 v46, v15;
	v29 =	vmul.bf16 v41, v15  }
0x1c7: {  	v39 =	vld.idx.msk [tilespmem:v33+s19+$0x0], $0xffff;
	v45 =	vadd.bf16 v40, v19;
	v13 =	vpack.i.f32.bf16 v47, v47;
	v17 =	vpack.i.f32.bf16 v52, v52  }
0x1c8: {  	v33 =	vld.idx.msk [tilespmem:v33+s20+$0x0], $0xffff;
	v47 =	vsub.f32 v23, v34;
	v34 =	vmul.f32 $7.000000000e+00, v5;
	v54 =	vmul.bf16 v44, v13  }
0x1c9: {  	v16 =	vmax.f32 v16, $0.0e+00;
	v21 =	vmul.bf16 v51, v13;
	v18 =	vmul.bf16 v53, v15;
	v48 =	vld.idx.msk [tilespmem:v27+s3+$0x0], $0xffff  }
0x1ca: {  	v36 =	vtrunc.f32 v16;
	v15 =	vmul.bf16 v31, v15;
	v14 =	vmax.bf16 v14, v45;
	v55 =	vld.idx.msk [tilespmem:v27+s18+$0x0], $0xffff  }
0x1cb: {  	v60 =	vld.idx.msk [tilespmem:v50+s3+$0x0], $0xffff;
	v37 =	vcvt.f32.s32 v36;
	v51 =	vsub.f32 $1.000000000e+00, v47;
	v36 =	vmul.f32 $7.000000000e+00, v7  }
0x1cc: {  	v61 =	vld.idx.msk [tilespmem:v50+s18+$0x0], $0xffff;
	v11 =	vadd.bf16 v57, v54;
	v18 =	vadd.bf16 v18, v21;
	v26 =	vmul.bf16 v39, v13  }
0x1cd: {  	v43 =	vld.idx.msk [tilespmem:v27+s19+$0x0], $0xffff;
	v13 =	vmul.bf16 v33, v13;
	v40 =	vadd.s32 $0x1, v37;
	vm11 =	vgt.s32 v37, $0x4E  }
0x1ce: {  	v27 =	vld.idx.msk [tilespmem:v27+s20+$0x0], $0xffff;
	v42 =	vmul.u32 $0x64, v37;
	vm9 =	vlt.s32 v40, $0x4F;
	v16 =	vsel vm11, $0x429E0000, v16  }
0x1cf: {  	v13 =	vadd.bf16 v15, v13;
	v44 =	vnsel vm9, $0x4F, v40;
	v19 =	vmul.bf16 v48, v17  }
0x1d0: {  	v45 =	vld.idx.msk [tilespmem:v50+s19+$0x0], $0xffff;
	v32 =	vadd.s32 v63, v42;
	v40 =	vadd.f32 v36, v6;
	v24 =	vmul.bf16 v55, v17  }
0x1d1: {  	v25 =	vmul.bf16 v60, v12;
	v22 =	vmul.bf16 v61, v12;
	v11 =	vadd.bf16 v19, v11  }
0x1d2: {  	v18 =	vadd.bf16 v24, v18;
	v24 =	vnsel vm8, $0x63, v38;
	v19 =	vcvt.s32.f32 v37  }
0x1d3: {  	v46 =	vld.idx.msk [tilespmem:v50+s20+$0x0], $0xffff;
	v48 =	vadd.bf16 v29, v26;
	v57 =	vmul.bf16 v27, v17;
	v30 =	vadd.s32 v24, v42  }
0x1d4: {  	v11 =	vadd.bf16 v25, v11;
	v25 =	vmul.u32 $0x64, v44;
	v16 =	vsub.f32 v16, v19  }
0x1d5: {  	v50 =	vmul.bf16 v45, v12;
	v18 =	vadd.bf16 v22, v18;
	v22 =	vmul.bf16 v43, v17;
	v49 =	vld.idx.msk [tilespmem:v32+s3+$0x0], $0xffff  }
0x1d6: {  	v13 =	vadd.bf16 v57, v13;
	v56 =	vld.idx.msk [tilespmem:v32+s18+$0x0], $0xffff;
	v21 =	vadd.s32 v63, v25;
	v52 =	vsub.f32 $1.000000000e+00, v16  }
0x1d7: {  	v38 =	vld.idx.msk [tilespmem:v32+s19+$0x0], $0xffff;
	v10 =	vmax.bf16 v10, v11;
	v19 =	vadd.bf16 v22, v48;
	v26 =	vmul.f32 v51, v16  }
0x1d8: {  	v23 =	vadd.s32 v24, v25;
	v11 =	vmul.bf16 v46, v12;
	v53 =	vld.idx.msk [tilespmem:v30+s3+$0x0], $0xffff;
	v55 =	vmul.f32 v52, v51  }
0x1d9: {  	v19 =	vadd.bf16 v50, v19;
	v58 =	vld.idx.msk [tilespmem:v30+s18+$0x0], $0xffff;
	v63 =	vpack.i.f32.bf16 v26, v26;
	v26 =	vadd.f32 v34, v4  }
0x1da: {  	v9 =	vmax.bf16 v9, v18;
	v16 =	vmul.f32 v16, v47;
	v28 =	vmul.f32 v52, v47;
	v39 =	vld.idx.msk [tilespmem:v30+s19+$0x0], $0xffff  }
0x1db: {  	v18 =	vpack.i.f32.bf16 v55, v55;
	v14 =	vmax.bf16 v14, v19;
	v41 =	vmax.f32 v26, $0.0e+00;
	v55 =	vld.idx.msk [tilespmem:v30+s20+$0x0], $0xffff  }
0x1dc: {  	v19 =	vmax.f32 v40, $0.0e+00;
	v54 =	vld.idx.msk [tilespmem:v21+s3+$0x0], $0xffff;
	v60 =	vmul.bf16 v49, v18;
	v31 =	vmul.bf16 v56, v18  }
0x1dd: {  	v11 =	vadd.bf16 v11, v13;
	v59 =	vld.idx.msk [tilespmem:v23+s3+$0x0], $0xffff;
	v43 =	vtrunc.f32 v41;
	v44 =	vtrunc.f32 v19  }
0x1de: {  	v25 =	vpack.i.f32.bf16 v28, v28;
	v62 =	vld.idx.msk [tilespmem:v21+s18+$0x0], $0xffff;
	v47 =	vmul.bf16 v38, v18;
	v24 =	vcvt.f32.s32 v43  }
0x1df: {  	v16 =	vpack.i.f32.bf16 v16, v16;
	v33 =	vld.idx.msk [tilespmem:v23+s18+$0x0], $0xffff;
	v46 =	vcvt.f32.s32 v44;
	v61 =	vmul.bf16 v53, v25  }
0x1e0: {  	v11 =	vmax.bf16 v8, v11;
	v49 =	vld.idx.msk [tilespmem:v21+s19+$0x0], $0xffff;
	v17 =	vmul.bf16 v58, v25;
	v13 =	vmul.bf16 v39, v25  }
0x1e1: {  	v51 =	vld.idx.msk [tilespmem:v23+s19+$0x0], $0xffff;
	v48 =	vadd.s32 $0x1, v24;
	v50 =	vadd.s32 $0x1, v46;
	vm14 =	vgt.s32 v24, $0x62  }
0x1e2: {  	v21 =	vld.idx.msk [tilespmem:v21+s20+$0x0], $0xffff;
	v56 =	vcvt.s32.f32 v24;
	vm15 =	vgt.s32 v46, $0x4E;
	v15 =	vadd.bf16 v61, v60  }
0x1e3: {  	v23 =	vld.idx.msk [tilespmem:v23+s20+$0x0], $0xffff;
	v17 =	vadd.bf16 v17, v31;
	vm12 =	vlt.s32 v48, $0x63;
	v13 =	vadd.bf16 v13, v47  }
0x1e4: {  	vm13 =	vlt.s32 v50, $0x4F;
	v20 =	vsel vm14, $0x42C60000, v41;
	v60 =	vmul.bf16 v55, v25  }
0x1e5: {  	v53 =	vld.idx.msk [tilespmem:v32+s20+$0x0], $0xffff;
	v19 =	vsel vm15, $0x429E0000, v19;
	v29 =	vmul.bf16 v54, v63;
	v35 =	vmul.bf16 v59, v16  }
0x1e6: {  	v37 =	vmul.bf16 v62, v63;
	v42 =	vmul.bf16 v33, v16;
	v52 =	vnsel vm12, $0x63, v48  }
0x1e7: {  	v54 =	vmul.u32 $0x64, v46;
	v20 =	vsub.f32 v20, v56;
	v59 =	vmul.bf16 v51, v16  }
0x1e8: {  	v12 =	vmul.bf16 v21, v63;
	v16 =	vmul.bf16 v23, v16;
	v15 =	vadd.bf16 v29, v15  }
0x1e9: {  	v17 =	vadd.bf16 v37, v17;
	v57 =	vadd.s32 v24, v54;
	v28 =	vadd.s32 v52, v54  }
0x1ea: {  	v18 =	vmul.bf16 v53, v18;
	v61 =	vsub.f32 $1.000000000e+00, v20;
	v37 =	vmul.f32 $8.000000000e+00, v7  }
0x1eb: {  	v15 =	vadd.bf16 v35, v15;
	v45 =	vadd.bf16 v42, v17;
	v17 =	vcvt.s32.f32 v46  }
0x1ec: {  	v18 =	vadd.bf16 v60, v18;
	v35 =	vmul.f32 $8.000000000e+00, v5;
	v25 =	vadd.f32 v37, v6  }
0x1ed: {  	v10 =	vmax.bf16 v10, v15;
	v8 =	vmax.bf16 v9, v45;
	v9 =	vmul.bf16 v49, v63  }
0x1ee: {  	v15 =	vnsel vm13, $0x4F, v50;
	v17 =	vsub.f32 v19, v17;
	v25 =	vmax.f32 v25, $0.0e+00;
	v29 =	vld.idx.msk [tilespmem:v57+s3+$0x0], $0xffff  }
0x1ef: {  	v15 =	vmul.u32 $0x64, v15;
	v32 =	vld.idx.msk [tilespmem:v28+s3+$0x0], $0xffff;
	v43 =	vtrunc.f32 v25;
	v9 =	vadd.bf16 v9, v13  }
0x1f0: {  	v39 =	vld.idx.msk [tilespmem:v57+s18+$0x0], $0xffff;
	v62 =	vsub.f32 $1.000000000e+00, v17;
	v36 =	vmul.f32 v61, v17;
	v17 =	vmul.f32 v17, v20  }
0x1f1: {  	v40 =	vld.idx.msk [tilespmem:v28+s18+$0x0], $0xffff;
	v58 =	vadd.s32 v24, v15;
	v24 =	vadd.f32 v35, v4;
	v9 =	vadd.bf16 v59, v9  }
0x1f2: {  	v12 =	vadd.bf16 v12, v18;
	v48 =	vld.idx.msk [tilespmem:v57+s19+$0x0], $0xffff;
	v30 =	vmul.f32 v62, v61;
	v33 =	vmul.f32 v62, v20  }
0x1f3: {  	v63 =	vadd.s32 v52, v15;
	v52 =	vld.idx.msk [tilespmem:v57+s20+$0x0], $0xffff;
	v24 =	vmax.f32 v24, $0.0e+00;
	v9 =	vmax.bf16 v14, v9  }
0x1f4: {  	v21 =	vpack.i.f32.bf16 v30, v30;
	v14 =	vpack.i.f32.bf16 v33, v33;
	v41 =	vtrunc.f32 v24  }
0x1f5: {  	v50 =	vld.idx.msk [tilespmem:v28+s19+$0x0], $0xffff;
	v12 =	vadd.bf16 v16, v12;
	v15 =	vmul.bf16 v29, v21;
	v22 =	vmul.bf16 v32, v14  }
0x1f6: {  	v53 =	vld.idx.msk [tilespmem:v28+s20+$0x0], $0xffff;
	v18 =	vpack.i.f32.bf16 v36, v36;
	v42 =	vcvt.f32.s32 v41;
	v29 =	vcvt.f32.s32 v43  }
0x1f7: {  	v16 =	vpack.i.f32.bf16 v17, v17;
	v26 =	vmul.bf16 v39, v21;
	v27 =	vmul.bf16 v40, v14;
	v34 =	vld.idx.msk [tilespmem:v58+s3+$0x0], $0xffff  }
0x1f8: {  	v11 =	vmax.bf16 v11, v12;
	v54 =	vmul.bf16 v48, v21;
	v38 =	vld.idx.msk [tilespmem:v63+s3+$0x0], $0xffff;
	v21 =	vmul.bf16 v52, v21  }
0x1f9: {  	v44 =	vld.idx.msk [tilespmem:v58+s18+$0x0], $0xffff;
	v15 =	vadd.bf16 v22, v15;
	v45 =	vadd.s32 $0x1, v42;
	v46 =	vadd.s32 $0x1, v29  }
0x1fa: {  	v47 =	vld.idx.msk [tilespmem:v63+s18+$0x0], $0xffff;
	vm6 =	vgt.s32 v42, $0x62;
	v49 =	vmul.u32 $0x64, v29;
	v26 =	vadd.bf16 v27, v26  }
0x1fb: {  	v35 =	vld.idx.msk [tilespmem:v58+s19+$0x0], $0xffff;
	v36 =	vcvt.s32.f32 v42;
	vm7 =	vgt.s32 v29, $0x4E;
	v29 =	vcvt.s32.f32 v29  }
0x1fc: {  	v19 =	vld.idx.msk [tilespmem:v58+s20+$0x0], $0xffff;
	v27 =	vmul.bf16 v50, v14;
	v14 =	vmul.bf16 v53, v14;
	vm4 =	vlt.s32 v45, $0x63  }
0x1fd: {  	v13 =	vld.idx.msk [tilespmem:v63+s20+$0x0], $0xffff;
	vm5 =	vlt.s32 v46, $0x4F;
	v24 =	vsel vm6, $0x42C60000, v24;
	v51 =	vsel vm7, $0x429E0000, v25  }
0x1fe: {  	v30 =	vnsel vm5, $0x4F, v46;
	v37 =	vadd.s32 v42, v49;
	v24 =	vsub.f32 v24, v36  }
0x1ff: {  	v59 =	vadd.bf16 v27, v54;
	v14 =	vadd.bf16 v14, v21;
	v23 =	vmul.bf16 v34, v18  }
0x200: {  	v30 =	vmul.u32 $0x64, v30;
	v20 =	vmul.bf16 v38, v16;
	v17 =	vmul.bf16 v44, v18  }
0x201: {  	v55 =	vmul.bf16 v47, v16;
	v56 =	vsub.f32 $1.000000000e+00, v24;
	v60 =	vmul.bf16 v35, v18  }
0x202: {  	v18 =	vmul.bf16 v19, v18;
	v13 =	vmul.bf16 v13, v16;
	v22 =	vadd.s32 v42, v30  }
0x203: {  	v38 =	vld.idx.msk [tilespmem:v63+s19+$0x0], $0xffff;
	v15 =	vadd.bf16 v23, v15;
	v23 =	vnsel vm4, $0x63, v45;
	v17 =	vadd.bf16 v17, v26  }
0x204: {  	v12 =	vadd.bf16 v60, v59;
	v14 =	vadd.bf16 v18, v14;
	v34 =	vadd.s32 v23, v49  }
0x205: {  	v23 =	vadd.s32 v23, v30;
	v58 =	vld.idx.msk [tilespmem:v37+s3+$0x0], $0xffff;
	v49 =	vmul.f32 $9.000000000e+00, v5;
	v15 =	vadd.bf16 v20, v15  }
0x206: {  	v40 =	vld.idx.msk [tilespmem:v37+s18+$0x0], $0xffff;
	v5 =	vmul.f32 $1.000000000e+01, v5;
	v20 =	vsub.f32 v51, v29;
	v62 =	vadd.bf16 v55, v17  }
0x207: {  	v48 =	vld.idx.msk [tilespmem:v37+s19+$0x0], $0xffff;
	v13 =	vadd.bf16 v13, v14;
	v51 =	vmul.f32 $9.000000000e+00, v7;
	v7 =	vmul.f32 $1.000000000e+01, v7  }
0x208: {  	v33 =	vmul.bf16 v38, v16;
	v54 =	vadd.f32 v49, v4;
	v4 =	vadd.f32 v5, v4;
	v36 =	vld.idx.msk [tilespmem:v22+s3+$0x0], $0xffff  }
0x209: {  	v57 =	vsub.f32 $1.000000000e+00, v20;
	v10 =	vmax.bf16 v10, v15;
	v39 =	vmul.f32 v56, v20;
	v45 =	vld.idx.msk [tilespmem:v22+s18+$0x0], $0xffff  }
0x20a: {  	v20 =	vmul.f32 v20, v24;
	v8 =	vmax.bf16 v8, v62;
	v11 =	vmax.bf16 v11, v13;
	v61 =	vld.idx.msk [tilespmem:v34+s3+$0x0], $0xffff  }
0x20b: {  	v12 =	vadd.bf16 v33, v12;
	v4 =	vmax.f32 v4, $0.0e+00;
	v63 =	vmul.f32 v57, v56;
	v38 =	vld.idx.msk [tilespmem:v23+s3+$0x0], $0xffff  }
0x20c: {  	v35 =	vmul.f32 v57, v24;
	v42 =	vld.idx.msk [tilespmem:v34+s18+$0x0], $0xffff;
	v19 =	vpack.i.f32.bf16 v39, v39;
	v20 =	vpack.i.f32.bf16 v20, v20  }
0x20d: {  	v53 =	vld.idx.msk [tilespmem:v34+s19+$0x0], $0xffff;
	v56 =	vadd.f32 v51, v6;
	v6 =	vadd.f32 v7, v6;
	v17 =	vpack.i.f32.bf16 v63, v63  }
0x20e: {  	v47 =	vld.idx.msk [tilespmem:v23+s18+$0x0], $0xffff;
	v26 =	vpack.i.f32.bf16 v35, v35;
	v41 =	vmul.bf16 v58, v17;
	v44 =	vmul.bf16 v36, v19  }
0x20f: {  	v9 =	vmax.bf16 v9, v12;
	v24 =	vmul.bf16 v40, v17;
	v28 =	vmul.bf16 v61, v26  }
0x210: {  	v14 =	vmax.f32 v56, $0.0e+00;
	v57 =	vmul.bf16 v45, v19;
	v25 =	vmul.bf16 v48, v17  }
0x211: {  	v58 =	vld.idx.msk [tilespmem:v22+s19+$0x0], $0xffff;
	v46 =	vmul.bf16 v38, v20;
	v50 =	vmul.bf16 v42, v26;
	v43 =	vadd.bf16 v28, v41  }
0x212: {  	v6 =	vmax.f32 v6, $0.0e+00;
	v61 =	vtrunc.f32 v14;
	v62 =	vmul.bf16 v53, v26  }
0x213: {  	v18 =	vmul.bf16 v47, v20;
	v63 =	vcvt.f32.s32 v61;
	v21 =	vadd.bf16 v44, v43  }
0x214: {  	v22 =	vld.idx.msk [tilespmem:v22+s20+$0x0], $0xffff;
	v61 =	vtrunc.f32 v4;
	v55 =	vadd.bf16 v50, v24;
	v13 =	vadd.bf16 v62, v25  }
0x215: {  	v39 =	vld.idx.msk [tilespmem:v34+s20+$0x0], $0xffff;
	v36 =	vadd.s32 $0x1, v63;
	v52 =	vadd.bf16 v46, v21;
	v21 =	vmax.f32 v54, $0.0e+00  }
0x216: {  	v38 =	vld.idx.msk [tilespmem:v37+s20+$0x0], $0xffff;
	v27 =	vmul.bf16 v58, v19;
	vm9 =	vlt.s32 v36, $0x4F;
	v59 =	vtrunc.f32 v21  }
0x217: {  	v42 =	vld.idx.msk [tilespmem:v23+s20+$0x0], $0xffff;
	v40 =	vmul.u32 $0x64, v63;
	v25 =	vnsel vm9, $0x4F, v36;
	v60 =	vcvt.f32.s32 v59  }
0x218: {  	v35 =	vld.idx.msk [tilespmem:v23+s19+$0x0], $0xffff;
	vm11 =	vgt.s32 v63, $0x4E;
	v16 =	vcvt.s32.f32 v63;
	v25 =	vmul.u32 $0x64, v25  }
0x219: {  	v47 =	vmul.bf16 v22, v19;
	v12 =	vadd.bf16 v57, v55;
	v31 =	vadd.s32 v60, v40  }
0x21a: {  	v14 =	vsel vm11, $0x429E0000, v14;
	v43 =	vmul.bf16 v39, v26;
	v24 =	vadd.s32 v60, v25  }
0x21b: {  	v26 =	vcvt.f32.s32 v61;
	v13 =	vadd.bf16 v27, v13;
	v14 =	vsub.f32 v14, v16  }
0x21c: {  	v17 =	vmul.bf16 v38, v17;
	v16 =	vmul.bf16 v42, v20;
	v12 =	vadd.bf16 v18, v12  }
0x21d: {  	v18 =	vmul.bf16 v35, v20;
	v38 =	vadd.s32 $0x1, v26;
	vm14 =	vgt.s32 v26, $0x62  }
0x21e: {  	v45 =	vsub.f32 $1.000000000e+00, v14;
	v46 =	vadd.bf16 v43, v17;
	v33 =	vadd.s32 $0x1, v60;
	v48 =	vld.idx.msk [tilespmem:v31+s3+$0x0], $0xffff  }
0x21f: {  	vm13 =	vlt.s32 v38, $0x63;
	v10 =	vmax.bf16 v10, v52;
	vm8 =	vlt.s32 v33, $0x63;
	v52 =	vld.idx.msk [tilespmem:v24+s3+$0x0], $0xffff  }
0x220: {  	v4 =	vsel vm14, $0x42C60000, v4;
	v8 =	vmax.bf16 v8, v12;
	v15 =	vnsel vm8, $0x63, v33;
	v56 =	vld.idx.msk [tilespmem:v31+s18+$0x0], $0xffff  }
0x221: {  	vm10 =	vgt.s32 v60, $0x62;
	v41 =	vcvt.s32.f32 v60;
	v30 =	vadd.s32 v15, v40;
	v60 =	vld.idx.msk [tilespmem:v24+s18+$0x0], $0xffff  }
0x222: {  	v13 =	vadd.bf16 v18, v13;
	v21 =	vsel vm10, $0x42C60000, v21;
	v15 =	vadd.s32 v15, v25;
	v63 =	vld.idx.msk [tilespmem:v31+s19+$0x0], $0xffff  }
0x223: {  	v59 =	vtrunc.f32 v6;
	v12 =	vadd.bf16 v47, v46;
	v21 =	vsub.f32 v21, v41;
	v40 =	vld.idx.msk [tilespmem:v24+s19+$0x0], $0xffff  }
0x224: {  	v29 =	vnsel vm13, $0x63, v38;
	v9 =	vmax.bf16 v9, v13;
	v25 =	vcvt.f32.s32 v59;
	v31 =	vld.idx.msk [tilespmem:v31+s20+$0x0], $0xffff  }
0x225: {  	v12 =	vadd.bf16 v16, v12;
	v44 =	vsub.f32 $1.000000000e+00, v21;
	v51 =	vmul.f32 v45, v21;
	v24 =	vld.idx.msk [tilespmem:v24+s20+$0x0], $0xffff  }
0x226: {  	v5 =	vmul.f32 v14, v21;
	v36 =	vadd.s32 $0x1, v25;
	v39 =	vmul.u32 $0x64, v25;
	v50 =	vld.idx.msk [tilespmem:v30+s3+$0x0], $0xffff  }
0x227: {  	vm15 =	vgt.s32 v25, $0x4E;
	v49 =	vmul.f32 v45, v44;
	v7 =	vpack.i.f32.bf16 v51, v51;
	v54 =	vld.idx.msk [tilespmem:v15+s3+$0x0], $0xffff  }
0x228: {  	v53 =	vmul.f32 v44, v14;
	v5 =	vpack.i.f32.bf16 v5, v5;
	vm12 =	vlt.s32 v36, $0x4F;
	v58 =	vld.idx.msk [tilespmem:v30+s18+$0x0], $0xffff  }
0x229: {  	v27 =	vnsel vm12, $0x4F, v36;
	v35 =	vadd.s32 v26, v39;
	v32 =	vadd.s32 v29, v39;
	v62 =	vld.idx.msk [tilespmem:v15+s18+$0x0], $0xffff  }
0x22a: {  	v18 =	vpack.i.f32.bf16 v49, v49;
	v16 =	vpack.i.f32.bf16 v53, v53;
	v37 =	vld.idx.msk [tilespmem:v30+s19+$0x0], $0xffff;
	v49 =	vcvt.s32.f32 v25  }
0x22b: {  	v41 =	vld.idx.msk [tilespmem:v15+s19+$0x0], $0xffff;
	v27 =	vmul.u32 $0x64, v27;
	v55 =	vmul.bf16 v48, v18;
	v20 =	vmul.bf16 v52, v16  }
0x22c: {  	v6 =	vsel vm15, $0x429E0000, v6;
	v43 =	vld.idx.msk [tilespmem:v30+s20+$0x0], $0xffff;
	v19 =	vmul.bf16 v56, v18;
	v13 =	vmul.bf16 v60, v16  }
0x22d: {  	v45 =	vld.idx.msk [tilespmem:v15+s20+$0x0], $0xffff;
	v30 =	vadd.s32 v26, v27;
	v48 =	vcvt.s32.f32 v26;
	v21 =	vmul.bf16 v63, v18  }
0x22e: {  	v6 =	vsub.f32 v6, v49;
	v61 =	vmul.bf16 v31, v18;
	v36 =	vmul.bf16 v24, v16;
	v47 =	vld.idx.msk [tilespmem:v35+s3+$0x0], $0xffff  }
0x22f: {  	v4 =	vsub.f32 v4, v48;
	v56 =	vld.idx.msk [tilespmem:v35+s18+$0x0], $0xffff;
	v57 =	vmul.bf16 v50, v7;
	v22 =	vmul.bf16 v58, v7  }
0x230: {  	v59 =	vsub.f32 $1.000000000e+00, v6;
	v60 =	vld.idx.msk [tilespmem:v32+s18+$0x0], $0xffff;
	v42 =	vmul.bf16 v54, v5;
	v46 =	vmul.bf16 v62, v5  }
0x231: {  	v11 =	vmax.bf16 v11, v12;
	v49 =	vld.idx.msk [tilespmem:v32+s20+$0x0], $0xffff;
	v51 =	vmul.bf16 v37, v7;
	v7 =	vmul.bf16 v43, v7  }
0x232: {  	v50 =	vld.idx.msk [tilespmem:v32+s3+$0x0], $0xffff;
	v58 =	vsub.f32 $1.000000000e+00, v4;
	v33 =	vmul.f32 v59, v4;
	v4 =	vmul.f32 v6, v4  }
0x233: {  	v37 =	vld.idx.msk [tilespmem:v35+s19+$0x0], $0xffff;
	v14 =	vadd.bf16 v57, v55;
	v19 =	vadd.bf16 v22, v19;
	v22 =	vadd.s32 v29, v27  }
0x234: {  	v52 =	vld.idx.msk [tilespmem:v30+s3+$0x0], $0xffff;
	v54 =	vadd.bf16 v51, v21;
	v55 =	vmul.bf16 v40, v16;
	v57 =	vmul.bf16 v41, v5  }
0x235: {  	v62 =	vld.idx.msk [tilespmem:v30+s18+$0x0], $0xffff;
	v7 =	vadd.bf16 v7, v61;
	v5 =	vmul.bf16 v45, v5;
	v63 =	vmul.f32 v59, v58  }
0x236: {  	v41 =	vld.idx.msk [tilespmem:v32+s19+$0x0], $0xffff;
	v39 =	vpack.i.f32.bf16 v33, v33;
	v40 =	vmul.f32 v58, v6;
	v14 =	vadd.bf16 v20, v14  }
0x237: {  	v43 =	vld.idx.msk [tilespmem:v30+s19+$0x0], $0xffff;
	v4 =	vpack.i.f32.bf16 v4, v4;
	v13 =	vadd.bf16 v13, v19;
	v15 =	vadd.bf16 v55, v54  }
0x238: {  	v51 =	vld.idx.msk [tilespmem:v30+s20+$0x0], $0xffff;
	v7 =	vadd.bf16 v36, v7;
	v45 =	vmul.bf16 v60, v39;
	v55 =	vmul.bf16 v49, v39  }
0x239: {  	v38 =	vpack.i.f32.bf16 v63, v63;
	v48 =	vpack.i.f32.bf16 v40, v40;
	v44 =	vadd.bf16 v42, v14;
	v53 =	vld.idx.msk [tilespmem:v22+s3+$0x0], $0xffff  }
0x23a: {  	v13 =	vadd.bf16 v46, v13;
	v17 =	vmul.bf16 v47, v38;
	v42 =	vmul.bf16 v50, v39;
	v34 =	vld.idx.msk [tilespmem:v22+s18+$0x0], $0xffff  }
0x23b: {  	v46 =	vld.idx.msk [tilespmem:v35+s20+$0x0], $0xffff;
	v14 =	vmul.bf16 v37, v38;
	v10 =	vmax.bf16 v10, v44;
	v44 =	vmul.bf16 v56, v38  }
0x23c: {  	v23 =	vmul.bf16 v52, v48;
	v18 =	vmul.bf16 v62, v48;
	v50 =	vld.idx.msk [tilespmem:v22+s19+$0x0], $0xffff;
	v47 =	vadd.bf16 v42, v17  }
0x23d: {  	v24 =	vmul.bf16 v41, v39;
	v8 =	vmax.bf16 v8, v13;
	v13 =	vadd.bf16 v45, v44  }
0x23e: {  	v15 =	vadd.bf16 v57, v15;
	v22 =	vld.idx.msk [tilespmem:v22+s20+$0x0], $0xffff;
	v6 =	vadd.bf16 v23, v47;
	v12 =	vmul.bf16 v53, v4  }
0x23f: {  	v14 =	vadd.bf16 v24, v14;
	v13 =	vadd.bf16 v18, v13;
	v52 =	vmul.bf16 v34, v4  }
0x240: {  	v54 =	vmul.bf16 v46, v38;
	v53 =	vmul.bf16 v43, v48;
	v6 =	vadd.bf16 v12, v6  }
0x241: {  	v58 =	vmul.bf16 v51, v48;
	v56 =	vmul.bf16 v50, v4;
	v13 =	vadd.bf16 v52, v13  }
0x242: {  	v57 =	vadd.bf16 v55, v54;
	v14 =	vadd.bf16 v53, v14;
	v6 =	vmax.bf16 v10, v6  }
0x243: {  	v4 =	vmul.bf16 v22, v4;
	v8 =	vmax.bf16 v8, v13;
	v60 =	vunpack.i.l.bf16.f32 v6  }
0x244: {  	v59 =	vadd.bf16 v56, v14;
	v10 =	vadd.bf16 v58, v57;
	v6 =	vunpack.i.u.bf16.f32 v6;
	[tilespmem:s28+$0x13B00] =	vst v60  }
0x245: {  	v5 =	vadd.bf16 v5, v7;
	v9 =	vmax.bf16 v9, v15;
	v61 =	vunpack.i.l.bf16.f32 v8;
	[tilespmem:s28+$0x142D0] =	vst v6  }
0x246: {  	p0 =	sne.s32 s26, $0x1F00;
	v8 =	vunpack.i.u.bf16.f32 v8;
	v62 =	vmax.bf16 v9, v59;
	v4 =	vadd.bf16 v4, v10;
	[tilespmem:s28+$0x14AA0] =	vst v61  }
.Ltmp4:
0x247: {  	v5 =	vmax.bf16 v11, v5;
	[tilespmem:s28+$0x15270] =	vst v8;
	v63 =	vunpack.i.l.bf16.f32 v62;
	(pc) =	sbr.rel @p0 .LBB2_11-.Ltmp4, $4  }
0x248: {  	v4 =	vmax.bf16 v5, v4;
	v5 =	vunpack.i.u.bf16.f32 v62;
	[tilespmem:s28+$0x15A40] =	vst v63  }
0x249: {  	[tilespmem:s28+$0x16210] =	vst v5;
	v5 =	vunpack.i.l.bf16.f32 v4  }
0x24a: {  	v4 =	vunpack.i.u.bf16.f32 v4;
	[tilespmem:s28+$0x169E0] =	vst v5  }
0x24b: {  	s26 =	sadd.s32 $0x40, s26;
	[tilespmem:s28+$0x171B0] =	vst v4  }
0x24c: {  	s26 =	smul.u32 $0x7D0, s24;
	_ =	sdelay $0x1  }
0x24d: {  	s24 =	sadd.s32 $0x1, s24;
	s26 =	sadd.s32 s13, s26  }
0x24e: {  	p0 =	sne.s32 s24, $0x4;
	s26 =	sshrl.u32 s26, $0x3  }
.Ltmp5:
0x24f: {  	s26 =	sadd.s32 s2, s26;
	(pc) =	sbr.rel @p0 .LBB2_10-.Ltmp5, $4  }
0x250: {  	[hbm4b:s26+s21] =	stream.strided.scatter [tilespmem:s22], [sflag:$0x1], $0x3E80, s18, s21, $0x38;
	[tilespmem:$0x17980] =	vst v63  }
0x251: {  	_ =	swait.ge [sflag:s16], $0x3E80  }
0x252: {  	[sflag:s16] =	ssyncset.done $0x0  }
0x253: {  	s25 =	sadd.s32 $0x7D0, s25;
	[sflag:s16] =	ssyncadd.s32 $0xFFFFC180  }
0x254: {  	s23 =	sadd.s32 $0x1, s23  }
0x255: {  	p0 =	sne.s32 s23, s14  }
.Ltmp6:
0x256: {  	_ = 	snop;
	(pc) =	sbr.rel @p0 .LBB2_1-.Ltmp6, $1  }
0x257: {  	_ =	sdelay $0x3  }
0x258: {  	_ =	sfence.sel $0x180000  }
0x259: {  	[bflag:$0x0] =	sbarrier.arrive $0xFFFF  }
0x25a: {  	p0 =	sne.s32 s0, $0x0;
	_ =	strace $0x90000047  }
0x25b: {  	s0 =	sadd.s32 @!p0 $0x100000, s1;
	[bflag:$0x2] =	sbarrier.arrive $0xFFFF  }
0x25c: {  	[sflag:s0] =	ssyncadd.tile.s32 @!p0 $0x1;
	_ =	shalt  }
.Lfunc_end2:
_tile_overlayer_lowered:
.L_overlay_start_2:
0x25d: {  	(tag) =	ssettag $0x2  }
0x25e: {  	s0 =	rddreg [dreg:$0x0];
	s2 =	stileid.u32  }
0x25f: {  	s1 =	rddreg [dreg:$0x1];
	p0 =	sne.s32 s2, $0x0  }
0x260: {  	s3 =	rddreg [dreg:$0x2];
	[bflag:$0x3] =	sbarrier.arrive $0xFFFF;
	s2 =	simm.s32 @!p0 $0x1C01  }
0x261: {  	[timem:s3], [sflag:s2] =	dma.local @!p0 [hbm:s0], s1  }
0x262: {  	s0 =	simm.s32 @!p0 $0x1  }
0x263: {  	_ =	swait.ge @!p0 [sflag:s0], s1  }
0x264: {  	s1 =	ssub.s32 @!p0 $0x0, s1;
	[sflag:s0] =	ssyncset.done @!p0 $0x0  }
0x265: {  	[sflag:s0] =	ssyncadd.s32 @!p0 s1  }
0x266: {  	[bflag:$0x3] =	sbarrier.arrive $0xFFFF  }
0x267: {  	_ =	shalt  }

</sc_bundles>
